<compile_context>
chip_gen: v7x
topology: tpu7x:2x2x1
jax: 0.10.2.dev20260603
libtpu: 0.0.44.dev20260713+nightly
codegen_flags: <defaults>
</compile_context>

<pallas_src>
import functools

import jax
import jax.numpy as jnp
from jax import lax
from jax.experimental import pallas as pl
from jax.experimental.pallas import tpu as pltpu
from jax.experimental.pallas import tpu_sc as plsc

N = 51200
E = 614400
D = 128
NPG = 32
BS = N // NPG
HID = 1024
NC = 10

NSUB = 16
NCHUNK = 4
PASSES = NCHUNK // 2
CHUNK = N // NCHUNK
TRASH = CHUNK
ACC_ROWS = CHUNK + 8
EPW = E // NSUB
BLK = 3840
NBLK = EPW // BLK
BATCH = 64
NSLOT = 2
CLIST = BLK + BATCH
STRIPE = CHUNK // NSUB

_mesh = plsc.VectorSubcoreMesh(core_axis_name="c", subcore_axis_name="s")


@functools.partial(
    pl.kernel,
    mesh=_mesh,
    out_type=jax.ShapeDtypeStruct((N, D), jnp.float32),
    compiler_params=pltpu.CompilerParams(needs_layout_passes=False),
    scratch_types=[
        pltpu.VMEM((CLIST,), jnp.int32),
        pltpu.VMEM((CLIST,), jnp.int32),
        [pltpu.VMEM((BATCH,), jnp.int32) for _ in range(NSLOT)],
        [pltpu.VMEM((BATCH,), jnp.int32) for _ in range(NSLOT)],
        [pltpu.VMEM((BATCH, D), jnp.float32) for _ in range(NSLOT)],
        [pltpu.SemaphoreType.DMA for _ in range(NSLOT)],
        [pltpu.SemaphoreType.DMA for _ in range(NSLOT)],
        pltpu.VMEM_SHARED((ACC_ROWS, D), jnp.float32),
    ],
)
def _agg_kernel(x_hbm, ei_hbm, zeros_hbm, out_hbm,
                src_blk, dst_blk, src_bufs, ldst_bufs, rows_bufs,
                gsems, ssems, acc):
    c = lax.axis_index("c")
    s = lax.axis_index("s")

    for p in range(PASSES):
        chunk = c * PASSES + p
        lo = chunk * CHUNK

        pltpu.sync_copy(zeros_hbm, acc.at[pl.ds(s * STRIPE, STRIPE)])
        plsc.subcore_barrier()

        def block_body(b, _, lo=lo):
            base_e = s * EPW + b * BLK
            pltpu.sync_copy(ei_hbm.at[0, pl.ds(base_e, BLK)],
                            src_blk.at[pl.ds(0, BLK)])
            pltpu.sync_copy(ei_hbm.at[1, pl.ds(base_e, BLK)],
                            dst_blk.at[pl.ds(0, BLK)])

            def comp_body(i, cnt):
                s_v = src_blk[pl.ds(i * 16, 16)]
                d_v = dst_blk[pl.ds(i * 16, 16)]
                ld = d_v - lo
                m = ld.astype(jnp.uint32) < jnp.uint32(CHUNK)
                mi = m.astype(jnp.int32)
                inc = plsc.cumsum(mi)
                pos = cnt + inc - 1
                plsc.store_scatter(src_blk, [pos], s_v, mask=m)
                plsc.store_scatter(dst_blk, [pos], ld, mask=m)
                return cnt + inc[15]

            cnt = lax.fori_loop(0, BLK // 16, comp_body, jnp.int32(0),
                                unroll=4)

            lane = lax.iota(jnp.int32, 16)
            for k in range(BATCH // 16):
                src_blk[pl.ds(cnt + k * 16, 16)] = lane + (16 * k)
                dst_blk[pl.ds(cnt + k * 16, 16)] = (lane & 7) + TRASH

            nb = (cnt + BATCH - 1) // BATCH
            ng = (nb + NSLOT - 1) // NSLOT

            def group_body(g, _):
                for k in range(NSLOT):
                    j = g * NSLOT + k

                    @pl.when((j < nb) & (g > 0))
                    def _(j=j, k=k):
                        pltpu.make_async_copy(rows_bufs[k], acc.at[ldst_bufs[k]],
                                              ssems[k]).wait()

                for k in range(NSLOT):
                    j = g * NSLOT + k

                    @pl.when(j < nb)
                    def _(j=j, k=k):
                        for q in range(BATCH // 16):
                            src_bufs[k][pl.ds(q * 16, 16)] = (
                                src_blk[pl.ds(j * BATCH + q * 16, 16)])
                            ldst_bufs[k][pl.ds(q * 16, 16)] = (
                                dst_blk[pl.ds(j * BATCH + q * 16, 16)])
                        pltpu.async_copy(x_hbm.at[src_bufs[k]], rows_bufs[k],
                                         gsems[k])

                for k in range(NSLOT):
                    j = g * NSLOT + k

                    @pl.when(j < nb)
                    def _(j=j, k=k):
                        pltpu.make_async_copy(
                            x_hbm.at[src_bufs[k]], rows_bufs[k], gsems[k]
                        ).wait()
                        pltpu.async_copy(rows_bufs[k], acc.at[ldst_bufs[k]],
                                         ssems[k], add=True)
                return 0

            lax.fori_loop(0, ng, group_body, 0)
            for k in range(NSLOT):
                @pl.when(nb > k)
                def _(k=k):
                    pltpu.make_async_copy(rows_bufs[k], acc.at[ldst_bufs[k]],
                                          ssems[k]).wait()
            return 0

        lax.fori_loop(0, NBLK, block_body, 0)
        plsc.subcore_barrier()

        pltpu.sync_copy(acc.at[pl.ds(s * STRIPE, STRIPE)],
                        out_hbm.at[pl.ds(lo + s * STRIPE, STRIPE)])
        plsc.subcore_barrier()


ROWS_A = 1024


def _stage_a_body(x_ref, a_ref, w_ref, b_ref, o_ref):
    h = x_ref[...] + a_ref[...]
    h = jnp.dot(h, w_ref[...], preferred_element_type=jnp.float32) + b_ref[...]
    o_ref[...] = jnp.maximum(h, 0.0)


_stage_a = pl.pallas_call(
    _stage_a_body,
    grid=(N // ROWS_A,),
    in_specs=[
        pl.BlockSpec((ROWS_A, D), lambda i: (i, 0)),
        pl.BlockSpec((ROWS_A, D), lambda i: (i, 0)),
        pl.BlockSpec((D, D), lambda i: (0, 0)),
        pl.BlockSpec((1, D), lambda i: (0, 0)),
    ],
    out_specs=pl.BlockSpec((ROWS_A, D), lambda i: (i, 0)),
    out_shape=jax.ShapeDtypeStruct((N, D), jnp.float32),
)

GB = 200


def _stage_b_body(h_ref, w1_ref, b1_ref, w2_ref, b2_ref, o_ref):
    h1 = jnp.dot(h_ref[...], w1_ref[...], preferred_element_type=jnp.float32)
    h1 = jnp.maximum(h1 + b1_ref[...], 0.0)
    z = jnp.dot(h1, w2_ref[...], preferred_element_type=jnp.float32) + b2_ref[...]
    z = z - jnp.max(z, axis=-1, keepdims=True)
    ez = jnp.exp(z)
    o_ref[...] = ez / jnp.sum(ez, axis=-1, keepdims=True)


_stage_b = pl.pallas_call(
    _stage_b_body,
    grid=(BS // GB,),
    in_specs=[
        pl.BlockSpec((GB, D * NPG), lambda i: (i, 0)),
        pl.BlockSpec((D * NPG, HID), lambda i: (0, 0)),
        pl.BlockSpec((1, HID), lambda i: (0, 0)),
        pl.BlockSpec((HID, NC), lambda i: (0, 0)),
        pl.BlockSpec((1, NC), lambda i: (0, 0)),
    ],
    out_specs=pl.BlockSpec((GB, NC), lambda i: (i, 0)),
    out_shape=jax.ShapeDtypeStruct((BS, NC), jnp.float32),
)


def kernel(x, edge_index, edge_attr, batch, W_gin, b_gin, W1, b1, W2, b2):
    zeros = jnp.zeros((STRIPE, D), jnp.float32)
    agg = _agg_kernel(x, edge_index, zeros)
    h = _stage_a(x, agg, W_gin.T, b_gin.reshape(1, D))
    hflat = h.reshape(BS, D * NPG)
    w1qt = jnp.transpose(W1.reshape(HID, D, NPG), (2, 1, 0)).reshape(D * NPG, HID)
    return _stage_b(hflat, w1qt, b1.reshape(1, HID), W2.T, b2.reshape(1, NC))

# --- scband reference (transcript-rebuilt; emitter-appended) ---
"""Pipeline reference for scband-gin-17128329576798 (READ-ONLY COPY).

The authoritative reference and input builder live on the scoring server;
editing this copy changes nothing except your own understanding.
"""

import jax, jax.numpy as jnp
import numpy as np

N = 51200
E = 614400
D = 128
NODES_PER_GRAPH = 32
BS = N // NODES_PER_GRAPH  # 1600
HID = 1024
NC = 10


def setup_inputs(seed: int = 0) -> dict:
    key = jax.random.key(seed)
    ks = jax.random.split(key, 10)
    x = jax.random.normal(ks[0], (N, D), dtype=jnp.float32)
    edge_index = jax.random.randint(ks[1], (2, E), 0, N, dtype=jnp.int32)
    edge_attr = jax.random.normal(ks[2], (E, 4), dtype=jnp.float32)
    batch = jnp.repeat(jnp.arange(BS, dtype=jnp.int32), NODES_PER_GRAPH)
    # GINConv inner nn: Linear(D, D)
    W_gin = jax.random.normal(ks[3], (D, D), dtype=jnp.float32) * (1.0 / np.sqrt(D))
    b_gin = jnp.zeros((D,), dtype=jnp.float32)
    # lin1: Linear(D*32, HID)
    W1 = jax.random.normal(ks[4], (HID, D * NODES_PER_GRAPH), dtype=jnp.float32) * (1.0 / np.sqrt(D * NODES_PER_GRAPH))
    b1 = jnp.zeros((HID,), dtype=jnp.float32)
    # lin2: Linear(HID, NC)
    W2 = jax.random.normal(ks[5], (NC, HID), dtype=jnp.float32) * (1.0 / np.sqrt(HID))
    b2 = jnp.zeros((NC,), dtype=jnp.float32)
    return {"x": x, "edge_index": edge_index, "edge_attr": edge_attr, "batch": batch,
            "W_gin": W_gin, "b_gin": b_gin, "W1": W1, "b1": b1, "W2": W2, "b2": b2}


def reference(x, edge_index, edge_attr, batch, W_gin, b_gin, W1, b1, W2, b2):
    # GINConv with eps=0: h = nn((1+eps)*x + sum_{j in N(i)} x_j)
    src = edge_index[0]
    dst = edge_index[1]
    msgs = jnp.take(x, src, axis=0)                      # gather  [E, D]
    agg = jax.ops.segment_sum(msgs, dst, num_segments=x.shape[0])  # scatter-add [N, D]
    h = x + agg
    h = h @ W_gin.T + b_gin
    # act
    h = jax.nn.relu(h)
    # rearrange '(bs e) f -> bs (f e)' with e=32
    bs = x.shape[0] // NODES_PER_GRAPH
    h = h.reshape(bs, NODES_PER_GRAPH, D).transpose(0, 2, 1).reshape(bs, D * NODES_PER_GRAPH)
    h = h @ W1.T + b1
    # dropout: eval mode -> identity
    h = jax.nn.relu(h)
    h = h @ W2.T + b2
    return jax.nn.softmax(h, axis=-1)

if __name__ == "__main__":
    import jax
    _d = setup_inputs()
    print(jax.jit(kernel)(*tuple(_d.values())))

</pallas_src>

<mosaic_0001>
#map = affine_map<(d0, d1) -> (0, 0)>
module attributes {stable_mosaic.version = 14 : i64} {
  func.func @_agg_kernel(%arg0: i32, %arg1: i32, %arg2: memref<51200x128xf32, #tpu.memory_space<hbm>>, %arg3: memref<2x614400xi32, #tpu.memory_space<hbm>>, %arg4: memref<800x128xf32, #tpu.memory_space<hbm>>, %arg5: memref<51200x128xf32, #tpu.memory_space<hbm>>, %arg6: memref<3904xi32, #tpu.memory_space<vmem>>, %arg7: memref<3904xi32, #tpu.memory_space<vmem>>, %arg8: memref<64xi32, #tpu.memory_space<vmem>>, %arg9: memref<64xi32, #tpu.memory_space<vmem>>, %arg10: memref<64xi32, #tpu.memory_space<vmem>>, %arg11: memref<64xi32, #tpu.memory_space<vmem>>, %arg12: memref<64x128xf32, #tpu.memory_space<vmem>>, %arg13: memref<64x128xf32, #tpu.memory_space<vmem>>, %arg14: memref<!tpu.dma_semaphore, #tpu.memory_space<semaphore_mem>>, %arg15: memref<!tpu.dma_semaphore, #tpu.memory_space<semaphore_mem>>, %arg16: memref<!tpu.dma_semaphore, #tpu.memory_space<semaphore_mem>>, %arg17: memref<!tpu.dma_semaphore, #tpu.memory_space<semaphore_mem>>, %arg18: memref<12808x128xf32, #tpu.memory_space<vmem_shared>>) attributes {dimension_semantics = [#tpu.dimension_semantics<core_parallel>, #tpu.dimension_semantics<subcore_parallel>], iteration_bounds = array<i64: 2, 16>, scalar_prefetch = 0 : i64, scratch_operands = 13 : i64, tpu.core_type = #tpu.core_type<sc_vector_subcore>, window_params = [{transform_indices = #map}, {transform_indices = #map}, {transform_indices = #map}, {transform_indices = #map}]} {
    %mul3A = arith.constant 2 : i32
    %mul3A_0 = arith.muli %arg0, %mul3A : i32
    %add3A = arith.constant 0 : i32
    %add3A_1 = arith.addi %mul3A_0, %add3A : i32
    %mul3A_2 = arith.constant 12800 : i32
    %mul3A_3 = arith.muli %add3A_1, %mul3A_2 : i32
    %mul3A_4 = arith.constant 800 : i32
    %mul3A_5 = arith.muli %arg1, %mul3A_4 : i32
    "tpu.region"() ({
      %run_scoped3A = tpu.sem_alloc : memref<!tpu.dma_semaphore, #tpu.memory_space<semaphore_mem>>
      %dma_start3A = arith.constant 0 : i32
      %dma_start3A_42 = tpu.memref_slice %arg18[%mul3A_5, %dma_start3A] : memref<12808x128xf32, #tpu.memory_space<vmem_shared>> -> memref<800x128xf32, #tpu.memory_space<vmem_shared>>
      tpu.enqueue_dma source(%arg4 : memref<800x128xf32, #tpu.memory_space<hbm>>) target(%dma_start3A_42 : memref<800x128xf32, #tpu.memory_space<vmem_shared>>) target_semaphore(%run_scoped3A : memref<!tpu.dma_semaphore, #tpu.memory_space<semaphore_mem>>)
      %dma_wait3A = arith.constant 0 : i32
      %dma_wait3A_43 = tpu.memref_slice %arg18[%mul3A_5, %dma_wait3A] : memref<12808x128xf32, #tpu.memory_space<vmem_shared>> -> memref<800x128xf32, #tpu.memory_space<vmem_shared>>
      tpu.wait_dma2 semaphore(%run_scoped3A : memref<!tpu.dma_semaphore, #tpu.memory_space<semaphore_mem>>) src(%arg4 : memref<800x128xf32, #tpu.memory_space<hbm>>) dst(%dma_wait3A_43 : memref<800x128xf32, #tpu.memory_space<vmem_shared>>)
      tpu.yield
    }) : () -> ()
    %barrier3A = arith.constant 0 : index
    tpu.barrier barrier_id(%barrier3A)
    %scan3A = arith.constant 0 : i32
    %scan3A_6 = arith.constant 0 : i32
    %scan3A_7 = arith.constant 10 : i32
    %scan3A_8 = arith.addi %scan3A_6, %scan3A_7 : i32
    %scan3A_9 = arith.constant 1 : i32
    %scan3A_10 = scf.for %scan3A_42 = %scan3A_6 to %scan3A_8 step %scan3A_9 iter_args(%scan3A_43 = %scan3A) -> (i32)  : i32 {
      %mul3A_44 = arith.constant 38400 : i32
      %mul3A_45 = arith.muli %arg1, %mul3A_44 : i32
      %mul3A_46 = arith.constant 3840 : i32
      %mul3A_47 = arith.muli %scan3A_42, %mul3A_46 : i32
      %add3A_48 = arith.addi %mul3A_45, %mul3A_47 : i32
      %run_scoped3A = arith.constant 0 : i32
      "tpu.region"() ({
        %run_scoped3A_191 = tpu.sem_alloc : memref<!tpu.dma_semaphore, #tpu.memory_space<semaphore_mem>>
        %dma_start3A = arith.constant 0 : i32
        %dma_start3A_192 = tpu.memref_slice %arg6[%dma_start3A] : memref<3904xi32, #tpu.memory_space<vmem>> -> memref<3840xi32, #tpu.memory_space<vmem>>
        %dma_start3A_193 = tpu.memref_slice %arg3[%run_scoped3A, %add3A_48] : memref<2x614400xi32, #tpu.memory_space<hbm>> -> memref<1x3840xi32, #tpu.memory_space<hbm>>
        %dma_start3A_194 = tpu.memref_squeeze %dma_start3A_193 : memref<1x3840xi32, #tpu.memory_space<hbm>> -> memref<3840xi32, #tpu.memory_space<hbm>>
        %dma_start3A_195 = arith.constant 0 : i32
        %dma_start3A_196 = tpu.memref_slice %arg6[%dma_start3A_195] : memref<3904xi32, #tpu.memory_space<vmem>> -> memref<3840xi32, #tpu.memory_space<vmem>>
        %dma_start3A_197 = tpu.memref_slice %arg3[%run_scoped3A, %add3A_48] : memref<2x614400xi32, #tpu.memory_space<hbm>> -> memref<1x3840xi32, #tpu.memory_space<hbm>>
        %dma_start3A_198 = tpu.memref_squeeze %dma_start3A_197 : memref<1x3840xi32, #tpu.memory_space<hbm>> -> memref<3840xi32, #tpu.memory_space<hbm>>
        tpu.enqueue_dma source(%dma_start3A_198 : memref<3840xi32, #tpu.memory_space<hbm>>) target(%dma_start3A_196 : memref<3840xi32, #tpu.memory_space<vmem>>) target_semaphore(%run_scoped3A_191 : memref<!tpu.dma_semaphore, #tpu.memory_space<semaphore_mem>>)
        %dma_wait3A = arith.constant 0 : i32
        %dma_wait3A_199 = tpu.memref_slice %arg6[%dma_wait3A] : memref<3904xi32, #tpu.memory_space<vmem>> -> memref<3840xi32, #tpu.memory_space<vmem>>
        %dma_wait3A_200 = tpu.memref_slice %arg3[%run_scoped3A, %add3A_48] : memref<2x614400xi32, #tpu.memory_space<hbm>> -> memref<1x3840xi32, #tpu.memory_space<hbm>>
        %dma_wait3A_201 = tpu.memref_squeeze %dma_wait3A_200 : memref<1x3840xi32, #tpu.memory_space<hbm>> -> memref<3840xi32, #tpu.memory_space<hbm>>
        %dma_wait3A_202 = arith.constant 0 : i32
        %dma_wait3A_203 = tpu.memref_slice %arg6[%dma_wait3A_202] : memref<3904xi32, #tpu.memory_space<vmem>> -> memref<3840xi32, #tpu.memory_space<vmem>>
        %dma_wait3A_204 = tpu.memref_slice %arg3[%run_scoped3A, %add3A_48] : memref<2x614400xi32, #tpu.memory_space<hbm>> -> memref<1x3840xi32, #tpu.memory_space<hbm>>
        %dma_wait3A_205 = tpu.memref_squeeze %dma_wait3A_204 : memref<1x3840xi32, #tpu.memory_space<hbm>> -> memref<3840xi32, #tpu.memory_space<hbm>>
        tpu.wait_dma2 semaphore(%run_scoped3A_191 : memref<!tpu.dma_semaphore, #tpu.memory_space<semaphore_mem>>) src(%dma_wait3A_205 : memref<3840xi32, #tpu.memory_space<hbm>>) dst(%dma_wait3A_203 : memref<3840xi32, #tpu.memory_space<vmem>>)
        tpu.yield
      }) : () -> ()
      %run_scoped3A_49 = arith.constant 1 : i32
      "tpu.region"() ({
        %run_scoped3A_191 = tpu.sem_alloc : memref<!tpu.dma_semaphore, #tpu.memory_space<semaphore_mem>>
        %dma_start3A = arith.constant 0 : i32
        %dma_start3A_192 = tpu.memref_slice %arg7[%dma_start3A] : memref<3904xi32, #tpu.memory_space<vmem>> -> memref<3840xi32, #tpu.memory_space<vmem>>
        %dma_start3A_193 = tpu.memref_slice %arg3[%run_scoped3A_49, %add3A_48] : memref<2x614400xi32, #tpu.memory_space<hbm>> -> memref<1x3840xi32, #tpu.memory_space<hbm>>
        %dma_start3A_194 = tpu.memref_squeeze %dma_start3A_193 : memref<1x3840xi32, #tpu.memory_space<hbm>> -> memref<3840xi32, #tpu.memory_space<hbm>>
        %dma_start3A_195 = arith.constant 0 : i32
        %dma_start3A_196 = tpu.memref_slice %arg7[%dma_start3A_195] : memref<3904xi32, #tpu.memory_space<vmem>> -> memref<3840xi32, #tpu.memory_space<vmem>>
        %dma_start3A_197 = tpu.memref_slice %arg3[%run_scoped3A_49, %add3A_48] : memref<2x614400xi32, #tpu.memory_space<hbm>> -> memref<1x3840xi32, #tpu.memory_space<hbm>>
        %dma_start3A_198 = tpu.memref_squeeze %dma_start3A_197 : memref<1x3840xi32, #tpu.memory_space<hbm>> -> memref<3840xi32, #tpu.memory_space<hbm>>
        tpu.enqueue_dma source(%dma_start3A_198 : memref<3840xi32, #tpu.memory_space<hbm>>) target(%dma_start3A_196 : memref<3840xi32, #tpu.memory_space<vmem>>) target_semaphore(%run_scoped3A_191 : memref<!tpu.dma_semaphore, #tpu.memory_space<semaphore_mem>>)
        %dma_wait3A = arith.constant 0 : i32
        %dma_wait3A_199 = tpu.memref_slice %arg7[%dma_wait3A] : memref<3904xi32, #tpu.memory_space<vmem>> -> memref<3840xi32, #tpu.memory_space<vmem>>
        %dma_wait3A_200 = tpu.memref_slice %arg3[%run_scoped3A_49, %add3A_48] : memref<2x614400xi32, #tpu.memory_space<hbm>> -> memref<1x3840xi32, #tpu.memory_space<hbm>>
        %dma_wait3A_201 = tpu.memref_squeeze %dma_wait3A_200 : memref<1x3840xi32, #tpu.memory_space<hbm>> -> memref<3840xi32, #tpu.memory_space<hbm>>
        %dma_wait3A_202 = arith.constant 0 : i32
        %dma_wait3A_203 = tpu.memref_slice %arg7[%dma_wait3A_202] : memref<3904xi32, #tpu.memory_space<vmem>> -> memref<3840xi32, #tpu.memory_space<vmem>>
        %dma_wait3A_204 = tpu.memref_slice %arg3[%run_scoped3A_49, %add3A_48] : memref<2x614400xi32, #tpu.memory_space<hbm>> -> memref<1x3840xi32, #tpu.memory_space<hbm>>
        %dma_wait3A_205 = tpu.memref_squeeze %dma_wait3A_204 : memref<1x3840xi32, #tpu.memory_space<hbm>> -> memref<3840xi32, #tpu.memory_space<hbm>>
        tpu.wait_dma2 semaphore(%run_scoped3A_191 : memref<!tpu.dma_semaphore, #tpu.memory_space<semaphore_mem>>) src(%dma_wait3A_205 : memref<3840xi32, #tpu.memory_space<hbm>>) dst(%dma_wait3A_203 : memref<3840xi32, #tpu.memory_space<vmem>>)
        tpu.yield
      }) : () -> ()
      %scan3A_50 = arith.constant 0 : i32
      %scan3A_51 = arith.constant 0 : i32
      %scan3A_52 = arith.constant 240 : i32
      %scan3A_53 = arith.addi %scan3A_51, %scan3A_52 : i32
      %scan3A_54 = arith.constant 4 : i32
      %scan3A_55 = scf.for %scan3A_191 = %scan3A_51 to %scan3A_53 step %scan3A_54 iter_args(%scan3A_192 = %scan3A_50) -> (i32)  : i32 {
        %mul3A_193 = arith.constant 16 : i32
        %mul3A_194 = arith.muli %scan3A_191, %mul3A_193 : i32
        %get3A = arith.index_cast %mul3A_194 : i32 to index
        %get3A_195 = tpu.vector_load %arg6[%get3A] {strides = array<i32>} : memref<3904xi32, #tpu.memory_space<vmem>>, vector<16xi32>,
        %mul3A_196 = arith.constant 16 : i32
        %mul3A_197 = arith.muli %scan3A_191, %mul3A_196 : i32
        %get3A_198 = arith.index_cast %mul3A_197 : i32 to index
        %get3A_199 = tpu.vector_load %arg7[%get3A_198] {strides = array<i32>} : memref<3904xi32, #tpu.memory_space<vmem>>, vector<16xi32>,
        %sub3A_200 = vector.broadcast %mul3A_3 : i32 to vector<16xi32>
        %sub3A_201 = arith.subi %get3A_199, %sub3A_200 : vector<16xi32>
        %lt3A = arith.constant 12800 : i32
        %lt3A_202 = vector.broadcast %lt3A : i32 to vector<16xi32>
        %lt3A_203 = arith.cmpi ult, %sub3A_201, %lt3A_202 : vector<16xi32>
        %convert_element_type3A_204 = arith.extui %lt3A_203 : vector<16xi1> to vector<16xi32>
        %broadcast_in_dim3A = arith.constant true
        %broadcast_in_dim3A_205 = vector.broadcast %broadcast_in_dim3A : i1 to vector<16xi1>
        %masked_cumsum3A = tpu.scan <sum>, %convert_element_type3A_204 masked %broadcast_in_dim3A_205 : vector<16xi32>, vector<16xi1> -> vector<16xi32>
        %add3A_206 = vector.broadcast %scan3A_192 : i32 to vector<16xi32>
        %add3A_207 = arith.addi %add3A_206, %masked_cumsum3A : vector<16xi32>
        %sub3A_208 = arith.constant 1 : i32
        %sub3A_209 = vector.broadcast %sub3A_208 : i32 to vector<16xi32>
        %sub3A_210 = arith.subi %add3A_207, %sub3A_209 : vector<16xi32>
        tpu.vector_store_idx %arg6[%sub3A_210], %get3A_195 masked %lt3A_203 : memref<3904xi32, #tpu.memory_space<vmem>>[vector<16xi32>], vector<16xi32>, vector<16xi1>
        tpu.vector_store_idx %arg7[%sub3A_210], %sub3A_201 masked %lt3A_203 : memref<3904xi32, #tpu.memory_space<vmem>>[vector<16xi32>], vector<16xi32>, vector<16xi1>
        %slice3A = vector.extract_strided_slice %masked_cumsum3A {offsets = [15], sizes = [1], strides = [1]} : vector<16xi32> to vector<1xi32>
        %squeeze3A = vector.extract %slice3A[0] : i32 from vector<1xi32>
        %add3A_211 = arith.addi %scan3A_192, %squeeze3A : i32
        %scan3A_212 = arith.constant 1 : i32
        %scan3A_213 = arith.addi %scan3A_191, %scan3A_212 : i32
        %mul3A_214 = arith.constant 16 : i32
        %mul3A_215 = arith.muli %scan3A_213, %mul3A_214 : i32
        %get3A_216 = arith.index_cast %mul3A_215 : i32 to index
        %get3A_217 = tpu.vector_load %arg6[%get3A_216] {strides = array<i32>} : memref<3904xi32, #tpu.memory_space<vmem>>, vector<16xi32>,
        %mul3A_218 = arith.constant 16 : i32
        %mul3A_219 = arith.muli %scan3A_213, %mul3A_218 : i32
        %get3A_220 = arith.index_cast %mul3A_219 : i32 to index
        %get3A_221 = tpu.vector_load %arg7[%get3A_220] {strides = array<i32>} : memref<3904xi32, #tpu.memory_space<vmem>>, vector<16xi32>,
        %sub3A_222 = vector.broadcast %mul3A_3 : i32 to vector<16xi32>
        %sub3A_223 = arith.subi %get3A_221, %sub3A_222 : vector<16xi32>
        %lt3A_224 = arith.constant 12800 : i32
        %lt3A_225 = vector.broadcast %lt3A_224 : i32 to vector<16xi32>
        %lt3A_226 = arith.cmpi ult, %sub3A_223, %lt3A_225 : vector<16xi32>
        %convert_element_type3A_227 = arith.extui %lt3A_226 : vector<16xi1> to vector<16xi32>
        %broadcast_in_dim3A_228 = arith.constant true
        %broadcast_in_dim3A_229 = vector.broadcast %broadcast_in_dim3A_228 : i1 to vector<16xi1>
        %masked_cumsum3A_230 = tpu.scan <sum>, %convert_element_type3A_227 masked %broadcast_in_dim3A_229 : vector<16xi32>, vector<16xi1> -> vector<16xi32>
        %add3A_231 = vector.broadcast %add3A_211 : i32 to vector<16xi32>
        %add3A_232 = arith.addi %add3A_231, %masked_cumsum3A_230 : vector<16xi32>
        %sub3A_233 = arith.constant 1 : i32
        %sub3A_234 = vector.broadcast %sub3A_233 : i32 to vector<16xi32>
        %sub3A_235 = arith.subi %add3A_232, %sub3A_234 : vector<16xi32>
        tpu.vector_store_idx %arg6[%sub3A_235], %get3A_217 masked %lt3A_226 : memref<3904xi32, #tpu.memory_space<vmem>>[vector<16xi32>], vector<16xi32>, vector<16xi1>
        tpu.vector_store_idx %arg7[%sub3A_235], %sub3A_223 masked %lt3A_226 : memref<3904xi32, #tpu.memory_space<vmem>>[vector<16xi32>], vector<16xi32>, vector<16xi1>
        %slice3A_236 = vector.extract_strided_slice %masked_cumsum3A_230 {offsets = [15], sizes = [1], strides = [1]} : vector<16xi32> to vector<1xi32>
        %squeeze3A_237 = vector.extract %slice3A_236[0] : i32 from vector<1xi32>
        %add3A_238 = arith.addi %add3A_211, %squeeze3A_237 : i32
        %scan3A_239 = arith.constant 2 : i32
        %scan3A_240 = arith.addi %scan3A_191, %scan3A_239 : i32
        %mul3A_241 = arith.constant 16 : i32
        %mul3A_242 = arith.muli %scan3A_240, %mul3A_241 : i32
        %get3A_243 = arith.index_cast %mul3A_242 : i32 to index
        %get3A_244 = tpu.vector_load %arg6[%get3A_243] {strides = array<i32>} : memref<3904xi32, #tpu.memory_space<vmem>>, vector<16xi32>,
        %mul3A_245 = arith.constant 16 : i32
        %mul3A_246 = arith.muli %scan3A_240, %mul3A_245 : i32
        %get3A_247 = arith.index_cast %mul3A_246 : i32 to index
        %get3A_248 = tpu.vector_load %arg7[%get3A_247] {strides = array<i32>} : memref<3904xi32, #tpu.memory_space<vmem>>, vector<16xi32>,
        %sub3A_249 = vector.broadcast %mul3A_3 : i32 to vector<16xi32>
        %sub3A_250 = arith.subi %get3A_248, %sub3A_249 : vector<16xi32>
        %lt3A_251 = arith.constant 12800 : i32
        %lt3A_252 = vector.broadcast %lt3A_251 : i32 to vector<16xi32>
        %lt3A_253 = arith.cmpi ult, %sub3A_250, %lt3A_252 : vector<16xi32>
        %convert_element_type3A_254 = arith.extui %lt3A_253 : vector<16xi1> to vector<16xi32>
        %broadcast_in_dim3A_255 = arith.constant true
        %broadcast_in_dim3A_256 = vector.broadcast %broadcast_in_dim3A_255 : i1 to vector<16xi1>
        %masked_cumsum3A_257 = tpu.scan <sum>, %convert_element_type3A_254 masked %broadcast_in_dim3A_256 : vector<16xi32>, vector<16xi1> -> vector<16xi32>
        %add3A_258 = vector.broadcast %add3A_238 : i32 to vector<16xi32>
        %add3A_259 = arith.addi %add3A_258, %masked_cumsum3A_257 : vector<16xi32>
        %sub3A_260 = arith.constant 1 : i32
        %sub3A_261 = vector.broadcast %sub3A_260 : i32 to vector<16xi32>
        %sub3A_262 = arith.subi %add3A_259, %sub3A_261 : vector<16xi32>
        tpu.vector_store_idx %arg6[%sub3A_262], %get3A_244 masked %lt3A_253 : memref<3904xi32, #tpu.memory_space<vmem>>[vector<16xi32>], vector<16xi32>, vector<16xi1>
        tpu.vector_store_idx %arg7[%sub3A_262], %sub3A_250 masked %lt3A_253 : memref<3904xi32, #tpu.memory_space<vmem>>[vector<16xi32>], vector<16xi32>, vector<16xi1>
        %slice3A_263 = vector.extract_strided_slice %masked_cumsum3A_257 {offsets = [15], sizes = [1], strides = [1]} : vector<16xi32> to vector<1xi32>
        %squeeze3A_264 = vector.extract %slice3A_263[0] : i32 from vector<1xi32>
        %add3A_265 = arith.addi %add3A_238, %squeeze3A_264 : i32
        %scan3A_266 = arith.constant 3 : i32
        %scan3A_267 = arith.addi %scan3A_191, %scan3A_266 : i32
        %mul3A_268 = arith.constant 16 : i32
        %mul3A_269 = arith.muli %scan3A_267, %mul3A_268 : i32
        %get3A_270 = arith.index_cast %mul3A_269 : i32 to index
        %get3A_271 = tpu.vector_load %arg6[%get3A_270] {strides = array<i32>} : memref<3904xi32, #tpu.memory_space<vmem>>, vector<16xi32>,
        %mul3A_272 = arith.constant 16 : i32
        %mul3A_273 = arith.muli %scan3A_267, %mul3A_272 : i32
        %get3A_274 = arith.index_cast %mul3A_273 : i32 to index
        %get3A_275 = tpu.vector_load %arg7[%get3A_274] {strides = array<i32>} : memref<3904xi32, #tpu.memory_space<vmem>>, vector<16xi32>,
        %sub3A_276 = vector.broadcast %mul3A_3 : i32 to vector<16xi32>
        %sub3A_277 = arith.subi %get3A_275, %sub3A_276 : vector<16xi32>
        %lt3A_278 = arith.constant 12800 : i32
        %lt3A_279 = vector.broadcast %lt3A_278 : i32 to vector<16xi32>
        %lt3A_280 = arith.cmpi ult, %sub3A_277, %lt3A_279 : vector<16xi32>
        %convert_element_type3A_281 = arith.extui %lt3A_280 : vector<16xi1> to vector<16xi32>
        %broadcast_in_dim3A_282 = arith.constant true
        %broadcast_in_dim3A_283 = vector.broadcast %broadcast_in_dim3A_282 : i1 to vector<16xi1>
        %masked_cumsum3A_284 = tpu.scan <sum>, %convert_element_type3A_281 masked %broadcast_in_dim3A_283 : vector<16xi32>, vector<16xi1> -> vector<16xi32>
        %add3A_285 = vector.broadcast %add3A_265 : i32 to vector<16xi32>
        %add3A_286 = arith.addi %add3A_285, %masked_cumsum3A_284 : vector<16xi32>
        %sub3A_287 = arith.constant 1 : i32
        %sub3A_288 = vector.broadcast %sub3A_287 : i32 to vector<16xi32>
        %sub3A_289 = arith.subi %add3A_286, %sub3A_288 : vector<16xi32>
        tpu.vector_store_idx %arg6[%sub3A_289], %get3A_271 masked %lt3A_280 : memref<3904xi32, #tpu.memory_space<vmem>>[vector<16xi32>], vector<16xi32>, vector<16xi1>
        tpu.vector_store_idx %arg7[%sub3A_289], %sub3A_277 masked %lt3A_280 : memref<3904xi32, #tpu.memory_space<vmem>>[vector<16xi32>], vector<16xi32>, vector<16xi1>
        %slice3A_290 = vector.extract_strided_slice %masked_cumsum3A_284 {offsets = [15], sizes = [1], strides = [1]} : vector<16xi32> to vector<1xi32>
        %squeeze3A_291 = vector.extract %slice3A_290[0] : i32 from vector<1xi32>
        %add3A_292 = arith.addi %add3A_265, %squeeze3A_291 : i32
        scf.yield %add3A_292 : i32
      }
      %scan3A_56 = arith.constant 240 : i32
      %iota3A = tpu.iota {dimensions = array<i32: 0>} : vector<16xi32>
      %add3A_57 = arith.constant 0 : i32
      %add3A_58 = vector.broadcast %add3A_57 : i32 to vector<16xi32>
      %add3A_59 = arith.addi %iota3A, %add3A_58 : vector<16xi32>
      %add3A_60 = arith.constant 0 : i32
      %add3A_61 = arith.addi %scan3A_55, %add3A_60 : i32
      %swap3A = arith.index_cast %add3A_61 : i32 to index
      %swap3A_62 = tpu.vector_load %arg6[%swap3A] {strides = array<i32>} : memref<3904xi32, #tpu.memory_space<vmem>>, vector<16xi32>,
      tpu.vector_store %arg6[%swap3A], %add3A_59 {strides = array<i32>} : memref<3904xi32, #tpu.memory_space<vmem>>, vector<16xi32>,
      %and3A = arith.constant 7 : i32
      %and3A_63 = vector.broadcast %and3A : i32 to vector<16xi32>
      %and3A_64 = arith.andi %iota3A, %and3A_63 : vector<16xi32>
      %add3A_65 = arith.constant 12800 : i32
      %add3A_66 = vector.broadcast %add3A_65 : i32 to vector<16xi32>
      %add3A_67 = arith.addi %and3A_64, %add3A_66 : vector<16xi32>
      %add3A_68 = arith.constant 0 : i32
      %add3A_69 = arith.addi %scan3A_55, %add3A_68 : i32
      %swap3A_70 = arith.index_cast %add3A_69 : i32 to index
      %swap3A_71 = tpu.vector_load %arg7[%swap3A_70] {strides = array<i32>} : memref<3904xi32, #tpu.memory_space<vmem>>, vector<16xi32>,
      tpu.vector_store %arg7[%swap3A_70], %add3A_67 {strides = array<i32>} : memref<3904xi32, #tpu.memory_space<vmem>>, vector<16xi32>,
      %add3A_72 = arith.constant 16 : i32
      %add3A_73 = vector.broadcast %add3A_72 : i32 to vector<16xi32>
      %add3A_74 = arith.addi %iota3A, %add3A_73 : vector<16xi32>
      %add3A_75 = arith.constant 16 : i32
      %add3A_76 = arith.addi %scan3A_55, %add3A_75 : i32
      %swap3A_77 = arith.index_cast %add3A_76 : i32 to index
      %swap3A_78 = tpu.vector_load %arg6[%swap3A_77] {strides = array<i32>} : memref<3904xi32, #tpu.memory_space<vmem>>, vector<16xi32>,
      tpu.vector_store %arg6[%swap3A_77], %add3A_74 {strides = array<i32>} : memref<3904xi32, #tpu.memory_space<vmem>>, vector<16xi32>,
      %and3A_79 = arith.constant 7 : i32
      %and3A_80 = vector.broadcast %and3A_79 : i32 to vector<16xi32>
      %and3A_81 = arith.andi %iota3A, %and3A_80 : vector<16xi32>
      %add3A_82 = arith.constant 12800 : i32
      %add3A_83 = vector.broadcast %add3A_82 : i32 to vector<16xi32>
      %add3A_84 = arith.addi %and3A_81, %add3A_83 : vector<16xi32>
      %add3A_85 = arith.constant 16 : i32
      %add3A_86 = arith.addi %scan3A_55, %add3A_85 : i32
      %swap3A_87 = arith.index_cast %add3A_86 : i32 to index
      %swap3A_88 = tpu.vector_load %arg7[%swap3A_87] {strides = array<i32>} : memref<3904xi32, #tpu.memory_space<vmem>>, vector<16xi32>,
      tpu.vector_store %arg7[%swap3A_87], %add3A_84 {strides = array<i32>} : memref<3904xi32, #tpu.memory_space<vmem>>, vector<16xi32>,
      %add3A_89 = arith.constant 32 : i32
      %add3A_90 = vector.broadcast %add3A_89 : i32 to vector<16xi32>
      %add3A_91 = arith.addi %iota3A, %add3A_90 : vector<16xi32>
      %add3A_92 = arith.constant 32 : i32
      %add3A_93 = arith.addi %scan3A_55, %add3A_92 : i32
      %swap3A_94 = arith.index_cast %add3A_93 : i32 to index
      %swap3A_95 = tpu.vector_load %arg6[%swap3A_94] {strides = array<i32>} : memref<3904xi32, #tpu.memory_space<vmem>>, vector<16xi32>,
      tpu.vector_store %arg6[%swap3A_94], %add3A_91 {strides = array<i32>} : memref<3904xi32, #tpu.memory_space<vmem>>, vector<16xi32>,
      %and3A_96 = arith.constant 7 : i32
      %and3A_97 = vector.broadcast %and3A_96 : i32 to vector<16xi32>
      %and3A_98 = arith.andi %iota3A, %and3A_97 : vector<16xi32>
      %add3A_99 = arith.constant 12800 : i32
      %add3A_100 = vector.broadcast %add3A_99 : i32 to vector<16xi32>
      %add3A_101 = arith.addi %and3A_98, %add3A_100 : vector<16xi32>
      %add3A_102 = arith.constant 32 : i32
      %add3A_103 = arith.addi %scan3A_55, %add3A_102 : i32
      %swap3A_104 = arith.index_cast %add3A_103 : i32 to index
      %swap3A_105 = tpu.vector_load %arg7[%swap3A_104] {strides = array<i32>} : memref<3904xi32, #tpu.memory_space<vmem>>, vector<16xi32>,
      tpu.vector_store %arg7[%swap3A_104], %add3A_101 {strides = array<i32>} : memref<3904xi32, #tpu.memory_space<vmem>>, vector<16xi32>,
      %add3A_106 = arith.constant 48 : i32
      %add3A_107 = vector.broadcast %add3A_106 : i32 to vector<16xi32>
      %add3A_108 = arith.addi %iota3A, %add3A_107 : vector<16xi32>
      %add3A_109 = arith.constant 48 : i32
      %add3A_110 = arith.addi %scan3A_55, %add3A_109 : i32
      %swap3A_111 = arith.index_cast %add3A_110 : i32 to index
      %swap3A_112 = tpu.vector_load %arg6[%swap3A_111] {strides = array<i32>} : memref<3904xi32, #tpu.memory_space<vmem>>, vector<16xi32>,
      tpu.vector_store %arg6[%swap3A_111], %add3A_108 {strides = array<i32>} : memref<3904xi32, #tpu.memory_space<vmem>>, vector<16xi32>,
      %and3A_113 = arith.constant 7 : i32
      %and3A_114 = vector.broadcast %and3A_113 : i32 to vector<16xi32>
      %and3A_115 = arith.andi %iota3A, %and3A_114 : vector<16xi32>
      %add3A_116 = arith.constant 12800 : i32
      %add3A_117 = vector.broadcast %add3A_116 : i32 to vector<16xi32>
      %add3A_118 = arith.addi %and3A_115, %add3A_117 : vector<16xi32>
      %add3A_119 = arith.constant 48 : i32
      %add3A_120 = arith.addi %scan3A_55, %add3A_119 : i32
      %swap3A_121 = arith.index_cast %add3A_120 : i32 to index
      %swap3A_122 = tpu.vector_load %arg7[%swap3A_121] {strides = array<i32>} : memref<3904xi32, #tpu.memory_space<vmem>>, vector<16xi32>,
      tpu.vector_store %arg7[%swap3A_121], %add3A_118 {strides = array<i32>} : memref<3904xi32, #tpu.memory_space<vmem>>, vector<16xi32>,
      %add3A_123 = arith.constant 64 : i32
      %add3A_124 = arith.addi %scan3A_55, %add3A_123 : i32
      %sub3A = arith.constant 1 : i32
      %sub3A_125 = arith.subi %add3A_124, %sub3A : i32
      %jit3A = arith.constant 64 : i32
      %div3A = arith.divsi %sub3A_125, %jit3A : i32
      %sign3A = arith.constant 0 : i32
      %sign3A_126 = arith.cmpi sgt, %sub3A_125, %sign3A : i32
      %sign3A_127 = arith.extui %sign3A_126 : i1 to i32
      %sign3A_128 = arith.constant 0 : i32
      %sign3A_129 = arith.cmpi slt, %sub3A_125, %sign3A_128 : i32
      %sign3A_130 = arith.extui %sign3A_129 : i1 to i32
      %sign3A_131 = arith.subi %sign3A_127, %sign3A_130 : i32
      %sign3A_132 = arith.constant 0 : i32
      %sign3A_133 = arith.cmpi sgt, %jit3A, %sign3A_132 : i32
      %sign3A_134 = arith.extui %sign3A_133 : i1 to i32
      %sign3A_135 = arith.constant 0 : i32
      %sign3A_136 = arith.cmpi slt, %jit3A, %sign3A_135 : i32
      %sign3A_137 = arith.extui %sign3A_136 : i1 to i32
      %sign3A_138 = arith.subi %sign3A_134, %sign3A_137 : i32
      %ne3A = arith.cmpi ne, %sign3A_131, %sign3A_138 : i32
      %rem3A = arith.remsi %sub3A_125, %jit3A : i32
      %ne3A_139 = arith.constant 0 : i32
      %ne3A_140 = arith.cmpi ne, %rem3A, %ne3A_139 : i32
      %and3A_141 = arith.andi %ne3A, %ne3A_140 : i1
      %sub3A_142 = arith.constant 1 : i32
      %sub3A_143 = arith.subi %div3A, %sub3A_142 : i32
      %select_n3A = arith.select %and3A_141, %sub3A_143, %div3A : i32
      %add3A_144 = arith.constant 2 : i32
      %add3A_145 = arith.addi %select_n3A, %add3A_144 : i32
      %sub3A_146 = arith.constant 1 : i32
      %sub3A_147 = arith.subi %add3A_145, %sub3A_146 : i32
      %jit3A_148 = arith.constant 2 : i32
      %div3A_149 = arith.divsi %sub3A_147, %jit3A_148 : i32
      %sign3A_150 = arith.constant 0 : i32
      %sign3A_151 = arith.cmpi sgt, %sub3A_147, %sign3A_150 : i32
      %sign3A_152 = arith.extui %sign3A_151 : i1 to i32
      %sign3A_153 = arith.constant 0 : i32
      %sign3A_154 = arith.cmpi slt, %sub3A_147, %sign3A_153 : i32
      %sign3A_155 = arith.extui %sign3A_154 : i1 to i32
      %sign3A_156 = arith.subi %sign3A_152, %sign3A_155 : i32
      %sign3A_157 = arith.constant 0 : i32
      %sign3A_158 = arith.cmpi sgt, %jit3A_148, %sign3A_157 : i32
      %sign3A_159 = arith.extui %sign3A_158 : i1 to i32
      %sign3A_160 = arith.constant 0 : i32
      %sign3A_161 = arith.cmpi slt, %jit3A_148, %sign3A_160 : i32
      %sign3A_162 = arith.extui %sign3A_161 : i1 to i32
      %sign3A_163 = arith.subi %sign3A_159, %sign3A_162 : i32
      %ne3A_164 = arith.cmpi ne, %sign3A_156, %sign3A_163 : i32
      %rem3A_165 = arith.remsi %sub3A_147, %jit3A_148 : i32
      %ne3A_166 = arith.constant 0 : i32
      %ne3A_167 = arith.cmpi ne, %rem3A_165, %ne3A_166 : i32
      %and3A_168 = arith.andi %ne3A_164, %ne3A_167 : i1
      %sub3A_169 = arith.constant 1 : i32
      %sub3A_170 = arith.subi %div3A_149, %sub3A_169 : i32
      %select_n3A_171 = arith.select %and3A_168, %sub3A_170, %div3A_149 : i32
      %while3A = arith.constant 0 : i32
      %while3A_172 = arith.constant 0 : i32
      %while3A_173 = arith.subi %select_n3A_171, %while3A : i32
      %while3A_174 = arith.addi %while3A, %while3A_173 : i32
      %while3A_175 = arith.constant 1 : i32
      %while3A_176 = arith.divsi %while3A_173, %while3A_175 : i32
      %while3A_177 = arith.muli %while3A_176, %while3A_175 : i32
      %while3A_178 = arith.addi %while3A, %while3A_177 : i32
      %while3A_179 = arith.constant 1 : i32
      %while3A_180 = scf.for %while3A_191 = %while3A to %while3A_178 step %while3A_179 iter_args(%while3A_192 = %while3A_172) -> (i32)  : i32 {
        %mul3A_193 = arith.constant 2 : i32
        %mul3A_194 = arith.muli %while3A_191, %mul3A_193 : i32
        %add3A_195 = arith.constant 0 : i32
        %add3A_196 = arith.addi %mul3A_194, %add3A_195 : i32
        %lt3A = arith.cmpi slt, %add3A_196, %select_n3A : i32
        %gt3A_197 = arith.constant 0 : i32
        %gt3A_198 = arith.cmpi sgt, %while3A_191, %gt3A_197 : i32
        %and3A_199 = arith.andi %lt3A, %gt3A_198 : i1
        %convert_element_type3A_200 = arith.extui %and3A_199 : i1 to i32
        %cond3A_201 = arith.constant 0 : i32
        %cond3A_202 = arith.cmpi ne, %convert_element_type3A_200, %cond3A_201 : i32
        scf.if %cond3A_202 {
          %dma_wait3A = arith.constant 0 : i32
          %dma_wait3A_247 = arith.constant 0 : i32
          %dma_wait3A_248 = tpu.memref_slice %arg18[%dma_wait3A, %dma_wait3A_247] : memref<12808x128xf32, #tpu.memory_space<vmem_shared>> -> memref<12808x128xf32, #tpu.memory_space<vmem_shared>>
          tpu.wait_indirect_dma semaphore(%arg16 : memref<!tpu.dma_semaphore, #tpu.memory_space<semaphore_mem>>) src(%arg12 : memref<64x128xf32, #tpu.memory_space<vmem>>) dst(%dma_wait3A_248 : memref<12808x128xf32, #tpu.memory_space<vmem_shared>>)
        } else {
        }
        %mul3A_203 = arith.constant 2 : i32
        %mul3A_204 = arith.muli %while3A_191, %mul3A_203 : i32
        %add3A_205 = arith.constant 1 : i32
        %add3A_206 = arith.addi %mul3A_204, %add3A_205 : i32
        %lt3A_207 = arith.cmpi slt, %add3A_206, %select_n3A : i32
        %gt3A_208 = arith.constant 0 : i32
        %gt3A_209 = arith.cmpi sgt, %while3A_191, %gt3A_208 : i32
        %and3A_210 = arith.andi %lt3A_207, %gt3A_209 : i1
        %convert_element_type3A_211 = arith.extui %and3A_210 : i1 to i32
        %cond3A_212 = arith.constant 0 : i32
        %cond3A_213 = arith.cmpi ne, %convert_element_type3A_211, %cond3A_212 : i32
        scf.if %cond3A_213 {
          %dma_wait3A = arith.constant 0 : i32
          %dma_wait3A_247 = arith.constant 0 : i32
          %dma_wait3A_248 = tpu.memref_slice %arg18[%dma_wait3A, %dma_wait3A_247] : memref<12808x128xf32, #tpu.memory_space<vmem_shared>> -> memref<12808x128xf32, #tpu.memory_space<vmem_shared>>
          tpu.wait_indirect_dma semaphore(%arg17 : memref<!tpu.dma_semaphore, #tpu.memory_space<semaphore_mem>>) src(%arg13 : memref<64x128xf32, #tpu.memory_space<vmem>>) dst(%dma_wait3A_248 : memref<12808x128xf32, #tpu.memory_space<vmem_shared>>)
        } else {
        }
        %mul3A_214 = arith.constant 2 : i32
        %mul3A_215 = arith.muli %while3A_191, %mul3A_214 : i32
        %add3A_216 = arith.constant 0 : i32
        %add3A_217 = arith.addi %mul3A_215, %add3A_216 : i32
        %lt3A_218 = arith.cmpi slt, %add3A_217, %select_n3A : i32
        %convert_element_type3A_219 = arith.extui %lt3A_218 : i1 to i32
        %cond3A_220 = arith.constant 0 : i32
        %cond3A_221 = arith.cmpi ne, %convert_element_type3A_219, %cond3A_220 : i32
        scf.if %cond3A_221 {
          %mul3A_247 = arith.constant 64 : i32
          %mul3A_248 = arith.muli %add3A_217, %mul3A_247 : i32
          %add3A_249 = arith.constant 0 : i32
          %add3A_250 = arith.addi %mul3A_248, %add3A_249 : i32
          %get3A = arith.index_cast %add3A_250 : i32 to index
          %get3A_251 = tpu.vector_load %arg6[%get3A] {strides = array<i32>} : memref<3904xi32, #tpu.memory_space<vmem>>, vector<16xi32>,
          %swap3A_252 = arith.constant 0 : index
          %swap3A_253 = tpu.vector_load %arg8[%swap3A_252] {strides = array<i32>} : memref<64xi32, #tpu.memory_space<vmem>>, vector<16xi32>,
          tpu.vector_store %arg8[%swap3A_252], %get3A_251 {strides = array<i32>} : memref<64xi32, #tpu.memory_space<vmem>>, vector<16xi32>,
          %mul3A_254 = arith.constant 64 : i32
          %mul3A_255 = arith.muli %add3A_217, %mul3A_254 : i32
          %add3A_256 = arith.constant 0 : i32
          %add3A_257 = arith.addi %mul3A_255, %add3A_256 : i32
          %get3A_258 = arith.index_cast %add3A_257 : i32 to index
          %get3A_259 = tpu.vector_load %arg7[%get3A_258] {strides = array<i32>} : memref<3904xi32, #tpu.memory_space<vmem>>, vector<16xi32>,
          %swap3A_260 = arith.constant 0 : index
          %swap3A_261 = tpu.vector_load %arg10[%swap3A_260] {strides = array<i32>} : memref<64xi32, #tpu.memory_space<vmem>>, vector<16xi32>,
          tpu.vector_store %arg10[%swap3A_260], %get3A_259 {strides = array<i32>} : memref<64xi32, #tpu.memory_space<vmem>>, vector<16xi32>,
          %mul3A_262 = arith.constant 64 : i32
          %mul3A_263 = arith.muli %add3A_217, %mul3A_262 : i32
          %add3A_264 = arith.constant 16 : i32
          %add3A_265 = arith.addi %mul3A_263, %add3A_264 : i32
          %get3A_266 = arith.index_cast %add3A_265 : i32 to index
          %get3A_267 = tpu.vector_load %arg6[%get3A_266] {strides = array<i32>} : memref<3904xi32, #tpu.memory_space<vmem>>, vector<16xi32>,
          %swap3A_268 = arith.constant 16 : index
          %swap3A_269 = tpu.vector_load %arg8[%swap3A_268] {strides = array<i32>} : memref<64xi32, #tpu.memory_space<vmem>>, vector<16xi32>,
          tpu.vector_store %arg8[%swap3A_268], %get3A_267 {strides = array<i32>} : memref<64xi32, #tpu.memory_space<vmem>>, vector<16xi32>,
          %mul3A_270 = arith.constant 64 : i32
          %mul3A_271 = arith.muli %add3A_217, %mul3A_270 : i32
          %add3A_272 = arith.constant 16 : i32
          %add3A_273 = arith.addi %mul3A_271, %add3A_272 : i32
          %get3A_274 = arith.index_cast %add3A_273 : i32 to index
          %get3A_275 = tpu.vector_load %arg7[%get3A_274] {strides = array<i32>} : memref<3904xi32, #tpu.memory_space<vmem>>, vector<16xi32>,
          %swap3A_276 = arith.constant 16 : index
          %swap3A_277 = tpu.vector_load %arg10[%swap3A_276] {strides = array<i32>} : memref<64xi32, #tpu.memory_space<vmem>>, vector<16xi32>,
          tpu.vector_store %arg10[%swap3A_276], %get3A_275 {strides = array<i32>} : memref<64xi32, #tpu.memory_space<vmem>>, vector<16xi32>,
          %mul3A_278 = arith.constant 64 : i32
          %mul3A_279 = arith.muli %add3A_217, %mul3A_278 : i32
          %add3A_280 = arith.constant 32 : i32
          %add3A_281 = arith.addi %mul3A_279, %add3A_280 : i32
          %get3A_282 = arith.index_cast %add3A_281 : i32 to index
          %get3A_283 = tpu.vector_load %arg6[%get3A_282] {strides = array<i32>} : memref<3904xi32, #tpu.memory_space<vmem>>, vector<16xi32>,
          %swap3A_284 = arith.constant 32 : index
          %swap3A_285 = tpu.vector_load %arg8[%swap3A_284] {strides = array<i32>} : memref<64xi32, #tpu.memory_space<vmem>>, vector<16xi32>,
          tpu.vector_store %arg8[%swap3A_284], %get3A_283 {strides = array<i32>} : memref<64xi32, #tpu.memory_space<vmem>>, vector<16xi32>,
          %mul3A_286 = arith.constant 64 : i32
          %mul3A_287 = arith.muli %add3A_217, %mul3A_286 : i32
          %add3A_288 = arith.constant 32 : i32
          %add3A_289 = arith.addi %mul3A_287, %add3A_288 : i32
          %get3A_290 = arith.index_cast %add3A_289 : i32 to index
          %get3A_291 = tpu.vector_load %arg7[%get3A_290] {strides = array<i32>} : memref<3904xi32, #tpu.memory_space<vmem>>, vector<16xi32>,
          %swap3A_292 = arith.constant 32 : index
          %swap3A_293 = tpu.vector_load %arg10[%swap3A_292] {strides = array<i32>} : memref<64xi32, #tpu.memory_space<vmem>>, vector<16xi32>,
          tpu.vector_store %arg10[%swap3A_292], %get3A_291 {strides = array<i32>} : memref<64xi32, #tpu.memory_space<vmem>>, vector<16xi32>,
          %mul3A_294 = arith.constant 64 : i32
          %mul3A_295 = arith.muli %add3A_217, %mul3A_294 : i32
          %add3A_296 = arith.constant 48 : i32
          %add3A_297 = arith.addi %mul3A_295, %add3A_296 : i32
          %get3A_298 = arith.index_cast %add3A_297 : i32 to index
          %get3A_299 = tpu.vector_load %arg6[%get3A_298] {strides = array<i32>} : memref<3904xi32, #tpu.memory_space<vmem>>, vector<16xi32>,
          %swap3A_300 = arith.constant 48 : index
          %swap3A_301 = tpu.vector_load %arg8[%swap3A_300] {strides = array<i32>} : memref<64xi32, #tpu.memory_space<vmem>>, vector<16xi32>,
          tpu.vector_store %arg8[%swap3A_300], %get3A_299 {strides = array<i32>} : memref<64xi32, #tpu.memory_space<vmem>>, vector<16xi32>,
          %mul3A_302 = arith.constant 64 : i32
          %mul3A_303 = arith.muli %add3A_217, %mul3A_302 : i32
          %add3A_304 = arith.constant 48 : i32
          %add3A_305 = arith.addi %mul3A_303, %add3A_304 : i32
          %get3A_306 = arith.index_cast %add3A_305 : i32 to index
          %get3A_307 = tpu.vector_load %arg7[%get3A_306] {strides = array<i32>} : memref<3904xi32, #tpu.memory_space<vmem>>, vector<16xi32>,
          %swap3A_308 = arith.constant 48 : index
          %swap3A_309 = tpu.vector_load %arg10[%swap3A_308] {strides = array<i32>} : memref<64xi32, #tpu.memory_space<vmem>>, vector<16xi32>,
          tpu.vector_store %arg10[%swap3A_308], %get3A_307 {strides = array<i32>} : memref<64xi32, #tpu.memory_space<vmem>>, vector<16xi32>,
          %dma_start3A = arith.constant 0 : i32
          %dma_start3A_310 = arith.constant 0 : i32
          %dma_start3A_311 = tpu.memref_slice %arg2[%dma_start3A, %dma_start3A_310] : memref<51200x128xf32, #tpu.memory_space<hbm>> -> memref<51200x128xf32, #tpu.memory_space<hbm>>
          tpu.enqueue_indirect_dma source(%dma_start3A_311 : memref<51200x128xf32, #tpu.memory_space<hbm>>) target(%arg12 : memref<64x128xf32, #tpu.memory_space<vmem>>) offsets(%arg8 : memref<64xi32, #tpu.memory_space<vmem>>) semaphore(%arg14 : memref<!tpu.dma_semaphore, #tpu.memory_space<semaphore_mem>>)
        } else {
        }
        %mul3A_222 = arith.constant 2 : i32
        %mul3A_223 = arith.muli %while3A_191, %mul3A_222 : i32
        %add3A_224 = arith.constant 1 : i32
        %add3A_225 = arith.addi %mul3A_223, %add3A_224 : i32
        %lt3A_226 = arith.cmpi slt, %add3A_225, %select_n3A : i32
        %convert_element_type3A_227 = arith.extui %lt3A_226 : i1 to i32
        %cond3A_228 = arith.constant 0 : i32
        %cond3A_229 = arith.cmpi ne, %convert_element_type3A_227, %cond3A_228 : i32
        scf.if %cond3A_229 {
          %mul3A_247 = arith.constant 64 : i32
          %mul3A_248 = arith.muli %add3A_225, %mul3A_247 : i32
          %add3A_249 = arith.constant 0 : i32
          %add3A_250 = arith.addi %mul3A_248, %add3A_249 : i32
          %get3A = arith.index_cast %add3A_250 : i32 to index
          %get3A_251 = tpu.vector_load %arg6[%get3A] {strides = array<i32>} : memref<3904xi32, #tpu.memory_space<vmem>>, vector<16xi32>,
          %swap3A_252 = arith.constant 0 : index
          %swap3A_253 = tpu.vector_load %arg9[%swap3A_252] {strides = array<i32>} : memref<64xi32, #tpu.memory_space<vmem>>, vector<16xi32>,
          tpu.vector_store %arg9[%swap3A_252], %get3A_251 {strides = array<i32>} : memref<64xi32, #tpu.memory_space<vmem>>, vector<16xi32>,
          %mul3A_254 = arith.constant 64 : i32
          %mul3A_255 = arith.muli %add3A_225, %mul3A_254 : i32
          %add3A_256 = arith.constant 0 : i32
          %add3A_257 = arith.addi %mul3A_255, %add3A_256 : i32
          %get3A_258 = arith.index_cast %add3A_257 : i32 to index
          %get3A_259 = tpu.vector_load %arg7[%get3A_258] {strides = array<i32>} : memref<3904xi32, #tpu.memory_space<vmem>>, vector<16xi32>,
          %swap3A_260 = arith.constant 0 : index
          %swap3A_261 = tpu.vector_load %arg11[%swap3A_260] {strides = array<i32>} : memref<64xi32, #tpu.memory_space<vmem>>, vector<16xi32>,
          tpu.vector_store %arg11[%swap3A_260], %get3A_259 {strides = array<i32>} : memref<64xi32, #tpu.memory_space<vmem>>, vector<16xi32>,
          %mul3A_262 = arith.constant 64 : i32
          %mul3A_263 = arith.muli %add3A_225, %mul3A_262 : i32
          %add3A_264 = arith.constant 16 : i32
          %add3A_265 = arith.addi %mul3A_263, %add3A_264 : i32
          %get3A_266 = arith.index_cast %add3A_265 : i32 to index
          %get3A_267 = tpu.vector_load %arg6[%get3A_266] {strides = array<i32>} : memref<3904xi32, #tpu.memory_space<vmem>>, vector<16xi32>,
          %swap3A_268 = arith.constant 16 : index
          %swap3A_269 = tpu.vector_load %arg9[%swap3A_268] {strides = array<i32>} : memref<64xi32, #tpu.memory_space<vmem>>, vector<16xi32>,
          tpu.vector_store %arg9[%swap3A_268], %get3A_267 {strides = array<i32>} : memref<64xi32, #tpu.memory_space<vmem>>, vector<16xi32>,
          %mul3A_270 = arith.constant 64 : i32
          %mul3A_271 = arith.muli %add3A_225, %mul3A_270 : i32
          %add3A_272 = arith.constant 16 : i32
          %add3A_273 = arith.addi %mul3A_271, %add3A_272 : i32
          %get3A_274 = arith.index_cast %add3A_273 : i32 to index
          %get3A_275 = tpu.vector_load %arg7[%get3A_274] {strides = array<i32>} : memref<3904xi32, #tpu.memory_space<vmem>>, vector<16xi32>,
          %swap3A_276 = arith.constant 16 : index
          %swap3A_277 = tpu.vector_load %arg11[%swap3A_276] {strides = array<i32>} : memref<64xi32, #tpu.memory_space<vmem>>, vector<16xi32>,
          tpu.vector_store %arg11[%swap3A_276], %get3A_275 {strides = array<i32>} : memref<64xi32, #tpu.memory_space<vmem>>, vector<16xi32>,
          %mul3A_278 = arith.constant 64 : i32
          %mul3A_279 = arith.muli %add3A_225, %mul3A_278 : i32
          %add3A_280 = arith.constant 32 : i32
          %add3A_281 = arith.addi %mul3A_279, %add3A_280 : i32
          %get3A_282 = arith.index_cast %add3A_281 : i32 to index
          %get3A_283 = tpu.vector_load %arg6[%get3A_282] {strides = array<i32>} : memref<3904xi32, #tpu.memory_space<vmem>>, vector<16xi32>,
          %swap3A_284 = arith.constant 32 : index
          %swap3A_285 = tpu.vector_load %arg9[%swap3A_284] {strides = array<i32>} : memref<64xi32, #tpu.memory_space<vmem>>, vector<16xi32>,
          tpu.vector_store %arg9[%swap3A_284], %get3A_283 {strides = array<i32>} : memref<64xi32, #tpu.memory_space<vmem>>, vector<16xi32>,
          %mul3A_286 = arith.constant 64 : i32
          %mul3A_287 = arith.muli %add3A_225, %mul3A_286 : i32
          %add3A_288 = arith.constant 32 : i32
          %add3A_289 = arith.addi %mul3A_287, %add3A_288 : i32
          %get3A_290 = arith.index_cast %add3A_289 : i32 to index
          %get3A_291 = tpu.vector_load %arg7[%get3A_290] {strides = array<i32>} : memref<3904xi32, #tpu.memory_space<vmem>>, vector<16xi32>,
          %swap3A_292 = arith.constant 32 : index
          %swap3A_293 = tpu.vector_load %arg11[%swap3A_292] {strides = array<i32>} : memref<64xi32, #tpu.memory_space<vmem>>, vector<16xi32>,
          tpu.vector_store %arg11[%swap3A_292], %get3A_291 {strides = array<i32>} : memref<64xi32, #tpu.memory_space<vmem>>, vector<16xi32>,
          %mul3A_294 = arith.constant 64 : i32
          %mul3A_295 = arith.muli %add3A_225, %mul3A_294 : i32
          %add3A_296 = arith.constant 48 : i32
          %add3A_297 = arith.addi %mul3A_295, %add3A_296 : i32
          %get3A_298 = arith.index_cast %add3A_297 : i32 to index
          %get3A_299 = tpu.vector_load %arg6[%get3A_298] {strides = array<i32>} : memref<3904xi32, #tpu.memory_space<vmem>>, vector<16xi32>,
          %swap3A_300 = arith.constant 48 : index
          %swap3A_301 = tpu.vector_load %arg9[%swap3A_300] {strides = array<i32>} : memref<64xi32, #tpu.memory_space<vmem>>, vector<16xi32>,
          tpu.vector_store %arg9[%swap3A_300], %get3A_299 {strides = array<i32>} : memref<64xi32, #tpu.memory_space<vmem>>, vector<16xi32>,
          %mul3A_302 = arith.constant 64 : i32
          %mul3A_303 = arith.muli %add3A_225, %mul3A_302 : i32
          %add3A_304 = arith.constant 48 : i32
          %add3A_305 = arith.addi %mul3A_303, %add3A_304 : i32
          %get3A_306 = arith.index_cast %add3A_305 : i32 to index
          %get3A_307 = tpu.vector_load %arg7[%get3A_306] {strides = array<i32>} : memref<3904xi32, #tpu.memory_space<vmem>>, vector<16xi32>,
          %swap3A_308 = arith.constant 48 : index
          %swap3A_309 = tpu.vector_load %arg11[%swap3A_308] {strides = array<i32>} : memref<64xi32, #tpu.memory_space<vmem>>, vector<16xi32>,
          tpu.vector_store %arg11[%swap3A_308], %get3A_307 {strides = array<i32>} : memref<64xi32, #tpu.memory_space<vmem>>, vector<16xi32>,
          %dma_start3A = arith.constant 0 : i32
          %dma_start3A_310 = arith.constant 0 : i32
          %dma_start3A_311 = tpu.memref_slice %arg2[%dma_start3A, %dma_start3A_310] : memref<51200x128xf32, #tpu.memory_space<hbm>> -> memref<51200x128xf32, #tpu.memory_space<hbm>>
          tpu.enqueue_indirect_dma source(%dma_start3A_311 : memref<51200x128xf32, #tpu.memory_space<hbm>>) target(%arg13 : memref<64x128xf32, #tpu.memory_space<vmem>>) offsets(%arg9 : memref<64xi32, #tpu.memory_space<vmem>>) semaphore(%arg15 : memref<!tpu.dma_semaphore, #tpu.memory_space<semaphore_mem>>)
        } else {
        }
        %mul3A_230 = arith.constant 2 : i32
        %mul3A_231 = arith.muli %while3A_191, %mul3A_230 : i32
        %add3A_232 = arith.constant 0 : i32
        %add3A_233 = arith.addi %mul3A_231, %add3A_232 : i32
        %lt3A_234 = arith.cmpi slt, %add3A_233, %select_n3A : i32
        %convert_element_type3A_235 = arith.extui %lt3A_234 : i1 to i32
        %cond3A_236 = arith.constant 0 : i32
        %cond3A_237 = arith.cmpi ne, %convert_element_type3A_235, %cond3A_236 : i32
        scf.if %cond3A_237 {
          %dma_wait3A = arith.constant 0 : i32
          %dma_wait3A_247 = arith.constant 0 : i32
          %dma_wait3A_248 = tpu.memref_slice %arg2[%dma_wait3A, %dma_wait3A_247] : memref<51200x128xf32, #tpu.memory_space<hbm>> -> memref<51200x128xf32, #tpu.memory_space<hbm>>
          tpu.wait_indirect_dma semaphore(%arg14 : memref<!tpu.dma_semaphore, #tpu.memory_space<semaphore_mem>>) src(%dma_wait3A_248 : memref<51200x128xf32, #tpu.memory_space<hbm>>) dst(%arg12 : memref<64x128xf32, #tpu.memory_space<vmem>>)
          %dma_start3A = arith.constant 0 : i32
          %dma_start3A_249 = arith.constant 0 : i32
          %dma_start3A_250 = tpu.memref_slice %arg18[%dma_start3A, %dma_start3A_249] : memref<12808x128xf32, #tpu.memory_space<vmem_shared>> -> memref<12808x128xf32, #tpu.memory_space<vmem_shared>>
          tpu.enqueue_indirect_dma source(%arg12 : memref<64x128xf32, #tpu.memory_space<vmem>>) target(%dma_start3A_250 : memref<12808x128xf32, #tpu.memory_space<vmem_shared>>) offsets(%arg10 : memref<64xi32, #tpu.memory_space<vmem>>) semaphore(%arg16 : memref<!tpu.dma_semaphore, #tpu.memory_space<semaphore_mem>>) {add = true}
        } else {
        }
        %mul3A_238 = arith.constant 2 : i32
        %mul3A_239 = arith.muli %while3A_191, %mul3A_238 : i32
        %add3A_240 = arith.constant 1 : i32
        %add3A_241 = arith.addi %mul3A_239, %add3A_240 : i32
        %lt3A_242 = arith.cmpi slt, %add3A_241, %select_n3A : i32
        %convert_element_type3A_243 = arith.extui %lt3A_242 : i1 to i32
        %cond3A_244 = arith.constant 0 : i32
        %cond3A_245 = arith.cmpi ne, %convert_element_type3A_243, %cond3A_244 : i32
        scf.if %cond3A_245 {
          %dma_wait3A = arith.constant 0 : i32
          %dma_wait3A_247 = arith.constant 0 : i32
          %dma_wait3A_248 = tpu.memref_slice %arg2[%dma_wait3A, %dma_wait3A_247] : memref<51200x128xf32, #tpu.memory_space<hbm>> -> memref<51200x128xf32, #tpu.memory_space<hbm>>
          tpu.wait_indirect_dma semaphore(%arg15 : memref<!tpu.dma_semaphore, #tpu.memory_space<semaphore_mem>>) src(%dma_wait3A_248 : memref<51200x128xf32, #tpu.memory_space<hbm>>) dst(%arg13 : memref<64x128xf32, #tpu.memory_space<vmem>>)
          %dma_start3A = arith.constant 0 : i32
          %dma_start3A_249 = arith.constant 0 : i32
          %dma_start3A_250 = tpu.memref_slice %arg18[%dma_start3A, %dma_start3A_249] : memref<12808x128xf32, #tpu.memory_space<vmem_shared>> -> memref<12808x128xf32, #tpu.memory_space<vmem_shared>>
          tpu.enqueue_indirect_dma source(%arg13 : memref<64x128xf32, #tpu.memory_space<vmem>>) target(%dma_start3A_250 : memref<12808x128xf32, #tpu.memory_space<vmem_shared>>) offsets(%arg11 : memref<64xi32, #tpu.memory_space<vmem>>) semaphore(%arg17 : memref<!tpu.dma_semaphore, #tpu.memory_space<semaphore_mem>>) {add = true}
        } else {
        }
        %while3A_246 = arith.constant 0 : i32
        scf.yield %while3A_246 : i32
      }
      %while3A_181 = arith.constant 1 : i32
      %while3A_182 = scf.for %while3A_191 = %while3A_178 to %while3A_174 step %while3A_181 iter_args(%while3A_192 = %while3A_180) -> (i32)  : i32 {
        %mul3A_193 = arith.constant 2 : i32
        %mul3A_194 = arith.muli %while3A_191, %mul3A_193 : i32
        %add3A_195 = arith.constant 0 : i32
        %add3A_196 = arith.addi %mul3A_194, %add3A_195 : i32
        %lt3A = arith.cmpi slt, %add3A_196, %select_n3A : i32
        %gt3A_197 = arith.constant 0 : i32
        %gt3A_198 = arith.cmpi sgt, %while3A_191, %gt3A_197 : i32
        %and3A_199 = arith.andi %lt3A, %gt3A_198 : i1
        %convert_element_type3A_200 = arith.extui %and3A_199 : i1 to i32
        %cond3A_201 = arith.constant 0 : i32
        %cond3A_202 = arith.cmpi ne, %convert_element_type3A_200, %cond3A_201 : i32
        scf.if %cond3A_202 {
          %dma_wait3A = arith.constant 0 : i32
          %dma_wait3A_247 = arith.constant 0 : i32
          %dma_wait3A_248 = tpu.memref_slice %arg18[%dma_wait3A, %dma_wait3A_247] : memref<12808x128xf32, #tpu.memory_space<vmem_shared>> -> memref<12808x128xf32, #tpu.memory_space<vmem_shared>>
          tpu.wait_indirect_dma semaphore(%arg16 : memref<!tpu.dma_semaphore, #tpu.memory_space<semaphore_mem>>) src(%arg12 : memref<64x128xf32, #tpu.memory_space<vmem>>) dst(%dma_wait3A_248 : memref<12808x128xf32, #tpu.memory_space<vmem_shared>>)
        } else {
        }
        %mul3A_203 = arith.constant 2 : i32
        %mul3A_204 = arith.muli %while3A_191, %mul3A_203 : i32
        %add3A_205 = arith.constant 1 : i32
        %add3A_206 = arith.addi %mul3A_204, %add3A_205 : i32
        %lt3A_207 = arith.cmpi slt, %add3A_206, %select_n3A : i32
        %gt3A_208 = arith.constant 0 : i32
        %gt3A_209 = arith.cmpi sgt, %while3A_191, %gt3A_208 : i32
        %and3A_210 = arith.andi %lt3A_207, %gt3A_209 : i1
        %convert_element_type3A_211 = arith.extui %and3A_210 : i1 to i32
        %cond3A_212 = arith.constant 0 : i32
        %cond3A_213 = arith.cmpi ne, %convert_element_type3A_211, %cond3A_212 : i32
        scf.if %cond3A_213 {
          %dma_wait3A = arith.constant 0 : i32
          %dma_wait3A_247 = arith.constant 0 : i32
          %dma_wait3A_248 = tpu.memref_slice %arg18[%dma_wait3A, %dma_wait3A_247] : memref<12808x128xf32, #tpu.memory_space<vmem_shared>> -> memref<12808x128xf32, #tpu.memory_space<vmem_shared>>
          tpu.wait_indirect_dma semaphore(%arg17 : memref<!tpu.dma_semaphore, #tpu.memory_space<semaphore_mem>>) src(%arg13 : memref<64x128xf32, #tpu.memory_space<vmem>>) dst(%dma_wait3A_248 : memref<12808x128xf32, #tpu.memory_space<vmem_shared>>)
        } else {
        }
        %mul3A_214 = arith.constant 2 : i32
        %mul3A_215 = arith.muli %while3A_191, %mul3A_214 : i32
        %add3A_216 = arith.constant 0 : i32
        %add3A_217 = arith.addi %mul3A_215, %add3A_216 : i32
        %lt3A_218 = arith.cmpi slt, %add3A_217, %select_n3A : i32
        %convert_element_type3A_219 = arith.extui %lt3A_218 : i1 to i32
        %cond3A_220 = arith.constant 0 : i32
        %cond3A_221 = arith.cmpi ne, %convert_element_type3A_219, %cond3A_220 : i32
        scf.if %cond3A_221 {
          %mul3A_247 = arith.constant 64 : i32
          %mul3A_248 = arith.muli %add3A_217, %mul3A_247 : i32
          %add3A_249 = arith.constant 0 : i32
          %add3A_250 = arith.addi %mul3A_248, %add3A_249 : i32
          %get3A = arith.index_cast %add3A_250 : i32 to index
          %get3A_251 = tpu.vector_load %arg6[%get3A] {strides = array<i32>} : memref<3904xi32, #tpu.memory_space<vmem>>, vector<16xi32>,
          %swap3A_252 = arith.constant 0 : index
          %swap3A_253 = tpu.vector_load %arg8[%swap3A_252] {strides = array<i32>} : memref<64xi32, #tpu.memory_space<vmem>>, vector<16xi32>,
          tpu.vector_store %arg8[%swap3A_252], %get3A_251 {strides = array<i32>} : memref<64xi32, #tpu.memory_space<vmem>>, vector<16xi32>,
          %mul3A_254 = arith.constant 64 : i32
          %mul3A_255 = arith.muli %add3A_217, %mul3A_254 : i32
          %add3A_256 = arith.constant 0 : i32
          %add3A_257 = arith.addi %mul3A_255, %add3A_256 : i32
          %get3A_258 = arith.index_cast %add3A_257 : i32 to index
          %get3A_259 = tpu.vector_load %arg7[%get3A_258] {strides = array<i32>} : memref<3904xi32, #tpu.memory_space<vmem>>, vector<16xi32>,
          %swap3A_260 = arith.constant 0 : index
          %swap3A_261 = tpu.vector_load %arg10[%swap3A_260] {strides = array<i32>} : memref<64xi32, #tpu.memory_space<vmem>>, vector<16xi32>,
          tpu.vector_store %arg10[%swap3A_260], %get3A_259 {strides = array<i32>} : memref<64xi32, #tpu.memory_space<vmem>>, vector<16xi32>,
          %mul3A_262 = arith.constant 64 : i32
          %mul3A_263 = arith.muli %add3A_217, %mul3A_262 : i32
          %add3A_264 = arith.constant 16 : i32
          %add3A_265 = arith.addi %mul3A_263, %add3A_264 : i32
          %get3A_266 = arith.index_cast %add3A_265 : i32 to index
          %get3A_267 = tpu.vector_load %arg6[%get3A_266] {strides = array<i32>} : memref<3904xi32, #tpu.memory_space<vmem>>, vector<16xi32>,
          %swap3A_268 = arith.constant 16 : index
          %swap3A_269 = tpu.vector_load %arg8[%swap3A_268] {strides = array<i32>} : memref<64xi32, #tpu.memory_space<vmem>>, vector<16xi32>,
          tpu.vector_store %arg8[%swap3A_268], %get3A_267 {strides = array<i32>} : memref<64xi32, #tpu.memory_space<vmem>>, vector<16xi32>,
          %mul3A_270 = arith.constant 64 : i32
          %mul3A_271 = arith.muli %add3A_217, %mul3A_270 : i32
          %add3A_272 = arith.constant 16 : i32
          %add3A_273 = arith.addi %mul3A_271, %add3A_272 : i32
          %get3A_274 = arith.index_cast %add3A_273 : i32 to index
          %get3A_275 = tpu.vector_load %arg7[%get3A_274] {strides = array<i32>} : memref<3904xi32, #tpu.memory_space<vmem>>, vector<16xi32>,
          %swap3A_276 = arith.constant 16 : index
          %swap3A_277 = tpu.vector_load %arg10[%swap3A_276] {strides = array<i32>} : memref<64xi32, #tpu.memory_space<vmem>>, vector<16xi32>,
          tpu.vector_store %arg10[%swap3A_276], %get3A_275 {strides = array<i32>} : memref<64xi32, #tpu.memory_space<vmem>>, vector<16xi32>,
          %mul3A_278 = arith.constant 64 : i32
          %mul3A_279 = arith.muli %add3A_217, %mul3A_278 : i32
          %add3A_280 = arith.constant 32 : i32
          %add3A_281 = arith.addi %mul3A_279, %add3A_280 : i32
          %get3A_282 = arith.index_cast %add3A_281 : i32 to index
          %get3A_283 = tpu.vector_load %arg6[%get3A_282] {strides = array<i32>} : memref<3904xi32, #tpu.memory_space<vmem>>, vector<16xi32>,
          %swap3A_284 = arith.constant 32 : index
          %swap3A_285 = tpu.vector_load %arg8[%swap3A_284] {strides = array<i32>} : memref<64xi32, #tpu.memory_space<vmem>>, vector<16xi32>,
          tpu.vector_store %arg8[%swap3A_284], %get3A_283 {strides = array<i32>} : memref<64xi32, #tpu.memory_space<vmem>>, vector<16xi32>,
          %mul3A_286 = arith.constant 64 : i32
          %mul3A_287 = arith.muli %add3A_217, %mul3A_286 : i32
          %add3A_288 = arith.constant 32 : i32
          %add3A_289 = arith.addi %mul3A_287, %add3A_288 : i32
          %get3A_290 = arith.index_cast %add3A_289 : i32 to index
          %get3A_291 = tpu.vector_load %arg7[%get3A_290] {strides = array<i32>} : memref<3904xi32, #tpu.memory_space<vmem>>, vector<16xi32>,
          %swap3A_292 = arith.constant 32 : index
          %swap3A_293 = tpu.vector_load %arg10[%swap3A_292] {strides = array<i32>} : memref<64xi32, #tpu.memory_space<vmem>>, vector<16xi32>,
          tpu.vector_store %arg10[%swap3A_292], %get3A_291 {strides = array<i32>} : memref<64xi32, #tpu.memory_space<vmem>>, vector<16xi32>,
          %mul3A_294 = arith.constant 64 : i32
          %mul3A_295 = arith.muli %add3A_217, %mul3A_294 : i32
          %add3A_296 = arith.constant 48 : i32
          %add3A_297 = arith.addi %mul3A_295, %add3A_296 : i32
          %get3A_298 = arith.index_cast %add3A_297 : i32 to index
          %get3A_299 = tpu.vector_load %arg6[%get3A_298] {strides = array<i32>} : memref<3904xi32, #tpu.memory_space<vmem>>, vector<16xi32>,
          %swap3A_300 = arith.constant 48 : index
          %swap3A_301 = tpu.vector_load %arg8[%swap3A_300] {strides = array<i32>} : memref<64xi32, #tpu.memory_space<vmem>>, vector<16xi32>,
          tpu.vector_store %arg8[%swap3A_300], %get3A_299 {strides = array<i32>} : memref<64xi32, #tpu.memory_space<vmem>>, vector<16xi32>,
          %mul3A_302 = arith.constant 64 : i32
          %mul3A_303 = arith.muli %add3A_217, %mul3A_302 : i32
          %add3A_304 = arith.constant 48 : i32
          %add3A_305 = arith.addi %mul3A_303, %add3A_304 : i32
          %get3A_306 = arith.index_cast %add3A_305 : i32 to index
          %get3A_307 = tpu.vector_load %arg7[%get3A_306] {strides = array<i32>} : memref<3904xi32, #tpu.memory_space<vmem>>, vector<16xi32>,
          %swap3A_308 = arith.constant 48 : index
          %swap3A_309 = tpu.vector_load %arg10[%swap3A_308] {strides = array<i32>} : memref<64xi32, #tpu.memory_space<vmem>>, vector<16xi32>,
          tpu.vector_store %arg10[%swap3A_308], %get3A_307 {strides = array<i32>} : memref<64xi32, #tpu.memory_space<vmem>>, vector<16xi32>,
          %dma_start3A = arith.constant 0 : i32
          %dma_start3A_310 = arith.constant 0 : i32
          %dma_start3A_311 = tpu.memref_slice %arg2[%dma_start3A, %dma_start3A_310] : memref<51200x128xf32, #tpu.memory_space<hbm>> -> memref<51200x128xf32, #tpu.memory_space<hbm>>
          tpu.enqueue_indirect_dma source(%dma_start3A_311 : memref<51200x128xf32, #tpu.memory_space<hbm>>) target(%arg12 : memref<64x128xf32, #tpu.memory_space<vmem>>) offsets(%arg8 : memref<64xi32, #tpu.memory_space<vmem>>) semaphore(%arg14 : memref<!tpu.dma_semaphore, #tpu.memory_space<semaphore_mem>>)
        } else {
        }
        %mul3A_222 = arith.constant 2 : i32
        %mul3A_223 = arith.muli %while3A_191, %mul3A_222 : i32
        %add3A_224 = arith.constant 1 : i32
        %add3A_225 = arith.addi %mul3A_223, %add3A_224 : i32
        %lt3A_226 = arith.cmpi slt, %add3A_225, %select_n3A : i32
        %convert_element_type3A_227 = arith.extui %lt3A_226 : i1 to i32
        %cond3A_228 = arith.constant 0 : i32
        %cond3A_229 = arith.cmpi ne, %convert_element_type3A_227, %cond3A_228 : i32
        scf.if %cond3A_229 {
          %mul3A_247 = arith.constant 64 : i32
          %mul3A_248 = arith.muli %add3A_225, %mul3A_247 : i32
          %add3A_249 = arith.constant 0 : i32
          %add3A_250 = arith.addi %mul3A_248, %add3A_249 : i32
          %get3A = arith.index_cast %add3A_250 : i32 to index
          %get3A_251 = tpu.vector_load %arg6[%get3A] {strides = array<i32>} : memref<3904xi32, #tpu.memory_space<vmem>>, vector<16xi32>,
          %swap3A_252 = arith.constant 0 : index
          %swap3A_253 = tpu.vector_load %arg9[%swap3A_252] {strides = array<i32>} : memref<64xi32, #tpu.memory_space<vmem>>, vector<16xi32>,
          tpu.vector_store %arg9[%swap3A_252], %get3A_251 {strides = array<i32>} : memref<64xi32, #tpu.memory_space<vmem>>, vector<16xi32>,
          %mul3A_254 = arith.constant 64 : i32
          %mul3A_255 = arith.muli %add3A_225, %mul3A_254 : i32
          %add3A_256 = arith.constant 0 : i32
          %add3A_257 = arith.addi %mul3A_255, %add3A_256 : i32
          %get3A_258 = arith.index_cast %add3A_257 : i32 to index
          %get3A_259 = tpu.vector_load %arg7[%get3A_258] {strides = array<i32>} : memref<3904xi32, #tpu.memory_space<vmem>>, vector<16xi32>,
          %swap3A_260 = arith.constant 0 : index
          %swap3A_261 = tpu.vector_load %arg11[%swap3A_260] {strides = array<i32>} : memref<64xi32, #tpu.memory_space<vmem>>, vector<16xi32>,
          tpu.vector_store %arg11[%swap3A_260], %get3A_259 {strides = array<i32>} : memref<64xi32, #tpu.memory_space<vmem>>, vector<16xi32>,
          %mul3A_262 = arith.constant 64 : i32
          %mul3A_263 = arith.muli %add3A_225, %mul3A_262 : i32
          %add3A_264 = arith.constant 16 : i32
          %add3A_265 = arith.addi %mul3A_263, %add3A_264 : i32
          %get3A_266 = arith.index_cast %add3A_265 : i32 to index
          %get3A_267 = tpu.vector_load %arg6[%get3A_266] {strides = array<i32>} : memref<3904xi32, #tpu.memory_space<vmem>>, vector<16xi32>,
          %swap3A_268 = arith.constant 16 : index
          %swap3A_269 = tpu.vector_load %arg9[%swap3A_268] {strides = array<i32>} : memref<64xi32, #tpu.memory_space<vmem>>, vector<16xi32>,
          tpu.vector_store %arg9[%swap3A_268], %get3A_267 {strides = array<i32>} : memref<64xi32, #tpu.memory_space<vmem>>, vector<16xi32>,
          %mul3A_270 = arith.constant 64 : i32
          %mul3A_271 = arith.muli %add3A_225, %mul3A_270 : i32
          %add3A_272 = arith.constant 16 : i32
          %add3A_273 = arith.addi %mul3A_271, %add3A_272 : i32
          %get3A_274 = arith.index_cast %add3A_273 : i32 to index
          %get3A_275 = tpu.vector_load %arg7[%get3A_274] {strides = array<i32>} : memref<3904xi32, #tpu.memory_space<vmem>>, vector<16xi32>,
          %swap3A_276 = arith.constant 16 : index
          %swap3A_277 = tpu.vector_load %arg11[%swap3A_276] {strides = array<i32>} : memref<64xi32, #tpu.memory_space<vmem>>, vector<16xi32>,
          tpu.vector_store %arg11[%swap3A_276], %get3A_275 {strides = array<i32>} : memref<64xi32, #tpu.memory_space<vmem>>, vector<16xi32>,
          %mul3A_278 = arith.constant 64 : i32
          %mul3A_279 = arith.muli %add3A_225, %mul3A_278 : i32
          %add3A_280 = arith.constant 32 : i32
          %add3A_281 = arith.addi %mul3A_279, %add3A_280 : i32
          %get3A_282 = arith.index_cast %add3A_281 : i32 to index
          %get3A_283 = tpu.vector_load %arg6[%get3A_282] {strides = array<i32>} : memref<3904xi32, #tpu.memory_space<vmem>>, vector<16xi32>,
          %swap3A_284 = arith.constant 32 : index
          %swap3A_285 = tpu.vector_load %arg9[%swap3A_284] {strides = array<i32>} : memref<64xi32, #tpu.memory_space<vmem>>, vector<16xi32>,
          tpu.vector_store %arg9[%swap3A_284], %get3A_283 {strides = array<i32>} : memref<64xi32, #tpu.memory_space<vmem>>, vector<16xi32>,
          %mul3A_286 = arith.constant 64 : i32
          %mul3A_287 = arith.muli %add3A_225, %mul3A_286 : i32
          %add3A_288 = arith.constant 32 : i32
          %add3A_289 = arith.addi %mul3A_287, %add3A_288 : i32
          %get3A_290 = arith.index_cast %add3A_289 : i32 to index
          %get3A_291 = tpu.vector_load %arg7[%get3A_290] {strides = array<i32>} : memref<3904xi32, #tpu.memory_space<vmem>>, vector<16xi32>,
          %swap3A_292 = arith.constant 32 : index
          %swap3A_293 = tpu.vector_load %arg11[%swap3A_292] {strides = array<i32>} : memref<64xi32, #tpu.memory_space<vmem>>, vector<16xi32>,
          tpu.vector_store %arg11[%swap3A_292], %get3A_291 {strides = array<i32>} : memref<64xi32, #tpu.memory_space<vmem>>, vector<16xi32>,
          %mul3A_294 = arith.constant 64 : i32
          %mul3A_295 = arith.muli %add3A_225, %mul3A_294 : i32
          %add3A_296 = arith.constant 48 : i32
          %add3A_297 = arith.addi %mul3A_295, %add3A_296 : i32
          %get3A_298 = arith.index_cast %add3A_297 : i32 to index
          %get3A_299 = tpu.vector_load %arg6[%get3A_298] {strides = array<i32>} : memref<3904xi32, #tpu.memory_space<vmem>>, vector<16xi32>,
          %swap3A_300 = arith.constant 48 : index
          %swap3A_301 = tpu.vector_load %arg9[%swap3A_300] {strides = array<i32>} : memref<64xi32, #tpu.memory_space<vmem>>, vector<16xi32>,
          tpu.vector_store %arg9[%swap3A_300], %get3A_299 {strides = array<i32>} : memref<64xi32, #tpu.memory_space<vmem>>, vector<16xi32>,
          %mul3A_302 = arith.constant 64 : i32
          %mul3A_303 = arith.muli %add3A_225, %mul3A_302 : i32
          %add3A_304 = arith.constant 48 : i32
          %add3A_305 = arith.addi %mul3A_303, %add3A_304 : i32
          %get3A_306 = arith.index_cast %add3A_305 : i32 to index
          %get3A_307 = tpu.vector_load %arg7[%get3A_306] {strides = array<i32>} : memref<3904xi32, #tpu.memory_space<vmem>>, vector<16xi32>,
          %swap3A_308 = arith.constant 48 : index
          %swap3A_309 = tpu.vector_load %arg11[%swap3A_308] {strides = array<i32>} : memref<64xi32, #tpu.memory_space<vmem>>, vector<16xi32>,
          tpu.vector_store %arg11[%swap3A_308], %get3A_307 {strides = array<i32>} : memref<64xi32, #tpu.memory_space<vmem>>, vector<16xi32>,
          %dma_start3A = arith.constant 0 : i32
          %dma_start3A_310 = arith.constant 0 : i32
          %dma_start3A_311 = tpu.memref_slice %arg2[%dma_start3A, %dma_start3A_310] : memref<51200x128xf32, #tpu.memory_space<hbm>> -> memref<51200x128xf32, #tpu.memory_space<hbm>>
          tpu.enqueue_indirect_dma source(%dma_start3A_311 : memref<51200x128xf32, #tpu.memory_space<hbm>>) target(%arg13 : memref<64x128xf32, #tpu.memory_space<vmem>>) offsets(%arg9 : memref<64xi32, #tpu.memory_space<vmem>>) semaphore(%arg15 : memref<!tpu.dma_semaphore, #tpu.memory_space<semaphore_mem>>)
        } else {
        }
        %mul3A_230 = arith.constant 2 : i32
        %mul3A_231 = arith.muli %while3A_191, %mul3A_230 : i32
        %add3A_232 = arith.constant 0 : i32
        %add3A_233 = arith.addi %mul3A_231, %add3A_232 : i32
        %lt3A_234 = arith.cmpi slt, %add3A_233, %select_n3A : i32
        %convert_element_type3A_235 = arith.extui %lt3A_234 : i1 to i32
        %cond3A_236 = arith.constant 0 : i32
        %cond3A_237 = arith.cmpi ne, %convert_element_type3A_235, %cond3A_236 : i32
        scf.if %cond3A_237 {
          %dma_wait3A = arith.constant 0 : i32
          %dma_wait3A_247 = arith.constant 0 : i32
          %dma_wait3A_248 = tpu.memref_slice %arg2[%dma_wait3A, %dma_wait3A_247] : memref<51200x128xf32, #tpu.memory_space<hbm>> -> memref<51200x128xf32, #tpu.memory_space<hbm>>
          tpu.wait_indirect_dma semaphore(%arg14 : memref<!tpu.dma_semaphore, #tpu.memory_space<semaphore_mem>>) src(%dma_wait3A_248 : memref<51200x128xf32, #tpu.memory_space<hbm>>) dst(%arg12 : memref<64x128xf32, #tpu.memory_space<vmem>>)
          %dma_start3A = arith.constant 0 : i32
          %dma_start3A_249 = arith.constant 0 : i32
          %dma_start3A_250 = tpu.memref_slice %arg18[%dma_start3A, %dma_start3A_249] : memref<12808x128xf32, #tpu.memory_space<vmem_shared>> -> memref<12808x128xf32, #tpu.memory_space<vmem_shared>>
          tpu.enqueue_indirect_dma source(%arg12 : memref<64x128xf32, #tpu.memory_space<vmem>>) target(%dma_start3A_250 : memref<12808x128xf32, #tpu.memory_space<vmem_shared>>) offsets(%arg10 : memref<64xi32, #tpu.memory_space<vmem>>) semaphore(%arg16 : memref<!tpu.dma_semaphore, #tpu.memory_space<semaphore_mem>>) {add = true}
        } else {
        }
        %mul3A_238 = arith.constant 2 : i32
        %mul3A_239 = arith.muli %while3A_191, %mul3A_238 : i32
        %add3A_240 = arith.constant 1 : i32
        %add3A_241 = arith.addi %mul3A_239, %add3A_240 : i32
        %lt3A_242 = arith.cmpi slt, %add3A_241, %select_n3A : i32
        %convert_element_type3A_243 = arith.extui %lt3A_242 : i1 to i32
        %cond3A_244 = arith.constant 0 : i32
        %cond3A_245 = arith.cmpi ne, %convert_element_type3A_243, %cond3A_244 : i32
        scf.if %cond3A_245 {
          %dma_wait3A = arith.constant 0 : i32
          %dma_wait3A_247 = arith.constant 0 : i32
          %dma_wait3A_248 = tpu.memref_slice %arg2[%dma_wait3A, %dma_wait3A_247] : memref<51200x128xf32, #tpu.memory_space<hbm>> -> memref<51200x128xf32, #tpu.memory_space<hbm>>
          tpu.wait_indirect_dma semaphore(%arg15 : memref<!tpu.dma_semaphore, #tpu.memory_space<semaphore_mem>>) src(%dma_wait3A_248 : memref<51200x128xf32, #tpu.memory_space<hbm>>) dst(%arg13 : memref<64x128xf32, #tpu.memory_space<vmem>>)
          %dma_start3A = arith.constant 0 : i32
          %dma_start3A_249 = arith.constant 0 : i32
          %dma_start3A_250 = tpu.memref_slice %arg18[%dma_start3A, %dma_start3A_249] : memref<12808x128xf32, #tpu.memory_space<vmem_shared>> -> memref<12808x128xf32, #tpu.memory_space<vmem_shared>>
          tpu.enqueue_indirect_dma source(%arg13 : memref<64x128xf32, #tpu.memory_space<vmem>>) target(%dma_start3A_250 : memref<12808x128xf32, #tpu.memory_space<vmem_shared>>) offsets(%arg11 : memref<64xi32, #tpu.memory_space<vmem>>) semaphore(%arg17 : memref<!tpu.dma_semaphore, #tpu.memory_space<semaphore_mem>>) {add = true}
        } else {
        }
        %while3A_246 = arith.constant 0 : i32
        scf.yield %while3A_246 : i32
      }
      %gt3A = arith.constant 0 : i32
      %gt3A_183 = arith.cmpi sgt, %select_n3A, %gt3A : i32
      %convert_element_type3A = arith.extui %gt3A_183 : i1 to i32
      %cond3A = arith.constant 0 : i32
      %cond3A_184 = arith.cmpi ne, %convert_element_type3A, %cond3A : i32
      scf.if %cond3A_184 {
        %dma_wait3A = arith.constant 0 : i32
        %dma_wait3A_191 = arith.constant 0 : i32
        %dma_wait3A_192 = tpu.memref_slice %arg18[%dma_wait3A, %dma_wait3A_191] : memref<12808x128xf32, #tpu.memory_space<vmem_shared>> -> memref<12808x128xf32, #tpu.memory_space<vmem_shared>>
        tpu.wait_indirect_dma semaphore(%arg16 : memref<!tpu.dma_semaphore, #tpu.memory_space<semaphore_mem>>) src(%arg12 : memref<64x128xf32, #tpu.memory_space<vmem>>) dst(%dma_wait3A_192 : memref<12808x128xf32, #tpu.memory_space<vmem_shared>>)
      } else {
      }
      %gt3A_185 = arith.constant 1 : i32
      %gt3A_186 = arith.cmpi sgt, %select_n3A, %gt3A_185 : i32
      %convert_element_type3A_187 = arith.extui %gt3A_186 : i1 to i32
      %cond3A_188 = arith.constant 0 : i32
      %cond3A_189 = arith.cmpi ne, %convert_element_type3A_187, %cond3A_188 : i32
      scf.if %cond3A_189 {
        %dma_wait3A = arith.constant 0 : i32
        %dma_wait3A_191 = arith.constant 0 : i32
        %dma_wait3A_192 = tpu.memref_slice %arg18[%dma_wait3A, %dma_wait3A_191] : memref<12808x128xf32, #tpu.memory_space<vmem_shared>> -> memref<12808x128xf32, #tpu.memory_space<vmem_shared>>
        tpu.wait_indirect_dma semaphore(%arg17 : memref<!tpu.dma_semaphore, #tpu.memory_space<semaphore_mem>>) src(%arg13 : memref<64x128xf32, #tpu.memory_space<vmem>>) dst(%dma_wait3A_192 : memref<12808x128xf32, #tpu.memory_space<vmem_shared>>)
      } else {
      }
      %scan3A_190 = arith.constant 0 : i32
      scf.yield %scan3A_190 : i32
    }
    %scan3A_11 = arith.constant 10 : i32
    %barrier3A_12 = arith.constant 0 : index
    tpu.barrier barrier_id(%barrier3A_12)
    %mul3A_13 = arith.constant 800 : i32
    %mul3A_14 = arith.muli %arg1, %mul3A_13 : i32
    %mul3A_15 = arith.constant 800 : i32
    %mul3A_16 = arith.muli %arg1, %mul3A_15 : i32
    %add3A_17 = arith.addi %mul3A_3, %mul3A_16 : i32
    "tpu.region"() ({
      %run_scoped3A = tpu.sem_alloc : memref<!tpu.dma_semaphore, #tpu.memory_space<semaphore_mem>>
      %dma_start3A = arith.constant 0 : i32
      %dma_start3A_42 = tpu.memref_slice %arg5[%add3A_17, %dma_start3A] : memref<51200x128xf32, #tpu.memory_space<hbm>> -> memref<800x128xf32, #tpu.memory_space<hbm>>
      %dma_start3A_43 = arith.constant 0 : i32
      %dma_start3A_44 = tpu.memref_slice %arg18[%mul3A_14, %dma_start3A_43] : memref<12808x128xf32, #tpu.memory_space<vmem_shared>> -> memref<800x128xf32, #tpu.memory_space<vmem_shared>>
      tpu.enqueue_dma source(%dma_start3A_44 : memref<800x128xf32, #tpu.memory_space<vmem_shared>>) target(%dma_start3A_42 : memref<800x128xf32, #tpu.memory_space<hbm>>) target_semaphore(%run_scoped3A : memref<!tpu.dma_semaphore, #tpu.memory_space<semaphore_mem>>)
      %dma_wait3A = arith.constant 0 : i32
      %dma_wait3A_45 = tpu.memref_slice %arg5[%add3A_17, %dma_wait3A] : memref<51200x128xf32, #tpu.memory_space<hbm>> -> memref<800x128xf32, #tpu.memory_space<hbm>>
      %dma_wait3A_46 = arith.constant 0 : i32
      %dma_wait3A_47 = tpu.memref_slice %arg18[%mul3A_14, %dma_wait3A_46] : memref<12808x128xf32, #tpu.memory_space<vmem_shared>> -> memref<800x128xf32, #tpu.memory_space<vmem_shared>>
      tpu.wait_dma2 semaphore(%run_scoped3A : memref<!tpu.dma_semaphore, #tpu.memory_space<semaphore_mem>>) src(%dma_wait3A_47 : memref<800x128xf32, #tpu.memory_space<vmem_shared>>) dst(%dma_wait3A_45 : memref<800x128xf32, #tpu.memory_space<hbm>>)
      tpu.yield
    }) : () -> ()
    %barrier3A_18 = arith.constant 0 : index
    tpu.barrier barrier_id(%barrier3A_18)
    %mul3A_19 = arith.constant 2 : i32
    %mul3A_20 = arith.muli %arg0, %mul3A_19 : i32
    %add3A_21 = arith.constant 1 : i32
    %add3A_22 = arith.addi %mul3A_20, %add3A_21 : i32
    %mul3A_23 = arith.constant 12800 : i32
    %mul3A_24 = arith.muli %add3A_22, %mul3A_23 : i32
    %mul3A_25 = arith.constant 800 : i32
    %mul3A_26 = arith.muli %arg1, %mul3A_25 : i32
    "tpu.region"() ({
      %run_scoped3A = tpu.sem_alloc : memref<!tpu.dma_semaphore, #tpu.memory_space<semaphore_mem>>
      %dma_start3A = arith.constant 0 : i32
      %dma_start3A_42 = tpu.memref_slice %arg18[%mul3A_26, %dma_start3A] : memref<12808x128xf32, #tpu.memory_space<vmem_shared>> -> memref<800x128xf32, #tpu.memory_space<vmem_shared>>
      tpu.enqueue_dma source(%arg4 : memref<800x128xf32, #tpu.memory_space<hbm>>) target(%dma_start3A_42 : memref<800x128xf32, #tpu.memory_space<vmem_shared>>) target_semaphore(%run_scoped3A : memref<!tpu.dma_semaphore, #tpu.memory_space<semaphore_mem>>)
      %dma_wait3A = arith.constant 0 : i32
      %dma_wait3A_43 = tpu.memref_slice %arg18[%mul3A_26, %dma_wait3A] : memref<12808x128xf32, #tpu.memory_space<vmem_shared>> -> memref<800x128xf32, #tpu.memory_space<vmem_shared>>
      tpu.wait_dma2 semaphore(%run_scoped3A : memref<!tpu.dma_semaphore, #tpu.memory_space<semaphore_mem>>) src(%arg4 : memref<800x128xf32, #tpu.memory_space<hbm>>) dst(%dma_wait3A_43 : memref<800x128xf32, #tpu.memory_space<vmem_shared>>)
      tpu.yield
    }) : () -> ()
    %barrier3A_27 = arith.constant 0 : index
    tpu.barrier barrier_id(%barrier3A_27)
    %scan3A_28 = arith.constant 0 : i32
    %scan3A_29 = arith.constant 0 : i32
    %scan3A_30 = arith.constant 10 : i32
    %scan3A_31 = arith.addi %scan3A_29, %scan3A_30 : i32
    %scan3A_32 = arith.constant 1 : i32
    %scan3A_33 = scf.for %scan3A_42 = %scan3A_29 to %scan3A_31 step %scan3A_32 iter_args(%scan3A_43 = %scan3A_28) -> (i32)  : i32 {
      %mul3A_44 = arith.constant 38400 : i32
      %mul3A_45 = arith.muli %arg1, %mul3A_44 : i32
      %mul3A_46 = arith.constant 3840 : i32
      %mul3A_47 = arith.muli %scan3A_42, %mul3A_46 : i32
      %add3A_48 = arith.addi %mul3A_45, %mul3A_47 : i32
      %run_scoped3A = arith.constant 0 : i32
      "tpu.region"() ({
        %run_scoped3A_191 = tpu.sem_alloc : memref<!tpu.dma_semaphore, #tpu.memory_space<semaphore_mem>>
        %dma_start3A = arith.constant 0 : i32
        %dma_start3A_192 = tpu.memref_slice %arg6[%dma_start3A] : memref<3904xi32, #tpu.memory_space<vmem>> -> memref<3840xi32, #tpu.memory_space<vmem>>
        %dma_start3A_193 = tpu.memref_slice %arg3[%run_scoped3A, %add3A_48] : memref<2x614400xi32, #tpu.memory_space<hbm>> -> memref<1x3840xi32, #tpu.memory_space<hbm>>
        %dma_start3A_194 = tpu.memref_squeeze %dma_start3A_193 : memref<1x3840xi32, #tpu.memory_space<hbm>> -> memref<3840xi32, #tpu.memory_space<hbm>>
        %dma_start3A_195 = arith.constant 0 : i32
        %dma_start3A_196 = tpu.memref_slice %arg6[%dma_start3A_195] : memref<3904xi32, #tpu.memory_space<vmem>> -> memref<3840xi32, #tpu.memory_space<vmem>>
        %dma_start3A_197 = tpu.memref_slice %arg3[%run_scoped3A, %add3A_48] : memref<2x614400xi32, #tpu.memory_space<hbm>> -> memref<1x3840xi32, #tpu.memory_space<hbm>>
        %dma_start3A_198 = tpu.memref_squeeze %dma_start3A_197 : memref<1x3840xi32, #tpu.memory_space<hbm>> -> memref<3840xi32, #tpu.memory_space<hbm>>
        tpu.enqueue_dma source(%dma_start3A_198 : memref<3840xi32, #tpu.memory_space<hbm>>) target(%dma_start3A_196 : memref<3840xi32, #tpu.memory_space<vmem>>) target_semaphore(%run_scoped3A_191 : memref<!tpu.dma_semaphore, #tpu.memory_space<semaphore_mem>>)
        %dma_wait3A = arith.constant 0 : i32
        %dma_wait3A_199 = tpu.memref_slice %arg6[%dma_wait3A] : memref<3904xi32, #tpu.memory_space<vmem>> -> memref<3840xi32, #tpu.memory_space<vmem>>
        %dma_wait3A_200 = tpu.memref_slice %arg3[%run_scoped3A, %add3A_48] : memref<2x614400xi32, #tpu.memory_space<hbm>> -> memref<1x3840xi32, #tpu.memory_space<hbm>>
        %dma_wait3A_201 = tpu.memref_squeeze %dma_wait3A_200 : memref<1x3840xi32, #tpu.memory_space<hbm>> -> memref<3840xi32, #tpu.memory_space<hbm>>
        %dma_wait3A_202 = arith.constant 0 : i32
        %dma_wait3A_203 = tpu.memref_slice %arg6[%dma_wait3A_202] : memref<3904xi32, #tpu.memory_space<vmem>> -> memref<3840xi32, #tpu.memory_space<vmem>>
        %dma_wait3A_204 = tpu.memref_slice %arg3[%run_scoped3A, %add3A_48] : memref<2x614400xi32, #tpu.memory_space<hbm>> -> memref<1x3840xi32, #tpu.memory_space<hbm>>
        %dma_wait3A_205 = tpu.memref_squeeze %dma_wait3A_204 : memref<1x3840xi32, #tpu.memory_space<hbm>> -> memref<3840xi32, #tpu.memory_space<hbm>>
        tpu.wait_dma2 semaphore(%run_scoped3A_191 : memref<!tpu.dma_semaphore, #tpu.memory_space<semaphore_mem>>) src(%dma_wait3A_205 : memref<3840xi32, #tpu.memory_space<hbm>>) dst(%dma_wait3A_203 : memref<3840xi32, #tpu.memory_space<vmem>>)
        tpu.yield
      }) : () -> ()
      %run_scoped3A_49 = arith.constant 1 : i32
      "tpu.region"() ({
        %run_scoped3A_191 = tpu.sem_alloc : memref<!tpu.dma_semaphore, #tpu.memory_space<semaphore_mem>>
        %dma_start3A = arith.constant 0 : i32
        %dma_start3A_192 = tpu.memref_slice %arg7[%dma_start3A] : memref<3904xi32, #tpu.memory_space<vmem>> -> memref<3840xi32, #tpu.memory_space<vmem>>
        %dma_start3A_193 = tpu.memref_slice %arg3[%run_scoped3A_49, %add3A_48] : memref<2x614400xi32, #tpu.memory_space<hbm>> -> memref<1x3840xi32, #tpu.memory_space<hbm>>
        %dma_start3A_194 = tpu.memref_squeeze %dma_start3A_193 : memref<1x3840xi32, #tpu.memory_space<hbm>> -> memref<3840xi32, #tpu.memory_space<hbm>>
        %dma_start3A_195 = arith.constant 0 : i32
        %dma_start3A_196 = tpu.memref_slice %arg7[%dma_start3A_195] : memref<3904xi32, #tpu.memory_space<vmem>> -> memref<3840xi32, #tpu.memory_space<vmem>>
        %dma_start3A_197 = tpu.memref_slice %arg3[%run_scoped3A_49, %add3A_48] : memref<2x614400xi32, #tpu.memory_space<hbm>> -> memref<1x3840xi32, #tpu.memory_space<hbm>>
        %dma_start3A_198 = tpu.memref_squeeze %dma_start3A_197 : memref<1x3840xi32, #tpu.memory_space<hbm>> -> memref<3840xi32, #tpu.memory_space<hbm>>
        tpu.enqueue_dma source(%dma_start3A_198 : memref<3840xi32, #tpu.memory_space<hbm>>) target(%dma_start3A_196 : memref<3840xi32, #tpu.memory_space<vmem>>) target_semaphore(%run_scoped3A_191 : memref<!tpu.dma_semaphore, #tpu.memory_space<semaphore_mem>>)
        %dma_wait3A = arith.constant 0 : i32
        %dma_wait3A_199 = tpu.memref_slice %arg7[%dma_wait3A] : memref<3904xi32, #tpu.memory_space<vmem>> -> memref<3840xi32, #tpu.memory_space<vmem>>
        %dma_wait3A_200 = tpu.memref_slice %arg3[%run_scoped3A_49, %add3A_48] : memref<2x614400xi32, #tpu.memory_space<hbm>> -> memref<1x3840xi32, #tpu.memory_space<hbm>>
        %dma_wait3A_201 = tpu.memref_squeeze %dma_wait3A_200 : memref<1x3840xi32, #tpu.memory_space<hbm>> -> memref<3840xi32, #tpu.memory_space<hbm>>
        %dma_wait3A_202 = arith.constant 0 : i32
        %dma_wait3A_203 = tpu.memref_slice %arg7[%dma_wait3A_202] : memref<3904xi32, #tpu.memory_space<vmem>> -> memref<3840xi32, #tpu.memory_space<vmem>>
        %dma_wait3A_204 = tpu.memref_slice %arg3[%run_scoped3A_49, %add3A_48] : memref<2x614400xi32, #tpu.memory_space<hbm>> -> memref<1x3840xi32, #tpu.memory_space<hbm>>
        %dma_wait3A_205 = tpu.memref_squeeze %dma_wait3A_204 : memref<1x3840xi32, #tpu.memory_space<hbm>> -> memref<3840xi32, #tpu.memory_space<hbm>>
        tpu.wait_dma2 semaphore(%run_scoped3A_191 : memref<!tpu.dma_semaphore, #tpu.memory_space<semaphore_mem>>) src(%dma_wait3A_205 : memref<3840xi32, #tpu.memory_space<hbm>>) dst(%dma_wait3A_203 : memref<3840xi32, #tpu.memory_space<vmem>>)
        tpu.yield
      }) : () -> ()
      %scan3A_50 = arith.constant 0 : i32
      %scan3A_51 = arith.constant 0 : i32
      %scan3A_52 = arith.constant 240 : i32
      %scan3A_53 = arith.addi %scan3A_51, %scan3A_52 : i32
      %scan3A_54 = arith.constant 4 : i32
      %scan3A_55 = scf.for %scan3A_191 = %scan3A_51 to %scan3A_53 step %scan3A_54 iter_args(%scan3A_192 = %scan3A_50) -> (i32)  : i32 {
        %mul3A_193 = arith.constant 16 : i32
        %mul3A_194 = arith.muli %scan3A_191, %mul3A_193 : i32
        %get3A = arith.index_cast %mul3A_194 : i32 to index
        %get3A_195 = tpu.vector_load %arg6[%get3A] {strides = array<i32>} : memref<3904xi32, #tpu.memory_space<vmem>>, vector<16xi32>,
        %mul3A_196 = arith.constant 16 : i32
        %mul3A_197 = arith.muli %scan3A_191, %mul3A_196 : i32
        %get3A_198 = arith.index_cast %mul3A_197 : i32 to index
        %get3A_199 = tpu.vector_load %arg7[%get3A_198] {strides = array<i32>} : memref<3904xi32, #tpu.memory_space<vmem>>, vector<16xi32>,
        %sub3A_200 = vector.broadcast %mul3A_24 : i32 to vector<16xi32>
        %sub3A_201 = arith.subi %get3A_199, %sub3A_200 : vector<16xi32>
        %lt3A = arith.constant 12800 : i32
        %lt3A_202 = vector.broadcast %lt3A : i32 to vector<16xi32>
        %lt3A_203 = arith.cmpi ult, %sub3A_201, %lt3A_202 : vector<16xi32>
        %convert_element_type3A_204 = arith.extui %lt3A_203 : vector<16xi1> to vector<16xi32>
        %broadcast_in_dim3A = arith.constant true
        %broadcast_in_dim3A_205 = vector.broadcast %broadcast_in_dim3A : i1 to vector<16xi1>
        %masked_cumsum3A = tpu.scan <sum>, %convert_element_type3A_204 masked %broadcast_in_dim3A_205 : vector<16xi32>, vector<16xi1> -> vector<16xi32>
        %add3A_206 = vector.broadcast %scan3A_192 : i32 to vector<16xi32>
        %add3A_207 = arith.addi %add3A_206, %masked_cumsum3A : vector<16xi32>
        %sub3A_208 = arith.constant 1 : i32
        %sub3A_209 = vector.broadcast %sub3A_208 : i32 to vector<16xi32>
        %sub3A_210 = arith.subi %add3A_207, %sub3A_209 : vector<16xi32>
        tpu.vector_store_idx %arg6[%sub3A_210], %get3A_195 masked %lt3A_203 : memref<3904xi32, #tpu.memory_space<vmem>>[vector<16xi32>], vector<16xi32>, vector<16xi1>
        tpu.vector_store_idx %arg7[%sub3A_210], %sub3A_201 masked %lt3A_203 : memref<3904xi32, #tpu.memory_space<vmem>>[vector<16xi32>], vector<16xi32>, vector<16xi1>
        %slice3A = vector.extract_strided_slice %masked_cumsum3A {offsets = [15], sizes = [1], strides = [1]} : vector<16xi32> to vector<1xi32>
        %squeeze3A = vector.extract %slice3A[0] : i32 from vector<1xi32>
        %add3A_211 = arith.addi %scan3A_192, %squeeze3A : i32
        %scan3A_212 = arith.constant 1 : i32
        %scan3A_213 = arith.addi %scan3A_191, %scan3A_212 : i32
        %mul3A_214 = arith.constant 16 : i32
        %mul3A_215 = arith.muli %scan3A_213, %mul3A_214 : i32
        %get3A_216 = arith.index_cast %mul3A_215 : i32 to index
        %get3A_217 = tpu.vector_load %arg6[%get3A_216] {strides = array<i32>} : memref<3904xi32, #tpu.memory_space<vmem>>, vector<16xi32>,
        %mul3A_218 = arith.constant 16 : i32
        %mul3A_219 = arith.muli %scan3A_213, %mul3A_218 : i32
        %get3A_220 = arith.index_cast %mul3A_219 : i32 to index
        %get3A_221 = tpu.vector_load %arg7[%get3A_220] {strides = array<i32>} : memref<3904xi32, #tpu.memory_space<vmem>>, vector<16xi32>,
        %sub3A_222 = vector.broadcast %mul3A_24 : i32 to vector<16xi32>
        %sub3A_223 = arith.subi %get3A_221, %sub3A_222 : vector<16xi32>
        %lt3A_224 = arith.constant 12800 : i32
        %lt3A_225 = vector.broadcast %lt3A_224 : i32 to vector<16xi32>
        %lt3A_226 = arith.cmpi ult, %sub3A_223, %lt3A_225 : vector<16xi32>
        %convert_element_type3A_227 = arith.extui %lt3A_226 : vector<16xi1> to vector<16xi32>
        %broadcast_in_dim3A_228 = arith.constant true
        %broadcast_in_dim3A_229 = vector.broadcast %broadcast_in_dim3A_228 : i1 to vector<16xi1>
        %masked_cumsum3A_230 = tpu.scan <sum>, %convert_element_type3A_227 masked %broadcast_in_dim3A_229 : vector<16xi32>, vector<16xi1> -> vector<16xi32>
        %add3A_231 = vector.broadcast %add3A_211 : i32 to vector<16xi32>
        %add3A_232 = arith.addi %add3A_231, %masked_cumsum3A_230 : vector<16xi32>
        %sub3A_233 = arith.constant 1 : i32
        %sub3A_234 = vector.broadcast %sub3A_233 : i32 to vector<16xi32>
        %sub3A_235 = arith.subi %add3A_232, %sub3A_234 : vector<16xi32>
        tpu.vector_store_idx %arg6[%sub3A_235], %get3A_217 masked %lt3A_226 : memref<3904xi32, #tpu.memory_space<vmem>>[vector<16xi32>], vector<16xi32>, vector<16xi1>
        tpu.vector_store_idx %arg7[%sub3A_235], %sub3A_223 masked %lt3A_226 : memref<3904xi32, #tpu.memory_space<vmem>>[vector<16xi32>], vector<16xi32>, vector<16xi1>
        %slice3A_236 = vector.extract_strided_slice %masked_cumsum3A_230 {offsets = [15], sizes = [1], strides = [1]} : vector<16xi32> to vector<1xi32>
        %squeeze3A_237 = vector.extract %slice3A_236[0] : i32 from vector<1xi32>
        %add3A_238 = arith.addi %add3A_211, %squeeze3A_237 : i32
        %scan3A_239 = arith.constant 2 : i32
        %scan3A_240 = arith.addi %scan3A_191, %scan3A_239 : i32
        %mul3A_241 = arith.constant 16 : i32
        %mul3A_242 = arith.muli %scan3A_240, %mul3A_241 : i32
        %get3A_243 = arith.index_cast %mul3A_242 : i32 to index
        %get3A_244 = tpu.vector_load %arg6[%get3A_243] {strides = array<i32>} : memref<3904xi32, #tpu.memory_space<vmem>>, vector<16xi32>,
        %mul3A_245 = arith.constant 16 : i32
        %mul3A_246 = arith.muli %scan3A_240, %mul3A_245 : i32
        %get3A_247 = arith.index_cast %mul3A_246 : i32 to index
        %get3A_248 = tpu.vector_load %arg7[%get3A_247] {strides = array<i32>} : memref<3904xi32, #tpu.memory_space<vmem>>, vector<16xi32>,
        %sub3A_249 = vector.broadcast %mul3A_24 : i32 to vector<16xi32>
        %sub3A_250 = arith.subi %get3A_248, %sub3A_249 : vector<16xi32>
        %lt3A_251 = arith.constant 12800 : i32
        %lt3A_252 = vector.broadcast %lt3A_251 : i32 to vector<16xi32>
        %lt3A_253 = arith.cmpi ult, %sub3A_250, %lt3A_252 : vector<16xi32>
        %convert_element_type3A_254 = arith.extui %lt3A_253 : vector<16xi1> to vector<16xi32>
        %broadcast_in_dim3A_255 = arith.constant true
        %broadcast_in_dim3A_256 = vector.broadcast %broadcast_in_dim3A_255 : i1 to vector<16xi1>
        %masked_cumsum3A_257 = tpu.scan <sum>, %convert_element_type3A_254 masked %broadcast_in_dim3A_256 : vector<16xi32>, vector<16xi1> -> vector<16xi32>
        %add3A_258 = vector.broadcast %add3A_238 : i32 to vector<16xi32>
        %add3A_259 = arith.addi %add3A_258, %masked_cumsum3A_257 : vector<16xi32>
        %sub3A_260 = arith.constant 1 : i32
        %sub3A_261 = vector.broadcast %sub3A_260 : i32 to vector<16xi32>
        %sub3A_262 = arith.subi %add3A_259, %sub3A_261 : vector<16xi32>
        tpu.vector_store_idx %arg6[%sub3A_262], %get3A_244 masked %lt3A_253 : memref<3904xi32, #tpu.memory_space<vmem>>[vector<16xi32>], vector<16xi32>, vector<16xi1>
        tpu.vector_store_idx %arg7[%sub3A_262], %sub3A_250 masked %lt3A_253 : memref<3904xi32, #tpu.memory_space<vmem>>[vector<16xi32>], vector<16xi32>, vector<16xi1>
        %slice3A_263 = vector.extract_strided_slice %masked_cumsum3A_257 {offsets = [15], sizes = [1], strides = [1]} : vector<16xi32> to vector<1xi32>
        %squeeze3A_264 = vector.extract %slice3A_263[0] : i32 from vector<1xi32>
        %add3A_265 = arith.addi %add3A_238, %squeeze3A_264 : i32
        %scan3A_266 = arith.constant 3 : i32
        %scan3A_267 = arith.addi %scan3A_191, %scan3A_266 : i32
        %mul3A_268 = arith.constant 16 : i32
        %mul3A_269 = arith.muli %scan3A_267, %mul3A_268 : i32
        %get3A_270 = arith.index_cast %mul3A_269 : i32 to index
        %get3A_271 = tpu.vector_load %arg6[%get3A_270] {strides = array<i32>} : memref<3904xi32, #tpu.memory_space<vmem>>, vector<16xi32>,
        %mul3A_272 = arith.constant 16 : i32
        %mul3A_273 = arith.muli %scan3A_267, %mul3A_272 : i32
        %get3A_274 = arith.index_cast %mul3A_273 : i32 to index
        %get3A_275 = tpu.vector_load %arg7[%get3A_274] {strides = array<i32>} : memref<3904xi32, #tpu.memory_space<vmem>>, vector<16xi32>,
        %sub3A_276 = vector.broadcast %mul3A_24 : i32 to vector<16xi32>
        %sub3A_277 = arith.subi %get3A_275, %sub3A_276 : vector<16xi32>
        %lt3A_278 = arith.constant 12800 : i32
        %lt3A_279 = vector.broadcast %lt3A_278 : i32 to vector<16xi32>
        %lt3A_280 = arith.cmpi ult, %sub3A_277, %lt3A_279 : vector<16xi32>
        %convert_element_type3A_281 = arith.extui %lt3A_280 : vector<16xi1> to vector<16xi32>
        %broadcast_in_dim3A_282 = arith.constant true
        %broadcast_in_dim3A_283 = vector.broadcast %broadcast_in_dim3A_282 : i1 to vector<16xi1>
        %masked_cumsum3A_284 = tpu.scan <sum>, %convert_element_type3A_281 masked %broadcast_in_dim3A_283 : vector<16xi32>, vector<16xi1> -> vector<16xi32>
        %add3A_285 = vector.broadcast %add3A_265 : i32 to vector<16xi32>
        %add3A_286 = arith.addi %add3A_285, %masked_cumsum3A_284 : vector<16xi32>
        %sub3A_287 = arith.constant 1 : i32
        %sub3A_288 = vector.broadcast %sub3A_287 : i32 to vector<16xi32>
        %sub3A_289 = arith.subi %add3A_286, %sub3A_288 : vector<16xi32>
        tpu.vector_store_idx %arg6[%sub3A_289], %get3A_271 masked %lt3A_280 : memref<3904xi32, #tpu.memory_space<vmem>>[vector<16xi32>], vector<16xi32>, vector<16xi1>
        tpu.vector_store_idx %arg7[%sub3A_289], %sub3A_277 masked %lt3A_280 : memref<3904xi32, #tpu.memory_space<vmem>>[vector<16xi32>], vector<16xi32>, vector<16xi1>
        %slice3A_290 = vector.extract_strided_slice %masked_cumsum3A_284 {offsets = [15], sizes = [1], strides = [1]} : vector<16xi32> to vector<1xi32>
        %squeeze3A_291 = vector.extract %slice3A_290[0] : i32 from vector<1xi32>
        %add3A_292 = arith.addi %add3A_265, %squeeze3A_291 : i32
        scf.yield %add3A_292 : i32
      }
      %scan3A_56 = arith.constant 240 : i32
      %iota3A = tpu.iota {dimensions = array<i32: 0>} : vector<16xi32>
      %add3A_57 = arith.constant 0 : i32
      %add3A_58 = vector.broadcast %add3A_57 : i32 to vector<16xi32>
      %add3A_59 = arith.addi %iota3A, %add3A_58 : vector<16xi32>
      %add3A_60 = arith.constant 0 : i32
      %add3A_61 = arith.addi %scan3A_55, %add3A_60 : i32
      %swap3A = arith.index_cast %add3A_61 : i32 to index
      %swap3A_62 = tpu.vector_load %arg6[%swap3A] {strides = array<i32>} : memref<3904xi32, #tpu.memory_space<vmem>>, vector<16xi32>,
      tpu.vector_store %arg6[%swap3A], %add3A_59 {strides = array<i32>} : memref<3904xi32, #tpu.memory_space<vmem>>, vector<16xi32>,
      %and3A = arith.constant 7 : i32
      %and3A_63 = vector.broadcast %and3A : i32 to vector<16xi32>
      %and3A_64 = arith.andi %iota3A, %and3A_63 : vector<16xi32>
      %add3A_65 = arith.constant 12800 : i32
      %add3A_66 = vector.broadcast %add3A_65 : i32 to vector<16xi32>
      %add3A_67 = arith.addi %and3A_64, %add3A_66 : vector<16xi32>
      %add3A_68 = arith.constant 0 : i32
      %add3A_69 = arith.addi %scan3A_55, %add3A_68 : i32
      %swap3A_70 = arith.index_cast %add3A_69 : i32 to index
      %swap3A_71 = tpu.vector_load %arg7[%swap3A_70] {strides = array<i32>} : memref<3904xi32, #tpu.memory_space<vmem>>, vector<16xi32>,
      tpu.vector_store %arg7[%swap3A_70], %add3A_67 {strides = array<i32>} : memref<3904xi32, #tpu.memory_space<vmem>>, vector<16xi32>,
      %add3A_72 = arith.constant 16 : i32
      %add3A_73 = vector.broadcast %add3A_72 : i32 to vector<16xi32>
      %add3A_74 = arith.addi %iota3A, %add3A_73 : vector<16xi32>
      %add3A_75 = arith.constant 16 : i32
      %add3A_76 = arith.addi %scan3A_55, %add3A_75 : i32
      %swap3A_77 = arith.index_cast %add3A_76 : i32 to index
      %swap3A_78 = tpu.vector_load %arg6[%swap3A_77] {strides = array<i32>} : memref<3904xi32, #tpu.memory_space<vmem>>, vector<16xi32>,
      tpu.vector_store %arg6[%swap3A_77], %add3A_74 {strides = array<i32>} : memref<3904xi32, #tpu.memory_space<vmem>>, vector<16xi32>,
      %and3A_79 = arith.constant 7 : i32
      %and3A_80 = vector.broadcast %and3A_79 : i32 to vector<16xi32>
      %and3A_81 = arith.andi %iota3A, %and3A_80 : vector<16xi32>
      %add3A_82 = arith.constant 12800 : i32
      %add3A_83 = vector.broadcast %add3A_82 : i32 to vector<16xi32>
      %add3A_84 = arith.addi %and3A_81, %add3A_83 : vector<16xi32>
      %add3A_85 = arith.constant 16 : i32
      %add3A_86 = arith.addi %scan3A_55, %add3A_85 : i32
      %swap3A_87 = arith.index_cast %add3A_86 : i32 to index
      %swap3A_88 = tpu.vector_load %arg7[%swap3A_87] {strides = array<i32>} : memref<3904xi32, #tpu.memory_space<vmem>>, vector<16xi32>,
      tpu.vector_store %arg7[%swap3A_87], %add3A_84 {strides = array<i32>} : memref<3904xi32, #tpu.memory_space<vmem>>, vector<16xi32>,
      %add3A_89 = arith.constant 32 : i32
      %add3A_90 = vector.broadcast %add3A_89 : i32 to vector<16xi32>
      %add3A_91 = arith.addi %iota3A, %add3A_90 : vector<16xi32>
      %add3A_92 = arith.constant 32 : i32
      %add3A_93 = arith.addi %scan3A_55, %add3A_92 : i32
      %swap3A_94 = arith.index_cast %add3A_93 : i32 to index
      %swap3A_95 = tpu.vector_load %arg6[%swap3A_94] {strides = array<i32>} : memref<3904xi32, #tpu.memory_space<vmem>>, vector<16xi32>,
      tpu.vector_store %arg6[%swap3A_94], %add3A_91 {strides = array<i32>} : memref<3904xi32, #tpu.memory_space<vmem>>, vector<16xi32>,
      %and3A_96 = arith.constant 7 : i32
      %and3A_97 = vector.broadcast %and3A_96 : i32 to vector<16xi32>
      %and3A_98 = arith.andi %iota3A, %and3A_97 : vector<16xi32>
      %add3A_99 = arith.constant 12800 : i32
      %add3A_100 = vector.broadcast %add3A_99 : i32 to vector<16xi32>
      %add3A_101 = arith.addi %and3A_98, %add3A_100 : vector<16xi32>
      %add3A_102 = arith.constant 32 : i32
      %add3A_103 = arith.addi %scan3A_55, %add3A_102 : i32
      %swap3A_104 = arith.index_cast %add3A_103 : i32 to index
      %swap3A_105 = tpu.vector_load %arg7[%swap3A_104] {strides = array<i32>} : memref<3904xi32, #tpu.memory_space<vmem>>, vector<16xi32>,
      tpu.vector_store %arg7[%swap3A_104], %add3A_101 {strides = array<i32>} : memref<3904xi32, #tpu.memory_space<vmem>>, vector<16xi32>,
      %add3A_106 = arith.constant 48 : i32
      %add3A_107 = vector.broadcast %add3A_106 : i32 to vector<16xi32>
      %add3A_108 = arith.addi %iota3A, %add3A_107 : vector<16xi32>
      %add3A_109 = arith.constant 48 : i32
      %add3A_110 = arith.addi %scan3A_55, %add3A_109 : i32
      %swap3A_111 = arith.index_cast %add3A_110 : i32 to index
      %swap3A_112 = tpu.vector_load %arg6[%swap3A_111] {strides = array<i32>} : memref<3904xi32, #tpu.memory_space<vmem>>, vector<16xi32>,
      tpu.vector_store %arg6[%swap3A_111], %add3A_108 {strides = array<i32>} : memref<3904xi32, #tpu.memory_space<vmem>>, vector<16xi32>,
      %and3A_113 = arith.constant 7 : i32
      %and3A_114 = vector.broadcast %and3A_113 : i32 to vector<16xi32>
      %and3A_115 = arith.andi %iota3A, %and3A_114 : vector<16xi32>
      %add3A_116 = arith.constant 12800 : i32
      %add3A_117 = vector.broadcast %add3A_116 : i32 to vector<16xi32>
      %add3A_118 = arith.addi %and3A_115, %add3A_117 : vector<16xi32>
      %add3A_119 = arith.constant 48 : i32
      %add3A_120 = arith.addi %scan3A_55, %add3A_119 : i32
      %swap3A_121 = arith.index_cast %add3A_120 : i32 to index
      %swap3A_122 = tpu.vector_load %arg7[%swap3A_121] {strides = array<i32>} : memref<3904xi32, #tpu.memory_space<vmem>>, vector<16xi32>,
      tpu.vector_store %arg7[%swap3A_121], %add3A_118 {strides = array<i32>} : memref<3904xi32, #tpu.memory_space<vmem>>, vector<16xi32>,
      %add3A_123 = arith.constant 64 : i32
      %add3A_124 = arith.addi %scan3A_55, %add3A_123 : i32
      %sub3A = arith.constant 1 : i32
      %sub3A_125 = arith.subi %add3A_124, %sub3A : i32
      %jit3A = arith.constant 64 : i32
      %div3A = arith.divsi %sub3A_125, %jit3A : i32
      %sign3A = arith.constant 0 : i32
      %sign3A_126 = arith.cmpi sgt, %sub3A_125, %sign3A : i32
      %sign3A_127 = arith.extui %sign3A_126 : i1 to i32
      %sign3A_128 = arith.constant 0 : i32
      %sign3A_129 = arith.cmpi slt, %sub3A_125, %sign3A_128 : i32
      %sign3A_130 = arith.extui %sign3A_129 : i1 to i32
      %sign3A_131 = arith.subi %sign3A_127, %sign3A_130 : i32
      %sign3A_132 = arith.constant 0 : i32
      %sign3A_133 = arith.cmpi sgt, %jit3A, %sign3A_132 : i32
      %sign3A_134 = arith.extui %sign3A_133 : i1 to i32
      %sign3A_135 = arith.constant 0 : i32
      %sign3A_136 = arith.cmpi slt, %jit3A, %sign3A_135 : i32
      %sign3A_137 = arith.extui %sign3A_136 : i1 to i32
      %sign3A_138 = arith.subi %sign3A_134, %sign3A_137 : i32
      %ne3A = arith.cmpi ne, %sign3A_131, %sign3A_138 : i32
      %rem3A = arith.remsi %sub3A_125, %jit3A : i32
      %ne3A_139 = arith.constant 0 : i32
      %ne3A_140 = arith.cmpi ne, %rem3A, %ne3A_139 : i32
      %and3A_141 = arith.andi %ne3A, %ne3A_140 : i1
      %sub3A_142 = arith.constant 1 : i32
      %sub3A_143 = arith.subi %div3A, %sub3A_142 : i32
      %select_n3A = arith.select %and3A_141, %sub3A_143, %div3A : i32
      %add3A_144 = arith.constant 2 : i32
      %add3A_145 = arith.addi %select_n3A, %add3A_144 : i32
      %sub3A_146 = arith.constant 1 : i32
      %sub3A_147 = arith.subi %add3A_145, %sub3A_146 : i32
      %jit3A_148 = arith.constant 2 : i32
      %div3A_149 = arith.divsi %sub3A_147, %jit3A_148 : i32
      %sign3A_150 = arith.constant 0 : i32
      %sign3A_151 = arith.cmpi sgt, %sub3A_147, %sign3A_150 : i32
      %sign3A_152 = arith.extui %sign3A_151 : i1 to i32
      %sign3A_153 = arith.constant 0 : i32
      %sign3A_154 = arith.cmpi slt, %sub3A_147, %sign3A_153 : i32
      %sign3A_155 = arith.extui %sign3A_154 : i1 to i32
      %sign3A_156 = arith.subi %sign3A_152, %sign3A_155 : i32
      %sign3A_157 = arith.constant 0 : i32
      %sign3A_158 = arith.cmpi sgt, %jit3A_148, %sign3A_157 : i32
      %sign3A_159 = arith.extui %sign3A_158 : i1 to i32
      %sign3A_160 = arith.constant 0 : i32
      %sign3A_161 = arith.cmpi slt, %jit3A_148, %sign3A_160 : i32
      %sign3A_162 = arith.extui %sign3A_161 : i1 to i32
      %sign3A_163 = arith.subi %sign3A_159, %sign3A_162 : i32
      %ne3A_164 = arith.cmpi ne, %sign3A_156, %sign3A_163 : i32
      %rem3A_165 = arith.remsi %sub3A_147, %jit3A_148 : i32
      %ne3A_166 = arith.constant 0 : i32
      %ne3A_167 = arith.cmpi ne, %rem3A_165, %ne3A_166 : i32
      %and3A_168 = arith.andi %ne3A_164, %ne3A_167 : i1
      %sub3A_169 = arith.constant 1 : i32
      %sub3A_170 = arith.subi %div3A_149, %sub3A_169 : i32
      %select_n3A_171 = arith.select %and3A_168, %sub3A_170, %div3A_149 : i32
      %while3A = arith.constant 0 : i32
      %while3A_172 = arith.constant 0 : i32
      %while3A_173 = arith.subi %select_n3A_171, %while3A : i32
      %while3A_174 = arith.addi %while3A, %while3A_173 : i32
      %while3A_175 = arith.constant 1 : i32
      %while3A_176 = arith.divsi %while3A_173, %while3A_175 : i32
      %while3A_177 = arith.muli %while3A_176, %while3A_175 : i32
      %while3A_178 = arith.addi %while3A, %while3A_177 : i32
      %while3A_179 = arith.constant 1 : i32
      %while3A_180 = scf.for %while3A_191 = %while3A to %while3A_178 step %while3A_179 iter_args(%while3A_192 = %while3A_172) -> (i32)  : i32 {
        %mul3A_193 = arith.constant 2 : i32
        %mul3A_194 = arith.muli %while3A_191, %mul3A_193 : i32
        %add3A_195 = arith.constant 0 : i32
        %add3A_196 = arith.addi %mul3A_194, %add3A_195 : i32
        %lt3A = arith.cmpi slt, %add3A_196, %select_n3A : i32
        %gt3A_197 = arith.constant 0 : i32
        %gt3A_198 = arith.cmpi sgt, %while3A_191, %gt3A_197 : i32
        %and3A_199 = arith.andi %lt3A, %gt3A_198 : i1
        %convert_element_type3A_200 = arith.extui %and3A_199 : i1 to i32
        %cond3A_201 = arith.constant 0 : i32
        %cond3A_202 = arith.cmpi ne, %convert_element_type3A_200, %cond3A_201 : i32
        scf.if %cond3A_202 {
          %dma_wait3A = arith.constant 0 : i32
          %dma_wait3A_247 = arith.constant 0 : i32
          %dma_wait3A_248 = tpu.memref_slice %arg18[%dma_wait3A, %dma_wait3A_247] : memref<12808x128xf32, #tpu.memory_space<vmem_shared>> -> memref<12808x128xf32, #tpu.memory_space<vmem_shared>>
          tpu.wait_indirect_dma semaphore(%arg16 : memref<!tpu.dma_semaphore, #tpu.memory_space<semaphore_mem>>) src(%arg12 : memref<64x128xf32, #tpu.memory_space<vmem>>) dst(%dma_wait3A_248 : memref<12808x128xf32, #tpu.memory_space<vmem_shared>>)
        } else {
        }
        %mul3A_203 = arith.constant 2 : i32
        %mul3A_204 = arith.muli %while3A_191, %mul3A_203 : i32
        %add3A_205 = arith.constant 1 : i32
        %add3A_206 = arith.addi %mul3A_204, %add3A_205 : i32
        %lt3A_207 = arith.cmpi slt, %add3A_206, %select_n3A : i32
        %gt3A_208 = arith.constant 0 : i32
        %gt3A_209 = arith.cmpi sgt, %while3A_191, %gt3A_208 : i32
        %and3A_210 = arith.andi %lt3A_207, %gt3A_209 : i1
        %convert_element_type3A_211 = arith.extui %and3A_210 : i1 to i32
        %cond3A_212 = arith.constant 0 : i32
        %cond3A_213 = arith.cmpi ne, %convert_element_type3A_211, %cond3A_212 : i32
        scf.if %cond3A_213 {
          %dma_wait3A = arith.constant 0 : i32
          %dma_wait3A_247 = arith.constant 0 : i32
          %dma_wait3A_248 = tpu.memref_slice %arg18[%dma_wait3A, %dma_wait3A_247] : memref<12808x128xf32, #tpu.memory_space<vmem_shared>> -> memref<12808x128xf32, #tpu.memory_space<vmem_shared>>
          tpu.wait_indirect_dma semaphore(%arg17 : memref<!tpu.dma_semaphore, #tpu.memory_space<semaphore_mem>>) src(%arg13 : memref<64x128xf32, #tpu.memory_space<vmem>>) dst(%dma_wait3A_248 : memref<12808x128xf32, #tpu.memory_space<vmem_shared>>)
        } else {
        }
        %mul3A_214 = arith.constant 2 : i32
        %mul3A_215 = arith.muli %while3A_191, %mul3A_214 : i32
        %add3A_216 = arith.constant 0 : i32
        %add3A_217 = arith.addi %mul3A_215, %add3A_216 : i32
        %lt3A_218 = arith.cmpi slt, %add3A_217, %select_n3A : i32
        %convert_element_type3A_219 = arith.extui %lt3A_218 : i1 to i32
        %cond3A_220 = arith.constant 0 : i32
        %cond3A_221 = arith.cmpi ne, %convert_element_type3A_219, %cond3A_220 : i32
        scf.if %cond3A_221 {
          %mul3A_247 = arith.constant 64 : i32
          %mul3A_248 = arith.muli %add3A_217, %mul3A_247 : i32
          %add3A_249 = arith.constant 0 : i32
          %add3A_250 = arith.addi %mul3A_248, %add3A_249 : i32
          %get3A = arith.index_cast %add3A_250 : i32 to index
          %get3A_251 = tpu.vector_load %arg6[%get3A] {strides = array<i32>} : memref<3904xi32, #tpu.memory_space<vmem>>, vector<16xi32>,
          %swap3A_252 = arith.constant 0 : index
          %swap3A_253 = tpu.vector_load %arg8[%swap3A_252] {strides = array<i32>} : memref<64xi32, #tpu.memory_space<vmem>>, vector<16xi32>,
          tpu.vector_store %arg8[%swap3A_252], %get3A_251 {strides = array<i32>} : memref<64xi32, #tpu.memory_space<vmem>>, vector<16xi32>,
          %mul3A_254 = arith.constant 64 : i32
          %mul3A_255 = arith.muli %add3A_217, %mul3A_254 : i32
          %add3A_256 = arith.constant 0 : i32
          %add3A_257 = arith.addi %mul3A_255, %add3A_256 : i32
          %get3A_258 = arith.index_cast %add3A_257 : i32 to index
          %get3A_259 = tpu.vector_load %arg7[%get3A_258] {strides = array<i32>} : memref<3904xi32, #tpu.memory_space<vmem>>, vector<16xi32>,
          %swap3A_260 = arith.constant 0 : index
          %swap3A_261 = tpu.vector_load %arg10[%swap3A_260] {strides = array<i32>} : memref<64xi32, #tpu.memory_space<vmem>>, vector<16xi32>,
          tpu.vector_store %arg10[%swap3A_260], %get3A_259 {strides = array<i32>} : memref<64xi32, #tpu.memory_space<vmem>>, vector<16xi32>,
          %mul3A_262 = arith.constant 64 : i32
          %mul3A_263 = arith.muli %add3A_217, %mul3A_262 : i32
          %add3A_264 = arith.constant 16 : i32
          %add3A_265 = arith.addi %mul3A_263, %add3A_264 : i32
          %get3A_266 = arith.index_cast %add3A_265 : i32 to index
          %get3A_267 = tpu.vector_load %arg6[%get3A_266] {strides = array<i32>} : memref<3904xi32, #tpu.memory_space<vmem>>, vector<16xi32>,
          %swap3A_268 = arith.constant 16 : index
          %swap3A_269 = tpu.vector_load %arg8[%swap3A_268] {strides = array<i32>} : memref<64xi32, #tpu.memory_space<vmem>>, vector<16xi32>,
          tpu.vector_store %arg8[%swap3A_268], %get3A_267 {strides = array<i32>} : memref<64xi32, #tpu.memory_space<vmem>>, vector<16xi32>,
          %mul3A_270 = arith.constant 64 : i32
          %mul3A_271 = arith.muli %add3A_217, %mul3A_270 : i32
          %add3A_272 = arith.constant 16 : i32
          %add3A_273 = arith.addi %mul3A_271, %add3A_272 : i32
          %get3A_274 = arith.index_cast %add3A_273 : i32 to index
          %get3A_275 = tpu.vector_load %arg7[%get3A_274] {strides = array<i32>} : memref<3904xi32, #tpu.memory_space<vmem>>, vector<16xi32>,
          %swap3A_276 = arith.constant 16 : index
          %swap3A_277 = tpu.vector_load %arg10[%swap3A_276] {strides = array<i32>} : memref<64xi32, #tpu.memory_space<vmem>>, vector<16xi32>,
          tpu.vector_store %arg10[%swap3A_276], %get3A_275 {strides = array<i32>} : memref<64xi32, #tpu.memory_space<vmem>>, vector<16xi32>,
          %mul3A_278 = arith.constant 64 : i32
          %mul3A_279 = arith.muli %add3A_217, %mul3A_278 : i32
          %add3A_280 = arith.constant 32 : i32
          %add3A_281 = arith.addi %mul3A_279, %add3A_280 : i32
          %get3A_282 = arith.index_cast %add3A_281 : i32 to index
          %get3A_283 = tpu.vector_load %arg6[%get3A_282] {strides = array<i32>} : memref<3904xi32, #tpu.memory_space<vmem>>, vector<16xi32>,
          %swap3A_284 = arith.constant 32 : index
          %swap3A_285 = tpu.vector_load %arg8[%swap3A_284] {strides = array<i32>} : memref<64xi32, #tpu.memory_space<vmem>>, vector<16xi32>,
          tpu.vector_store %arg8[%swap3A_284], %get3A_283 {strides = array<i32>} : memref<64xi32, #tpu.memory_space<vmem>>, vector<16xi32>,
          %mul3A_286 = arith.constant 64 : i32
          %mul3A_287 = arith.muli %add3A_217, %mul3A_286 : i32
          %add3A_288 = arith.constant 32 : i32
          %add3A_289 = arith.addi %mul3A_287, %add3A_288 : i32
          %get3A_290 = arith.index_cast %add3A_289 : i32 to index
          %get3A_291 = tpu.vector_load %arg7[%get3A_290] {strides = array<i32>} : memref<3904xi32, #tpu.memory_space<vmem>>, vector<16xi32>,
          %swap3A_292 = arith.constant 32 : index
          %swap3A_293 = tpu.vector_load %arg10[%swap3A_292] {strides = array<i32>} : memref<64xi32, #tpu.memory_space<vmem>>, vector<16xi32>,
          tpu.vector_store %arg10[%swap3A_292], %get3A_291 {strides = array<i32>} : memref<64xi32, #tpu.memory_space<vmem>>, vector<16xi32>,
          %mul3A_294 = arith.constant 64 : i32
          %mul3A_295 = arith.muli %add3A_217, %mul3A_294 : i32
          %add3A_296 = arith.constant 48 : i32
          %add3A_297 = arith.addi %mul3A_295, %add3A_296 : i32
          %get3A_298 = arith.index_cast %add3A_297 : i32 to index
          %get3A_299 = tpu.vector_load %arg6[%get3A_298] {strides = array<i32>} : memref<3904xi32, #tpu.memory_space<vmem>>, vector<16xi32>,
          %swap3A_300 = arith.constant 48 : index
          %swap3A_301 = tpu.vector_load %arg8[%swap3A_300] {strides = array<i32>} : memref<64xi32, #tpu.memory_space<vmem>>, vector<16xi32>,
          tpu.vector_store %arg8[%swap3A_300], %get3A_299 {strides = array<i32>} : memref<64xi32, #tpu.memory_space<vmem>>, vector<16xi32>,
          %mul3A_302 = arith.constant 64 : i32
          %mul3A_303 = arith.muli %add3A_217, %mul3A_302 : i32
          %add3A_304 = arith.constant 48 : i32
          %add3A_305 = arith.addi %mul3A_303, %add3A_304 : i32
          %get3A_306 = arith.index_cast %add3A_305 : i32 to index
          %get3A_307 = tpu.vector_load %arg7[%get3A_306] {strides = array<i32>} : memref<3904xi32, #tpu.memory_space<vmem>>, vector<16xi32>,
          %swap3A_308 = arith.constant 48 : index
          %swap3A_309 = tpu.vector_load %arg10[%swap3A_308] {strides = array<i32>} : memref<64xi32, #tpu.memory_space<vmem>>, vector<16xi32>,
          tpu.vector_store %arg10[%swap3A_308], %get3A_307 {strides = array<i32>} : memref<64xi32, #tpu.memory_space<vmem>>, vector<16xi32>,
          %dma_start3A = arith.constant 0 : i32
          %dma_start3A_310 = arith.constant 0 : i32
          %dma_start3A_311 = tpu.memref_slice %arg2[%dma_start3A, %dma_start3A_310] : memref<51200x128xf32, #tpu.memory_space<hbm>> -> memref<51200x128xf32, #tpu.memory_space<hbm>>
          tpu.enqueue_indirect_dma source(%dma_start3A_311 : memref<51200x128xf32, #tpu.memory_space<hbm>>) target(%arg12 : memref<64x128xf32, #tpu.memory_space<vmem>>) offsets(%arg8 : memref<64xi32, #tpu.memory_space<vmem>>) semaphore(%arg14 : memref<!tpu.dma_semaphore, #tpu.memory_space<semaphore_mem>>)
        } else {
        }
        %mul3A_222 = arith.constant 2 : i32
        %mul3A_223 = arith.muli %while3A_191, %mul3A_222 : i32
        %add3A_224 = arith.constant 1 : i32
        %add3A_225 = arith.addi %mul3A_223, %add3A_224 : i32
        %lt3A_226 = arith.cmpi slt, %add3A_225, %select_n3A : i32
        %convert_element_type3A_227 = arith.extui %lt3A_226 : i1 to i32
        %cond3A_228 = arith.constant 0 : i32
        %cond3A_229 = arith.cmpi ne, %convert_element_type3A_227, %cond3A_228 : i32
        scf.if %cond3A_229 {
          %mul3A_247 = arith.constant 64 : i32
          %mul3A_248 = arith.muli %add3A_225, %mul3A_247 : i32
          %add3A_249 = arith.constant 0 : i32
          %add3A_250 = arith.addi %mul3A_248, %add3A_249 : i32
          %get3A = arith.index_cast %add3A_250 : i32 to index
          %get3A_251 = tpu.vector_load %arg6[%get3A] {strides = array<i32>} : memref<3904xi32, #tpu.memory_space<vmem>>, vector<16xi32>,
          %swap3A_252 = arith.constant 0 : index
          %swap3A_253 = tpu.vector_load %arg9[%swap3A_252] {strides = array<i32>} : memref<64xi32, #tpu.memory_space<vmem>>, vector<16xi32>,
          tpu.vector_store %arg9[%swap3A_252], %get3A_251 {strides = array<i32>} : memref<64xi32, #tpu.memory_space<vmem>>, vector<16xi32>,
          %mul3A_254 = arith.constant 64 : i32
          %mul3A_255 = arith.muli %add3A_225, %mul3A_254 : i32
          %add3A_256 = arith.constant 0 : i32
          %add3A_257 = arith.addi %mul3A_255, %add3A_256 : i32
          %get3A_258 = arith.index_cast %add3A_257 : i32 to index
          %get3A_259 = tpu.vector_load %arg7[%get3A_258] {strides = array<i32>} : memref<3904xi32, #tpu.memory_space<vmem>>, vector<16xi32>,
          %swap3A_260 = arith.constant 0 : index
          %swap3A_261 = tpu.vector_load %arg11[%swap3A_260] {strides = array<i32>} : memref<64xi32, #tpu.memory_space<vmem>>, vector<16xi32>,
          tpu.vector_store %arg11[%swap3A_260], %get3A_259 {strides = array<i32>} : memref<64xi32, #tpu.memory_space<vmem>>, vector<16xi32>,
          %mul3A_262 = arith.constant 64 : i32
          %mul3A_263 = arith.muli %add3A_225, %mul3A_262 : i32
          %add3A_264 = arith.constant 16 : i32
          %add3A_265 = arith.addi %mul3A_263, %add3A_264 : i32
          %get3A_266 = arith.index_cast %add3A_265 : i32 to index
          %get3A_267 = tpu.vector_load %arg6[%get3A_266] {strides = array<i32>} : memref<3904xi32, #tpu.memory_space<vmem>>, vector<16xi32>,
          %swap3A_268 = arith.constant 16 : index
          %swap3A_269 = tpu.vector_load %arg9[%swap3A_268] {strides = array<i32>} : memref<64xi32, #tpu.memory_space<vmem>>, vector<16xi32>,
          tpu.vector_store %arg9[%swap3A_268], %get3A_267 {strides = array<i32>} : memref<64xi32, #tpu.memory_space<vmem>>, vector<16xi32>,
          %mul3A_270 = arith.constant 64 : i32
          %mul3A_271 = arith.muli %add3A_225, %mul3A_270 : i32
          %add3A_272 = arith.constant 16 : i32
          %add3A_273 = arith.addi %mul3A_271, %add3A_272 : i32
          %get3A_274 = arith.index_cast %add3A_273 : i32 to index
          %get3A_275 = tpu.vector_load %arg7[%get3A_274] {strides = array<i32>} : memref<3904xi32, #tpu.memory_space<vmem>>, vector<16xi32>,
          %swap3A_276 = arith.constant 16 : index
          %swap3A_277 = tpu.vector_load %arg11[%swap3A_276] {strides = array<i32>} : memref<64xi32, #tpu.memory_space<vmem>>, vector<16xi32>,
          tpu.vector_store %arg11[%swap3A_276], %get3A_275 {strides = array<i32>} : memref<64xi32, #tpu.memory_space<vmem>>, vector<16xi32>,
          %mul3A_278 = arith.constant 64 : i32
          %mul3A_279 = arith.muli %add3A_225, %mul3A_278 : i32
          %add3A_280 = arith.constant 32 : i32
          %add3A_281 = arith.addi %mul3A_279, %add3A_280 : i32
          %get3A_282 = arith.index_cast %add3A_281 : i32 to index
          %get3A_283 = tpu.vector_load %arg6[%get3A_282] {strides = array<i32>} : memref<3904xi32, #tpu.memory_space<vmem>>, vector<16xi32>,
          %swap3A_284 = arith.constant 32 : index
          %swap3A_285 = tpu.vector_load %arg9[%swap3A_284] {strides = array<i32>} : memref<64xi32, #tpu.memory_space<vmem>>, vector<16xi32>,
          tpu.vector_store %arg9[%swap3A_284], %get3A_283 {strides = array<i32>} : memref<64xi32, #tpu.memory_space<vmem>>, vector<16xi32>,
          %mul3A_286 = arith.constant 64 : i32
          %mul3A_287 = arith.muli %add3A_225, %mul3A_286 : i32
          %add3A_288 = arith.constant 32 : i32
          %add3A_289 = arith.addi %mul3A_287, %add3A_288 : i32
          %get3A_290 = arith.index_cast %add3A_289 : i32 to index
          %get3A_291 = tpu.vector_load %arg7[%get3A_290] {strides = array<i32>} : memref<3904xi32, #tpu.memory_space<vmem>>, vector<16xi32>,
          %swap3A_292 = arith.constant 32 : index
          %swap3A_293 = tpu.vector_load %arg11[%swap3A_292] {strides = array<i32>} : memref<64xi32, #tpu.memory_space<vmem>>, vector<16xi32>,
          tpu.vector_store %arg11[%swap3A_292], %get3A_291 {strides = array<i32>} : memref<64xi32, #tpu.memory_space<vmem>>, vector<16xi32>,
          %mul3A_294 = arith.constant 64 : i32
          %mul3A_295 = arith.muli %add3A_225, %mul3A_294 : i32
          %add3A_296 = arith.constant 48 : i32
          %add3A_297 = arith.addi %mul3A_295, %add3A_296 : i32
          %get3A_298 = arith.index_cast %add3A_297 : i32 to index
          %get3A_299 = tpu.vector_load %arg6[%get3A_298] {strides = array<i32>} : memref<3904xi32, #tpu.memory_space<vmem>>, vector<16xi32>,
          %swap3A_300 = arith.constant 48 : index
          %swap3A_301 = tpu.vector_load %arg9[%swap3A_300] {strides = array<i32>} : memref<64xi32, #tpu.memory_space<vmem>>, vector<16xi32>,
          tpu.vector_store %arg9[%swap3A_300], %get3A_299 {strides = array<i32>} : memref<64xi32, #tpu.memory_space<vmem>>, vector<16xi32>,
          %mul3A_302 = arith.constant 64 : i32
          %mul3A_303 = arith.muli %add3A_225, %mul3A_302 : i32
          %add3A_304 = arith.constant 48 : i32
          %add3A_305 = arith.addi %mul3A_303, %add3A_304 : i32
          %get3A_306 = arith.index_cast %add3A_305 : i32 to index
          %get3A_307 = tpu.vector_load %arg7[%get3A_306] {strides = array<i32>} : memref<3904xi32, #tpu.memory_space<vmem>>, vector<16xi32>,
          %swap3A_308 = arith.constant 48 : index
          %swap3A_309 = tpu.vector_load %arg11[%swap3A_308] {strides = array<i32>} : memref<64xi32, #tpu.memory_space<vmem>>, vector<16xi32>,
          tpu.vector_store %arg11[%swap3A_308], %get3A_307 {strides = array<i32>} : memref<64xi32, #tpu.memory_space<vmem>>, vector<16xi32>,
          %dma_start3A = arith.constant 0 : i32
          %dma_start3A_310 = arith.constant 0 : i32
          %dma_start3A_311 = tpu.memref_slice %arg2[%dma_start3A, %dma_start3A_310] : memref<51200x128xf32, #tpu.memory_space<hbm>> -> memref<51200x128xf32, #tpu.memory_space<hbm>>
          tpu.enqueue_indirect_dma source(%dma_start3A_311 : memref<51200x128xf32, #tpu.memory_space<hbm>>) target(%arg13 : memref<64x128xf32, #tpu.memory_space<vmem>>) offsets(%arg9 : memref<64xi32, #tpu.memory_space<vmem>>) semaphore(%arg15 : memref<!tpu.dma_semaphore, #tpu.memory_space<semaphore_mem>>)
        } else {
        }
        %mul3A_230 = arith.constant 2 : i32
        %mul3A_231 = arith.muli %while3A_191, %mul3A_230 : i32
        %add3A_232 = arith.constant 0 : i32
        %add3A_233 = arith.addi %mul3A_231, %add3A_232 : i32
        %lt3A_234 = arith.cmpi slt, %add3A_233, %select_n3A : i32
        %convert_element_type3A_235 = arith.extui %lt3A_234 : i1 to i32
        %cond3A_236 = arith.constant 0 : i32
        %cond3A_237 = arith.cmpi ne, %convert_element_type3A_235, %cond3A_236 : i32
        scf.if %cond3A_237 {
          %dma_wait3A = arith.constant 0 : i32
          %dma_wait3A_247 = arith.constant 0 : i32
          %dma_wait3A_248 = tpu.memref_slice %arg2[%dma_wait3A, %dma_wait3A_247] : memref<51200x128xf32, #tpu.memory_space<hbm>> -> memref<51200x128xf32, #tpu.memory_space<hbm>>
          tpu.wait_indirect_dma semaphore(%arg14 : memref<!tpu.dma_semaphore, #tpu.memory_space<semaphore_mem>>) src(%dma_wait3A_248 : memref<51200x128xf32, #tpu.memory_space<hbm>>) dst(%arg12 : memref<64x128xf32, #tpu.memory_space<vmem>>)
          %dma_start3A = arith.constant 0 : i32
          %dma_start3A_249 = arith.constant 0 : i32
          %dma_start3A_250 = tpu.memref_slice %arg18[%dma_start3A, %dma_start3A_249] : memref<12808x128xf32, #tpu.memory_space<vmem_shared>> -> memref<12808x128xf32, #tpu.memory_space<vmem_shared>>
          tpu.enqueue_indirect_dma source(%arg12 : memref<64x128xf32, #tpu.memory_space<vmem>>) target(%dma_start3A_250 : memref<12808x128xf32, #tpu.memory_space<vmem_shared>>) offsets(%arg10 : memref<64xi32, #tpu.memory_space<vmem>>) semaphore(%arg16 : memref<!tpu.dma_semaphore, #tpu.memory_space<semaphore_mem>>) {add = true}
        } else {
        }
        %mul3A_238 = arith.constant 2 : i32
        %mul3A_239 = arith.muli %while3A_191, %mul3A_238 : i32
        %add3A_240 = arith.constant 1 : i32
        %add3A_241 = arith.addi %mul3A_239, %add3A_240 : i32
        %lt3A_242 = arith.cmpi slt, %add3A_241, %select_n3A : i32
        %convert_element_type3A_243 = arith.extui %lt3A_242 : i1 to i32
        %cond3A_244 = arith.constant 0 : i32
        %cond3A_245 = arith.cmpi ne, %convert_element_type3A_243, %cond3A_244 : i32
        scf.if %cond3A_245 {
          %dma_wait3A = arith.constant 0 : i32
          %dma_wait3A_247 = arith.constant 0 : i32
          %dma_wait3A_248 = tpu.memref_slice %arg2[%dma_wait3A, %dma_wait3A_247] : memref<51200x128xf32, #tpu.memory_space<hbm>> -> memref<51200x128xf32, #tpu.memory_space<hbm>>
          tpu.wait_indirect_dma semaphore(%arg15 : memref<!tpu.dma_semaphore, #tpu.memory_space<semaphore_mem>>) src(%dma_wait3A_248 : memref<51200x128xf32, #tpu.memory_space<hbm>>) dst(%arg13 : memref<64x128xf32, #tpu.memory_space<vmem>>)
          %dma_start3A = arith.constant 0 : i32
          %dma_start3A_249 = arith.constant 0 : i32
          %dma_start3A_250 = tpu.memref_slice %arg18[%dma_start3A, %dma_start3A_249] : memref<12808x128xf32, #tpu.memory_space<vmem_shared>> -> memref<12808x128xf32, #tpu.memory_space<vmem_shared>>
          tpu.enqueue_indirect_dma source(%arg13 : memref<64x128xf32, #tpu.memory_space<vmem>>) target(%dma_start3A_250 : memref<12808x128xf32, #tpu.memory_space<vmem_shared>>) offsets(%arg11 : memref<64xi32, #tpu.memory_space<vmem>>) semaphore(%arg17 : memref<!tpu.dma_semaphore, #tpu.memory_space<semaphore_mem>>) {add = true}
        } else {
        }
        %while3A_246 = arith.constant 0 : i32
        scf.yield %while3A_246 : i32
      }
      %while3A_181 = arith.constant 1 : i32
      %while3A_182 = scf.for %while3A_191 = %while3A_178 to %while3A_174 step %while3A_181 iter_args(%while3A_192 = %while3A_180) -> (i32)  : i32 {
        %mul3A_193 = arith.constant 2 : i32
        %mul3A_194 = arith.muli %while3A_191, %mul3A_193 : i32
        %add3A_195 = arith.constant 0 : i32
        %add3A_196 = arith.addi %mul3A_194, %add3A_195 : i32
        %lt3A = arith.cmpi slt, %add3A_196, %select_n3A : i32
        %gt3A_197 = arith.constant 0 : i32
        %gt3A_198 = arith.cmpi sgt, %while3A_191, %gt3A_197 : i32
        %and3A_199 = arith.andi %lt3A, %gt3A_198 : i1
        %convert_element_type3A_200 = arith.extui %and3A_199 : i1 to i32
        %cond3A_201 = arith.constant 0 : i32
        %cond3A_202 = arith.cmpi ne, %convert_element_type3A_200, %cond3A_201 : i32
        scf.if %cond3A_202 {
          %dma_wait3A = arith.constant 0 : i32
          %dma_wait3A_247 = arith.constant 0 : i32
          %dma_wait3A_248 = tpu.memref_slice %arg18[%dma_wait3A, %dma_wait3A_247] : memref<12808x128xf32, #tpu.memory_space<vmem_shared>> -> memref<12808x128xf32, #tpu.memory_space<vmem_shared>>
          tpu.wait_indirect_dma semaphore(%arg16 : memref<!tpu.dma_semaphore, #tpu.memory_space<semaphore_mem>>) src(%arg12 : memref<64x128xf32, #tpu.memory_space<vmem>>) dst(%dma_wait3A_248 : memref<12808x128xf32, #tpu.memory_space<vmem_shared>>)
        } else {
        }
        %mul3A_203 = arith.constant 2 : i32
        %mul3A_204 = arith.muli %while3A_191, %mul3A_203 : i32
        %add3A_205 = arith.constant 1 : i32
        %add3A_206 = arith.addi %mul3A_204, %add3A_205 : i32
        %lt3A_207 = arith.cmpi slt, %add3A_206, %select_n3A : i32
        %gt3A_208 = arith.constant 0 : i32
        %gt3A_209 = arith.cmpi sgt, %while3A_191, %gt3A_208 : i32
        %and3A_210 = arith.andi %lt3A_207, %gt3A_209 : i1
        %convert_element_type3A_211 = arith.extui %and3A_210 : i1 to i32
        %cond3A_212 = arith.constant 0 : i32
        %cond3A_213 = arith.cmpi ne, %convert_element_type3A_211, %cond3A_212 : i32
        scf.if %cond3A_213 {
          %dma_wait3A = arith.constant 0 : i32
          %dma_wait3A_247 = arith.constant 0 : i32
          %dma_wait3A_248 = tpu.memref_slice %arg18[%dma_wait3A, %dma_wait3A_247] : memref<12808x128xf32, #tpu.memory_space<vmem_shared>> -> memref<12808x128xf32, #tpu.memory_space<vmem_shared>>
          tpu.wait_indirect_dma semaphore(%arg17 : memref<!tpu.dma_semaphore, #tpu.memory_space<semaphore_mem>>) src(%arg13 : memref<64x128xf32, #tpu.memory_space<vmem>>) dst(%dma_wait3A_248 : memref<12808x128xf32, #tpu.memory_space<vmem_shared>>)
        } else {
        }
        %mul3A_214 = arith.constant 2 : i32
        %mul3A_215 = arith.muli %while3A_191, %mul3A_214 : i32
        %add3A_216 = arith.constant 0 : i32
        %add3A_217 = arith.addi %mul3A_215, %add3A_216 : i32
        %lt3A_218 = arith.cmpi slt, %add3A_217, %select_n3A : i32
        %convert_element_type3A_219 = arith.extui %lt3A_218 : i1 to i32
        %cond3A_220 = arith.constant 0 : i32
        %cond3A_221 = arith.cmpi ne, %convert_element_type3A_219, %cond3A_220 : i32
        scf.if %cond3A_221 {
          %mul3A_247 = arith.constant 64 : i32
          %mul3A_248 = arith.muli %add3A_217, %mul3A_247 : i32
          %add3A_249 = arith.constant 0 : i32
          %add3A_250 = arith.addi %mul3A_248, %add3A_249 : i32
          %get3A = arith.index_cast %add3A_250 : i32 to index
          %get3A_251 = tpu.vector_load %arg6[%get3A] {strides = array<i32>} : memref<3904xi32, #tpu.memory_space<vmem>>, vector<16xi32>,
          %swap3A_252 = arith.constant 0 : index
          %swap3A_253 = tpu.vector_load %arg8[%swap3A_252] {strides = array<i32>} : memref<64xi32, #tpu.memory_space<vmem>>, vector<16xi32>,
          tpu.vector_store %arg8[%swap3A_252], %get3A_251 {strides = array<i32>} : memref<64xi32, #tpu.memory_space<vmem>>, vector<16xi32>,
          %mul3A_254 = arith.constant 64 : i32
          %mul3A_255 = arith.muli %add3A_217, %mul3A_254 : i32
          %add3A_256 = arith.constant 0 : i32
          %add3A_257 = arith.addi %mul3A_255, %add3A_256 : i32
          %get3A_258 = arith.index_cast %add3A_257 : i32 to index
          %get3A_259 = tpu.vector_load %arg7[%get3A_258] {strides = array<i32>} : memref<3904xi32, #tpu.memory_space<vmem>>, vector<16xi32>,
          %swap3A_260 = arith.constant 0 : index
          %swap3A_261 = tpu.vector_load %arg10[%swap3A_260] {strides = array<i32>} : memref<64xi32, #tpu.memory_space<vmem>>, vector<16xi32>,
          tpu.vector_store %arg10[%swap3A_260], %get3A_259 {strides = array<i32>} : memref<64xi32, #tpu.memory_space<vmem>>, vector<16xi32>,
          %mul3A_262 = arith.constant 64 : i32
          %mul3A_263 = arith.muli %add3A_217, %mul3A_262 : i32
          %add3A_264 = arith.constant 16 : i32
          %add3A_265 = arith.addi %mul3A_263, %add3A_264 : i32
          %get3A_266 = arith.index_cast %add3A_265 : i32 to index
          %get3A_267 = tpu.vector_load %arg6[%get3A_266] {strides = array<i32>} : memref<3904xi32, #tpu.memory_space<vmem>>, vector<16xi32>,
          %swap3A_268 = arith.constant 16 : index
          %swap3A_269 = tpu.vector_load %arg8[%swap3A_268] {strides = array<i32>} : memref<64xi32, #tpu.memory_space<vmem>>, vector<16xi32>,
          tpu.vector_store %arg8[%swap3A_268], %get3A_267 {strides = array<i32>} : memref<64xi32, #tpu.memory_space<vmem>>, vector<16xi32>,
          %mul3A_270 = arith.constant 64 : i32
          %mul3A_271 = arith.muli %add3A_217, %mul3A_270 : i32
          %add3A_272 = arith.constant 16 : i32
          %add3A_273 = arith.addi %mul3A_271, %add3A_272 : i32
          %get3A_274 = arith.index_cast %add3A_273 : i32 to index
          %get3A_275 = tpu.vector_load %arg7[%get3A_274] {strides = array<i32>} : memref<3904xi32, #tpu.memory_space<vmem>>, vector<16xi32>,
          %swap3A_276 = arith.constant 16 : index
          %swap3A_277 = tpu.vector_load %arg10[%swap3A_276] {strides = array<i32>} : memref<64xi32, #tpu.memory_space<vmem>>, vector<16xi32>,
          tpu.vector_store %arg10[%swap3A_276], %get3A_275 {strides = array<i32>} : memref<64xi32, #tpu.memory_space<vmem>>, vector<16xi32>,
          %mul3A_278 = arith.constant 64 : i32
          %mul3A_279 = arith.muli %add3A_217, %mul3A_278 : i32
          %add3A_280 = arith.constant 32 : i32
          %add3A_281 = arith.addi %mul3A_279, %add3A_280 : i32
          %get3A_282 = arith.index_cast %add3A_281 : i32 to index
          %get3A_283 = tpu.vector_load %arg6[%get3A_282] {strides = array<i32>} : memref<3904xi32, #tpu.memory_space<vmem>>, vector<16xi32>,
          %swap3A_284 = arith.constant 32 : index
          %swap3A_285 = tpu.vector_load %arg8[%swap3A_284] {strides = array<i32>} : memref<64xi32, #tpu.memory_space<vmem>>, vector<16xi32>,
          tpu.vector_store %arg8[%swap3A_284], %get3A_283 {strides = array<i32>} : memref<64xi32, #tpu.memory_space<vmem>>, vector<16xi32>,
          %mul3A_286 = arith.constant 64 : i32
          %mul3A_287 = arith.muli %add3A_217, %mul3A_286 : i32
          %add3A_288 = arith.constant 32 : i32
          %add3A_289 = arith.addi %mul3A_287, %add3A_288 : i32
          %get3A_290 = arith.index_cast %add3A_289 : i32 to index
          %get3A_291 = tpu.vector_load %arg7[%get3A_290] {strides = array<i32>} : memref<3904xi32, #tpu.memory_space<vmem>>, vector<16xi32>,
          %swap3A_292 = arith.constant 32 : index
          %swap3A_293 = tpu.vector_load %arg10[%swap3A_292] {strides = array<i32>} : memref<64xi32, #tpu.memory_space<vmem>>, vector<16xi32>,
          tpu.vector_store %arg10[%swap3A_292], %get3A_291 {strides = array<i32>} : memref<64xi32, #tpu.memory_space<vmem>>, vector<16xi32>,
          %mul3A_294 = arith.constant 64 : i32
          %mul3A_295 = arith.muli %add3A_217, %mul3A_294 : i32
          %add3A_296 = arith.constant 48 : i32
          %add3A_297 = arith.addi %mul3A_295, %add3A_296 : i32
          %get3A_298 = arith.index_cast %add3A_297 : i32 to index
          %get3A_299 = tpu.vector_load %arg6[%get3A_298] {strides = array<i32>} : memref<3904xi32, #tpu.memory_space<vmem>>, vector<16xi32>,
          %swap3A_300 = arith.constant 48 : index
          %swap3A_301 = tpu.vector_load %arg8[%swap3A_300] {strides = array<i32>} : memref<64xi32, #tpu.memory_space<vmem>>, vector<16xi32>,
          tpu.vector_store %arg8[%swap3A_300], %get3A_299 {strides = array<i32>} : memref<64xi32, #tpu.memory_space<vmem>>, vector<16xi32>,
          %mul3A_302 = arith.constant 64 : i32
          %mul3A_303 = arith.muli %add3A_217, %mul3A_302 : i32
          %add3A_304 = arith.constant 48 : i32
          %add3A_305 = arith.addi %mul3A_303, %add3A_304 : i32
          %get3A_306 = arith.index_cast %add3A_305 : i32 to index
          %get3A_307 = tpu.vector_load %arg7[%get3A_306] {strides = array<i32>} : memref<3904xi32, #tpu.memory_space<vmem>>, vector<16xi32>,
          %swap3A_308 = arith.constant 48 : index
          %swap3A_309 = tpu.vector_load %arg10[%swap3A_308] {strides = array<i32>} : memref<64xi32, #tpu.memory_space<vmem>>, vector<16xi32>,
          tpu.vector_store %arg10[%swap3A_308], %get3A_307 {strides = array<i32>} : memref<64xi32, #tpu.memory_space<vmem>>, vector<16xi32>,
          %dma_start3A = arith.constant 0 : i32
          %dma_start3A_310 = arith.constant 0 : i32
          %dma_start3A_311 = tpu.memref_slice %arg2[%dma_start3A, %dma_start3A_310] : memref<51200x128xf32, #tpu.memory_space<hbm>> -> memref<51200x128xf32, #tpu.memory_space<hbm>>
          tpu.enqueue_indirect_dma source(%dma_start3A_311 : memref<51200x128xf32, #tpu.memory_space<hbm>>) target(%arg12 : memref<64x128xf32, #tpu.memory_space<vmem>>) offsets(%arg8 : memref<64xi32, #tpu.memory_space<vmem>>) semaphore(%arg14 : memref<!tpu.dma_semaphore, #tpu.memory_space<semaphore_mem>>)
        } else {
        }
        %mul3A_222 = arith.constant 2 : i32
        %mul3A_223 = arith.muli %while3A_191, %mul3A_222 : i32
        %add3A_224 = arith.constant 1 : i32
        %add3A_225 = arith.addi %mul3A_223, %add3A_224 : i32
        %lt3A_226 = arith.cmpi slt, %add3A_225, %select_n3A : i32
        %convert_element_type3A_227 = arith.extui %lt3A_226 : i1 to i32
        %cond3A_228 = arith.constant 0 : i32
        %cond3A_229 = arith.cmpi ne, %convert_element_type3A_227, %cond3A_228 : i32
        scf.if %cond3A_229 {
          %mul3A_247 = arith.constant 64 : i32
          %mul3A_248 = arith.muli %add3A_225, %mul3A_247 : i32
          %add3A_249 = arith.constant 0 : i32
          %add3A_250 = arith.addi %mul3A_248, %add3A_249 : i32
          %get3A = arith.index_cast %add3A_250 : i32 to index
          %get3A_251 = tpu.vector_load %arg6[%get3A] {strides = array<i32>} : memref<3904xi32, #tpu.memory_space<vmem>>, vector<16xi32>,
          %swap3A_252 = arith.constant 0 : index
          %swap3A_253 = tpu.vector_load %arg9[%swap3A_252] {strides = array<i32>} : memref<64xi32, #tpu.memory_space<vmem>>, vector<16xi32>,
          tpu.vector_store %arg9[%swap3A_252], %get3A_251 {strides = array<i32>} : memref<64xi32, #tpu.memory_space<vmem>>, vector<16xi32>,
          %mul3A_254 = arith.constant 64 : i32
          %mul3A_255 = arith.muli %add3A_225, %mul3A_254 : i32
          %add3A_256 = arith.constant 0 : i32
          %add3A_257 = arith.addi %mul3A_255, %add3A_256 : i32
          %get3A_258 = arith.index_cast %add3A_257 : i32 to index
          %get3A_259 = tpu.vector_load %arg7[%get3A_258] {strides = array<i32>} : memref<3904xi32, #tpu.memory_space<vmem>>, vector<16xi32>,
          %swap3A_260 = arith.constant 0 : index
          %swap3A_261 = tpu.vector_load %arg11[%swap3A_260] {strides = array<i32>} : memref<64xi32, #tpu.memory_space<vmem>>, vector<16xi32>,
          tpu.vector_store %arg11[%swap3A_260], %get3A_259 {strides = array<i32>} : memref<64xi32, #tpu.memory_space<vmem>>, vector<16xi32>,
          %mul3A_262 = arith.constant 64 : i32
          %mul3A_263 = arith.muli %add3A_225, %mul3A_262 : i32
          %add3A_264 = arith.constant 16 : i32
          %add3A_265 = arith.addi %mul3A_263, %add3A_264 : i32
          %get3A_266 = arith.index_cast %add3A_265 : i32 to index
          %get3A_267 = tpu.vector_load %arg6[%get3A_266] {strides = array<i32>} : memref<3904xi32, #tpu.memory_space<vmem>>, vector<16xi32>,
          %swap3A_268 = arith.constant 16 : index
          %swap3A_269 = tpu.vector_load %arg9[%swap3A_268] {strides = array<i32>} : memref<64xi32, #tpu.memory_space<vmem>>, vector<16xi32>,
          tpu.vector_store %arg9[%swap3A_268], %get3A_267 {strides = array<i32>} : memref<64xi32, #tpu.memory_space<vmem>>, vector<16xi32>,
          %mul3A_270 = arith.constant 64 : i32
          %mul3A_271 = arith.muli %add3A_225, %mul3A_270 : i32
          %add3A_272 = arith.constant 16 : i32
          %add3A_273 = arith.addi %mul3A_271, %add3A_272 : i32
          %get3A_274 = arith.index_cast %add3A_273 : i32 to index
          %get3A_275 = tpu.vector_load %arg7[%get3A_274] {strides = array<i32>} : memref<3904xi32, #tpu.memory_space<vmem>>, vector<16xi32>,
          %swap3A_276 = arith.constant 16 : index
          %swap3A_277 = tpu.vector_load %arg11[%swap3A_276] {strides = array<i32>} : memref<64xi32, #tpu.memory_space<vmem>>, vector<16xi32>,
          tpu.vector_store %arg11[%swap3A_276], %get3A_275 {strides = array<i32>} : memref<64xi32, #tpu.memory_space<vmem>>, vector<16xi32>,
          %mul3A_278 = arith.constant 64 : i32
          %mul3A_279 = arith.muli %add3A_225, %mul3A_278 : i32
          %add3A_280 = arith.constant 32 : i32
          %add3A_281 = arith.addi %mul3A_279, %add3A_280 : i32
          %get3A_282 = arith.index_cast %add3A_281 : i32 to index
          %get3A_283 = tpu.vector_load %arg6[%get3A_282] {strides = array<i32>} : memref<3904xi32, #tpu.memory_space<vmem>>, vector<16xi32>,
          %swap3A_284 = arith.constant 32 : index
          %swap3A_285 = tpu.vector_load %arg9[%swap3A_284] {strides = array<i32>} : memref<64xi32, #tpu.memory_space<vmem>>, vector<16xi32>,
          tpu.vector_store %arg9[%swap3A_284], %get3A_283 {strides = array<i32>} : memref<64xi32, #tpu.memory_space<vmem>>, vector<16xi32>,
          %mul3A_286 = arith.constant 64 : i32
          %mul3A_287 = arith.muli %add3A_225, %mul3A_286 : i32
          %add3A_288 = arith.constant 32 : i32
          %add3A_289 = arith.addi %mul3A_287, %add3A_288 : i32
          %get3A_290 = arith.index_cast %add3A_289 : i32 to index
          %get3A_291 = tpu.vector_load %arg7[%get3A_290] {strides = array<i32>} : memref<3904xi32, #tpu.memory_space<vmem>>, vector<16xi32>,
          %swap3A_292 = arith.constant 32 : index
          %swap3A_293 = tpu.vector_load %arg11[%swap3A_292] {strides = array<i32>} : memref<64xi32, #tpu.memory_space<vmem>>, vector<16xi32>,
          tpu.vector_store %arg11[%swap3A_292], %get3A_291 {strides = array<i32>} : memref<64xi32, #tpu.memory_space<vmem>>, vector<16xi32>,
          %mul3A_294 = arith.constant 64 : i32
          %mul3A_295 = arith.muli %add3A_225, %mul3A_294 : i32
          %add3A_296 = arith.constant 48 : i32
          %add3A_297 = arith.addi %mul3A_295, %add3A_296 : i32
          %get3A_298 = arith.index_cast %add3A_297 : i32 to index
          %get3A_299 = tpu.vector_load %arg6[%get3A_298] {strides = array<i32>} : memref<3904xi32, #tpu.memory_space<vmem>>, vector<16xi32>,
          %swap3A_300 = arith.constant 48 : index
          %swap3A_301 = tpu.vector_load %arg9[%swap3A_300] {strides = array<i32>} : memref<64xi32, #tpu.memory_space<vmem>>, vector<16xi32>,
          tpu.vector_store %arg9[%swap3A_300], %get3A_299 {strides = array<i32>} : memref<64xi32, #tpu.memory_space<vmem>>, vector<16xi32>,
          %mul3A_302 = arith.constant 64 : i32
          %mul3A_303 = arith.muli %add3A_225, %mul3A_302 : i32
          %add3A_304 = arith.constant 48 : i32
          %add3A_305 = arith.addi %mul3A_303, %add3A_304 : i32
          %get3A_306 = arith.index_cast %add3A_305 : i32 to index
          %get3A_307 = tpu.vector_load %arg7[%get3A_306] {strides = array<i32>} : memref<3904xi32, #tpu.memory_space<vmem>>, vector<16xi32>,
          %swap3A_308 = arith.constant 48 : index
          %swap3A_309 = tpu.vector_load %arg11[%swap3A_308] {strides = array<i32>} : memref<64xi32, #tpu.memory_space<vmem>>, vector<16xi32>,
          tpu.vector_store %arg11[%swap3A_308], %get3A_307 {strides = array<i32>} : memref<64xi32, #tpu.memory_space<vmem>>, vector<16xi32>,
          %dma_start3A = arith.constant 0 : i32
          %dma_start3A_310 = arith.constant 0 : i32
          %dma_start3A_311 = tpu.memref_slice %arg2[%dma_start3A, %dma_start3A_310] : memref<51200x128xf32, #tpu.memory_space<hbm>> -> memref<51200x128xf32, #tpu.memory_space<hbm>>
          tpu.enqueue_indirect_dma source(%dma_start3A_311 : memref<51200x128xf32, #tpu.memory_space<hbm>>) target(%arg13 : memref<64x128xf32, #tpu.memory_space<vmem>>) offsets(%arg9 : memref<64xi32, #tpu.memory_space<vmem>>) semaphore(%arg15 : memref<!tpu.dma_semaphore, #tpu.memory_space<semaphore_mem>>)
        } else {
        }
        %mul3A_230 = arith.constant 2 : i32
        %mul3A_231 = arith.muli %while3A_191, %mul3A_230 : i32
        %add3A_232 = arith.constant 0 : i32
        %add3A_233 = arith.addi %mul3A_231, %add3A_232 : i32
        %lt3A_234 = arith.cmpi slt, %add3A_233, %select_n3A : i32
        %convert_element_type3A_235 = arith.extui %lt3A_234 : i1 to i32
        %cond3A_236 = arith.constant 0 : i32
        %cond3A_237 = arith.cmpi ne, %convert_element_type3A_235, %cond3A_236 : i32
        scf.if %cond3A_237 {
          %dma_wait3A = arith.constant 0 : i32
          %dma_wait3A_247 = arith.constant 0 : i32
          %dma_wait3A_248 = tpu.memref_slice %arg2[%dma_wait3A, %dma_wait3A_247] : memref<51200x128xf32, #tpu.memory_space<hbm>> -> memref<51200x128xf32, #tpu.memory_space<hbm>>
          tpu.wait_indirect_dma semaphore(%arg14 : memref<!tpu.dma_semaphore, #tpu.memory_space<semaphore_mem>>) src(%dma_wait3A_248 : memref<51200x128xf32, #tpu.memory_space<hbm>>) dst(%arg12 : memref<64x128xf32, #tpu.memory_space<vmem>>)
          %dma_start3A = arith.constant 0 : i32
          %dma_start3A_249 = arith.constant 0 : i32
          %dma_start3A_250 = tpu.memref_slice %arg18[%dma_start3A, %dma_start3A_249] : memref<12808x128xf32, #tpu.memory_space<vmem_shared>> -> memref<12808x128xf32, #tpu.memory_space<vmem_shared>>
          tpu.enqueue_indirect_dma source(%arg12 : memref<64x128xf32, #tpu.memory_space<vmem>>) target(%dma_start3A_250 : memref<12808x128xf32, #tpu.memory_space<vmem_shared>>) offsets(%arg10 : memref<64xi32, #tpu.memory_space<vmem>>) semaphore(%arg16 : memref<!tpu.dma_semaphore, #tpu.memory_space<semaphore_mem>>) {add = true}
        } else {
        }
        %mul3A_238 = arith.constant 2 : i32
        %mul3A_239 = arith.muli %while3A_191, %mul3A_238 : i32
        %add3A_240 = arith.constant 1 : i32
        %add3A_241 = arith.addi %mul3A_239, %add3A_240 : i32
        %lt3A_242 = arith.cmpi slt, %add3A_241, %select_n3A : i32
        %convert_element_type3A_243 = arith.extui %lt3A_242 : i1 to i32
        %cond3A_244 = arith.constant 0 : i32
        %cond3A_245 = arith.cmpi ne, %convert_element_type3A_243, %cond3A_244 : i32
        scf.if %cond3A_245 {
          %dma_wait3A = arith.constant 0 : i32
          %dma_wait3A_247 = arith.constant 0 : i32
          %dma_wait3A_248 = tpu.memref_slice %arg2[%dma_wait3A, %dma_wait3A_247] : memref<51200x128xf32, #tpu.memory_space<hbm>> -> memref<51200x128xf32, #tpu.memory_space<hbm>>
          tpu.wait_indirect_dma semaphore(%arg15 : memref<!tpu.dma_semaphore, #tpu.memory_space<semaphore_mem>>) src(%dma_wait3A_248 : memref<51200x128xf32, #tpu.memory_space<hbm>>) dst(%arg13 : memref<64x128xf32, #tpu.memory_space<vmem>>)
          %dma_start3A = arith.constant 0 : i32
          %dma_start3A_249 = arith.constant 0 : i32
          %dma_start3A_250 = tpu.memref_slice %arg18[%dma_start3A, %dma_start3A_249] : memref<12808x128xf32, #tpu.memory_space<vmem_shared>> -> memref<12808x128xf32, #tpu.memory_space<vmem_shared>>
          tpu.enqueue_indirect_dma source(%arg13 : memref<64x128xf32, #tpu.memory_space<vmem>>) target(%dma_start3A_250 : memref<12808x128xf32, #tpu.memory_space<vmem_shared>>) offsets(%arg11 : memref<64xi32, #tpu.memory_space<vmem>>) semaphore(%arg17 : memref<!tpu.dma_semaphore, #tpu.memory_space<semaphore_mem>>) {add = true}
        } else {
        }
        %while3A_246 = arith.constant 0 : i32
        scf.yield %while3A_246 : i32
      }
      %gt3A = arith.constant 0 : i32
      %gt3A_183 = arith.cmpi sgt, %select_n3A, %gt3A : i32
      %convert_element_type3A = arith.extui %gt3A_183 : i1 to i32
      %cond3A = arith.constant 0 : i32
      %cond3A_184 = arith.cmpi ne, %convert_element_type3A, %cond3A : i32
      scf.if %cond3A_184 {
        %dma_wait3A = arith.constant 0 : i32
        %dma_wait3A_191 = arith.constant 0 : i32
        %dma_wait3A_192 = tpu.memref_slice %arg18[%dma_wait3A, %dma_wait3A_191] : memref<12808x128xf32, #tpu.memory_space<vmem_shared>> -> memref<12808x128xf32, #tpu.memory_space<vmem_shared>>
        tpu.wait_indirect_dma semaphore(%arg16 : memref<!tpu.dma_semaphore, #tpu.memory_space<semaphore_mem>>) src(%arg12 : memref<64x128xf32, #tpu.memory_space<vmem>>) dst(%dma_wait3A_192 : memref<12808x128xf32, #tpu.memory_space<vmem_shared>>)
      } else {
      }
      %gt3A_185 = arith.constant 1 : i32
      %gt3A_186 = arith.cmpi sgt, %select_n3A, %gt3A_185 : i32
      %convert_element_type3A_187 = arith.extui %gt3A_186 : i1 to i32
      %cond3A_188 = arith.constant 0 : i32
      %cond3A_189 = arith.cmpi ne, %convert_element_type3A_187, %cond3A_188 : i32
      scf.if %cond3A_189 {
        %dma_wait3A = arith.constant 0 : i32
        %dma_wait3A_191 = arith.constant 0 : i32
        %dma_wait3A_192 = tpu.memref_slice %arg18[%dma_wait3A, %dma_wait3A_191] : memref<12808x128xf32, #tpu.memory_space<vmem_shared>> -> memref<12808x128xf32, #tpu.memory_space<vmem_shared>>
        tpu.wait_indirect_dma semaphore(%arg17 : memref<!tpu.dma_semaphore, #tpu.memory_space<semaphore_mem>>) src(%arg13 : memref<64x128xf32, #tpu.memory_space<vmem>>) dst(%dma_wait3A_192 : memref<12808x128xf32, #tpu.memory_space<vmem_shared>>)
      } else {
      }
      %scan3A_190 = arith.constant 0 : i32
      scf.yield %scan3A_190 : i32
    }
    %scan3A_34 = arith.constant 10 : i32
    %barrier3A_35 = arith.constant 0 : index
    tpu.barrier barrier_id(%barrier3A_35)
    %mul3A_36 = arith.constant 800 : i32
    %mul3A_37 = arith.muli %arg1, %mul3A_36 : i32
    %mul3A_38 = arith.constant 800 : i32
    %mul3A_39 = arith.muli %arg1, %mul3A_38 : i32
    %add3A_40 = arith.addi %mul3A_24, %mul3A_39 : i32
    "tpu.region"() ({
      %run_scoped3A = tpu.sem_alloc : memref<!tpu.dma_semaphore, #tpu.memory_space<semaphore_mem>>
      %dma_start3A = arith.constant 0 : i32
      %dma_start3A_42 = tpu.memref_slice %arg5[%add3A_40, %dma_start3A] : memref<51200x128xf32, #tpu.memory_space<hbm>> -> memref<800x128xf32, #tpu.memory_space<hbm>>
      %dma_start3A_43 = arith.constant 0 : i32
      %dma_start3A_44 = tpu.memref_slice %arg18[%mul3A_37, %dma_start3A_43] : memref<12808x128xf32, #tpu.memory_space<vmem_shared>> -> memref<800x128xf32, #tpu.memory_space<vmem_shared>>
      tpu.enqueue_dma source(%dma_start3A_44 : memref<800x128xf32, #tpu.memory_space<vmem_shared>>) target(%dma_start3A_42 : memref<800x128xf32, #tpu.memory_space<hbm>>) target_semaphore(%run_scoped3A : memref<!tpu.dma_semaphore, #tpu.memory_space<semaphore_mem>>)
      %dma_wait3A = arith.constant 0 : i32
      %dma_wait3A_45 = tpu.memref_slice %arg5[%add3A_40, %dma_wait3A] : memref<51200x128xf32, #tpu.memory_space<hbm>> -> memref<800x128xf32, #tpu.memory_space<hbm>>
      %dma_wait3A_46 = arith.constant 0 : i32
      %dma_wait3A_47 = tpu.memref_slice %arg18[%mul3A_37, %dma_wait3A_46] : memref<12808x128xf32, #tpu.memory_space<vmem_shared>> -> memref<800x128xf32, #tpu.memory_space<vmem_shared>>
      tpu.wait_dma2 semaphore(%run_scoped3A : memref<!tpu.dma_semaphore, #tpu.memory_space<semaphore_mem>>) src(%dma_wait3A_47 : memref<800x128xf32, #tpu.memory_space<vmem_shared>>) dst(%dma_wait3A_45 : memref<800x128xf32, #tpu.memory_space<hbm>>)
      tpu.yield
    }) : () -> ()
    %barrier3A_41 = arith.constant 0 : index
    tpu.barrier barrier_id(%barrier3A_41)
    return
  }
}

module attributes {stable_mosaic.version = 14 : i64} {
  func.func @_stage_a_body(%arg0: i32, %arg1: memref<1024x128xf32, #tpu.memory_space<vmem>>, %arg2: memref<1024x128xf32, #tpu.memory_space<vmem>>, %arg3: memref<128x128xf32, #tpu.memory_space<vmem>>, %arg4: memref<1x128xf32, #tpu.memory_space<vmem>>, %arg5: memref<1024x128xf32, #tpu.memory_space<vmem>>) attributes {dimension_semantics = [#tpu.dimension_semantics<arbitrary>], iteration_bounds = array<i64: 50>, scalar_prefetch = 0 : i64, scratch_operands = 0 : i64, tpu.core_type = #tpu.core_type<tc>, window_params = [{transform_indices = @transform_0, window_bounds = array<i64: 1024, 128>}, {transform_indices = @transform_1, window_bounds = array<i64: 1024, 128>}, {pipeline_mode = #tpu.pipeline_mode<synchronous>, transform_indices = @transform_2, window_bounds = array<i64: 128, 128>}, {pipeline_mode = #tpu.pipeline_mode<synchronous>, transform_indices = @transform_3, window_bounds = array<i64: 1, 128>}, {transform_indices = @transform_4, window_bounds = array<i64: 1024, 128>}]} {
    %get3A = arith.constant 0 : index
    %get3A_0 = arith.constant 0 : index
    %get3A_1 = vector.load %arg1[%get3A, %get3A_0] : memref<1024x128xf32, #tpu.memory_space<vmem>>, vector<1024x128xf32>
    %get3A_2 = arith.constant 0 : index
    %get3A_3 = arith.constant 0 : index
    %get3A_4 = vector.load %arg2[%get3A_2, %get3A_3] : memref<1024x128xf32, #tpu.memory_space<vmem>>, vector<1024x128xf32>
    %add3A = arith.addf %get3A_1, %get3A_4 : vector<1024x128xf32>
    %get3A_5 = arith.constant 0 : index
    %get3A_6 = arith.constant 0 : index
    %get3A_7 = vector.load %arg3[%get3A_5, %get3A_6] : memref<128x128xf32, #tpu.memory_space<vmem>>, vector<128x128xf32>
    %dot_general3A = arith.constant dense<0.000000e+00> : vector<1024x128xf32>
    %dot_general3A_8 = tpu.matmul %add3A, %get3A_7, %dot_general3A {dimension_numbers = #tpu.dot_dimension_numbers<[1], [0], [0], [1], [0, 0, 1, 1], [], []>, transpose_lhs_hint = false} : vector<1024x128xf32>, vector<128x128xf32>, vector<1024x128xf32> -> vector<1024x128xf32>
    %get3A_9 = arith.constant 0 : index
    %get3A_10 = arith.constant 0 : index
    %get3A_11 = vector.load %arg4[%get3A_9, %get3A_10] : memref<1x128xf32, #tpu.memory_space<vmem>>, vector<1x128xf32>
    %add3A_12 = vector.broadcast %get3A_11 : vector<1x128xf32> to vector<1024x128xf32>
    %add3A_13 = arith.addf %dot_general3A_8, %add3A_12 : vector<1024x128xf32>
    %max3A = arith.constant 0.000000e+00 : f32
    %max3A_14 = vector.broadcast %max3A : f32 to vector<1024x128xf32>
    %max3A_15 = arith.maximumf %add3A_13, %max3A_14 : vector<1024x128xf32>
    %swap3A = arith.constant 0 : index
    %swap3A_16 = arith.constant 0 : index
    %swap3A_17 = vector.load %arg5[%swap3A, %swap3A_16] : memref<1024x128xf32, #tpu.memory_space<vmem>>, vector<1024x128xf32>
    tpu.vector_store %arg5[%swap3A, %swap3A_16], %max3A_15 {strides = array<i32>} : memref<1024x128xf32, #tpu.memory_space<vmem>>, vector<1024x128xf32>,
    return
  }
  func.func @transform_0(%arg0: i32) -> (i32, i32) {
    %c0_i32 = arith.constant 0 : i32
    %c0_i32_0 = arith.constant 0 : i32
    return %arg0, %c0_i32 : i32, i32
  }
  func.func @transform_1(%arg0: i32) -> (i32, i32) {
    %c0_i32 = arith.constant 0 : i32
    %c0_i32_0 = arith.constant 0 : i32
    return %arg0, %c0_i32 : i32, i32
  }
  func.func @transform_2(%arg0: i32) -> (i32, i32) {
    %c0_i32 = arith.constant 0 : i32
    %c0_i32_0 = arith.constant 0 : i32
    %c0_i32_1 = arith.constant 0 : i32
    return %c0_i32, %c0_i32_0 : i32, i32
  }
  func.func @transform_3(%arg0: i32) -> (i32, i32) {
    %c0_i32 = arith.constant 0 : i32
    %c0_i32_0 = arith.constant 0 : i32
    %c0_i32_1 = arith.constant 0 : i32
    return %c0_i32, %c0_i32_0 : i32, i32
  }
  func.func @transform_4(%arg0: i32) -> (i32, i32) {
    %c0_i32 = arith.constant 0 : i32
    %c0_i32_0 = arith.constant 0 : i32
    return %arg0, %c0_i32 : i32, i32
  }
}

module attributes {stable_mosaic.version = 14 : i64} {
  func.func @_stage_b_body(%arg0: i32, %arg1: memref<200x4096xf32, #tpu.memory_space<vmem>>, %arg2: memref<4096x1024xf32, #tpu.memory_space<vmem>>, %arg3: memref<1x1024xf32, #tpu.memory_space<vmem>>, %arg4: memref<1024x10xf32, #tpu.memory_space<vmem>>, %arg5: memref<1x10xf32, #tpu.memory_space<vmem>>, %arg6: memref<200x10xf32, #tpu.memory_space<vmem>>) attributes {dimension_semantics = [#tpu.dimension_semantics<arbitrary>], iteration_bounds = array<i64: 8>, scalar_prefetch = 0 : i64, scratch_operands = 0 : i64, tpu.core_type = #tpu.core_type<tc>, window_params = [{transform_indices = @transform_0, window_bounds = array<i64: 200, 4096>}, {pipeline_mode = #tpu.pipeline_mode<synchronous>, transform_indices = @transform_1, window_bounds = array<i64: 4096, 1024>}, {pipeline_mode = #tpu.pipeline_mode<synchronous>, transform_indices = @transform_2, window_bounds = array<i64: 1, 1024>}, {pipeline_mode = #tpu.pipeline_mode<synchronous>, transform_indices = @transform_3, window_bounds = array<i64: 1024, 10>}, {pipeline_mode = #tpu.pipeline_mode<synchronous>, transform_indices = @transform_4, window_bounds = array<i64: 1, 10>}, {transform_indices = @transform_5, window_bounds = array<i64: 200, 10>}]} {
    %get3A = arith.constant 0 : index
    %get3A_0 = arith.constant 0 : index
    %get3A_1 = vector.load %arg1[%get3A, %get3A_0] : memref<200x4096xf32, #tpu.memory_space<vmem>>, vector<200x4096xf32>
    %get3A_2 = arith.constant 0 : index
    %get3A_3 = arith.constant 0 : index
    %get3A_4 = vector.load %arg2[%get3A_2, %get3A_3] : memref<4096x1024xf32, #tpu.memory_space<vmem>>, vector<4096x1024xf32>
    %dot_general3A = arith.constant dense<0.000000e+00> : vector<200x1024xf32>
    %dot_general3A_5 = tpu.matmul %get3A_1, %get3A_4, %dot_general3A {dimension_numbers = #tpu.dot_dimension_numbers<[1], [0], [0], [1], [0, 0, 1, 1], [], []>, transpose_lhs_hint = false} : vector<200x4096xf32>, vector<4096x1024xf32>, vector<200x1024xf32> -> vector<200x1024xf32>
    %get3A_6 = arith.constant 0 : index
    %get3A_7 = arith.constant 0 : index
    %get3A_8 = vector.load %arg3[%get3A_6, %get3A_7] : memref<1x1024xf32, #tpu.memory_space<vmem>>, vector<1x1024xf32>
    %add3A = vector.broadcast %get3A_8 : vector<1x1024xf32> to vector<200x1024xf32>
    %add3A_9 = arith.addf %dot_general3A_5, %add3A : vector<200x1024xf32>
    %max3A = arith.constant 0.000000e+00 : f32
    %max3A_10 = vector.broadcast %max3A : f32 to vector<200x1024xf32>
    %max3A_11 = arith.maximumf %add3A_9, %max3A_10 : vector<200x1024xf32>
    %get3A_12 = arith.constant 0 : index
    %get3A_13 = arith.constant 0 : index
    %get3A_14 = vector.load %arg4[%get3A_12, %get3A_13] : memref<1024x10xf32, #tpu.memory_space<vmem>>, vector<1024x10xf32>
    %dot_general3A_15 = arith.constant dense<0.000000e+00> : vector<200x10xf32>
    %dot_general3A_16 = tpu.matmul %max3A_11, %get3A_14, %dot_general3A_15 {dimension_numbers = #tpu.dot_dimension_numbers<[1], [0], [0], [1], [0, 0, 1, 1], [], []>, transpose_lhs_hint = false} : vector<200x1024xf32>, vector<1024x10xf32>, vector<200x10xf32> -> vector<200x10xf32>
    %get3A_17 = arith.constant 0 : index
    %get3A_18 = arith.constant 0 : index
    %get3A_19 = vector.load %arg5[%get3A_17, %get3A_18] : memref<1x10xf32, #tpu.memory_space<vmem>>, vector<1x10xf32>
    %add3A_20 = vector.broadcast %get3A_19 : vector<1x10xf32> to vector<200x10xf32>
    %add3A_21 = arith.addf %dot_general3A_16, %add3A_20 : vector<200x10xf32>
    %reduce_max3A = arith.constant dense<0xFF800000> : vector<200xf32>
    %reduce_max3A_22 = vector.multi_reduction <maximumf>, %add3A_21, %reduce_max3A [1] : vector<200x10xf32> to vector<200xf32>
    %broadcast_in_dim3A = vector.shape_cast %reduce_max3A_22 : vector<200xf32> to vector<200x1xf32>
    %sub3A = vector.broadcast %broadcast_in_dim3A : vector<200x1xf32> to vector<200x10xf32>
    %sub3A_23 = arith.subf %add3A_21, %sub3A : vector<200x10xf32>
    %exp3A = math.exp %sub3A_23 : vector<200x10xf32>
    %reduce_sum3A = arith.constant dense<0.000000e+00> : vector<200xf32>
    %reduce_sum3A_24 = vector.multi_reduction <add>, %exp3A, %reduce_sum3A [1] : vector<200x10xf32> to vector<200xf32>
    %broadcast_in_dim3A_25 = vector.shape_cast %reduce_sum3A_24 : vector<200xf32> to vector<200x1xf32>
    %div3A = vector.broadcast %broadcast_in_dim3A_25 : vector<200x1xf32> to vector<200x10xf32>
    %div3A_26 = arith.divf %exp3A, %div3A : vector<200x10xf32>
    %swap3A = arith.constant 0 : index
    %swap3A_27 = arith.constant 0 : index
    %swap3A_28 = vector.load %arg6[%swap3A, %swap3A_27] : memref<200x10xf32, #tpu.memory_space<vmem>>, vector<200x10xf32>
    tpu.vector_store %arg6[%swap3A, %swap3A_27], %div3A_26 {strides = array<i32>} : memref<200x10xf32, #tpu.memory_space<vmem>>, vector<200x10xf32>,
    return
  }
  func.func @transform_0(%arg0: i32) -> (i32, i32) {
    %c0_i32 = arith.constant 0 : i32
    %c0_i32_0 = arith.constant 0 : i32
    return %arg0, %c0_i32 : i32, i32
  }
  func.func @transform_1(%arg0: i32) -> (i32, i32) {
    %c0_i32 = arith.constant 0 : i32
    %c0_i32_0 = arith.constant 0 : i32
    %c0_i32_1 = arith.constant 0 : i32
    return %c0_i32, %c0_i32_0 : i32, i32
  }
  func.func @transform_2(%arg0: i32) -> (i32, i32) {
    %c0_i32 = arith.constant 0 : i32
    %c0_i32_0 = arith.constant 0 : i32
    %c0_i32_1 = arith.constant 0 : i32
    return %c0_i32, %c0_i32_0 : i32, i32
  }
  func.func @transform_3(%arg0: i32) -> (i32, i32) {
    %c0_i32 = arith.constant 0 : i32
    %c0_i32_0 = arith.constant 0 : i32
    %c0_i32_1 = arith.constant 0 : i32
    return %c0_i32, %c0_i32_0 : i32, i32
  }
  func.func @transform_4(%arg0: i32) -> (i32, i32) {
    %c0_i32 = arith.constant 0 : i32
    %c0_i32_0 = arith.constant 0 : i32
    %c0_i32_1 = arith.constant 0 : i32
    return %c0_i32, %c0_i32_0 : i32, i32
  }
  func.func @transform_5(%arg0: i32) -> (i32, i32) {
    %c0_i32 = arith.constant 0 : i32
    %c0_i32_0 = arith.constant 0 : i32
    return %arg0, %c0_i32 : i32, i32
  }
}

</mosaic_0001>

<sc_bundles>
// kernel: kernel.5.cloned.1.call-start
scs
__scs_entry_jumppad:
0x0: {  	(pc) =	sbr.rel $0x88, $3  }
0x1: {  	(tag) =	ssettag $0x0;
	lr =	simm.s32 $0x1  }
0x2: {  	[smem:$0x3F99] =	sst lr;
	_ =	strace $0xD0000000  }
0x3: {  	_ = 	snop  }
0x4: {  	_ = 	snop  }
0x5: {  	_ = 	snop  }
0x6: {  	_ = 	snop  }
0x7: {  	_ = 	snop  }
__scs_overlays_trampoline_lowered:
0x8: {  	[smem:$0x3FA8] =	sst s0  }
0x9: {  	[smem:$0x3FA9] =	sst s1  }
0xa: {  	[smem:$0x3FAA] =	sst s2  }
0xb: {  	[smem:$0x3FAB] =	sst s3  }
0xc: {  	[smem:$0x3FAC] =	sst s4  }
0xd: {  	[smem:$0x3FAD] =	sst s5  }
0xe: {  	[smem:$0x3FAE] =	sst s6  }
0xf: {  	[smem:$0x3FAF] =	sst s7  }
0x10: {  	[smem:$0x3FB0] =	sst s8  }
0x11: {  	[smem:$0x3FB1] =	sst s9;
	s0 =	simm.s32 @!p0 $0x0  }
0x12: {  	s1 =	sld [smem:$0x3F97];
	s0 =	simm.s32 @p0 $0x1  }
0x13: {  	[smem:$0x3FB2] =	sst s0;
	s0 =	simm.s32 @!p1 $0x0  }
0x14: {  	s2 =	sld [smem:$0x3F96];
	s0 =	simm.s32 @p1 $0x1  }
0x15: {  	[smem:$0x3FB3] =	sst s0;
	s0 =	simm.s32 @!p2 $0x0  }
0x16: {  	s3 =	sld [smem:$0x3FDB];
	s0 =	simm.s32 @p2 $0x1  }
0x17: {  	s4 =	simm.s32 $0x1BF5;
	[smem:$0x3FB5] =	sst s0  }
0x18: {  	s0 =	sld [smem:$0x3F98];
	_ =	swait.ge [sflag:s4], $0x0  }
0x19: {  	s7 =	sld [smem:$0x3F99]  }
0x1a: {  	s8 =	sadd.s32 $0xFFFFE003, lr  }
0x1b: {  	s9 =	sadd.s32 $0xFFFFFEF7, lr;
	s5 =	simm.s32 $0xFFFFFFFF;
	p2 =	slt.u32 s8, $0xFFFFF086  }
0x1c: {  	p1 =	slt.u32 s9, $0xF7A;
	s5 =	simm.s32 @!p2 $0x0  }
0x1d: {  	s5 =	simm.s32 @p1 $0x1;
	p0 =	seq.s32 s7, s2  }
0x1e: {  	s7 =	smul.u32 @!p0 $0xF7A, s2;
	p2 =	seq.s32 @!p0 s5, $0x0  }
0x1f: {  	s9 =	smul.u32 $0xF7A, s1;
	s8 =	simm.s32 @!p0 $0x1BF5;
	p2 =	por !p2, p0  }
0x20: {  	[sflag:s8] =	ssyncset.s32 @!p0 $0xFFFFF086;
	s6 =	sadd.s32 @!p0 s3, s7;
	s7 =	simm.s32 @!p0 $0x108  }
0x21: {  	s3 =	sadd.s32 s3, s9;
	s6 =	sadd.s32 @!p0 $0x88, s6;
	s7 =	simm.s32 @p2 $0x1082  }
0x22: {  	[simem:s7], [sflag:s8] =	dma.local @!p0 [hbm:s6], $0xF7A  }
0x23: {  	s9 =	sor.u32 $0xD0000000, s2;
	s6 =	simm.s32 $0x108;
	_ =	swait.ge @!p0 [sflag:s8], $0x0  }
0x24: {  	s3 =	sadd.s32 $0x88, s3;
	s6 =	simm.s32 @!p1 $0x1082;
	[sflag:s4] =	ssyncset.s32 $0xFFFFF086  }
0x25: {  	[simem:s6], [sflag:s4] =	dma.local [hbm:s3], $0xF7A  }
0x26: {  	[smem:$0x3F99] =	sst s1;
	(tag) =	ssettag s2;
	_ =	strace s9  }
0x27: {  	s1 =	sld [smem:$0x3FA9]  }
0x28: {  	s2 =	sld [smem:$0x3FAA]  }
0x29: {  	s4 =	sld [smem:$0x3FAC]  }
0x2a: {  	p0 =	seq.s32 s5, $0x0;
	s5 =	sld [smem:$0x3FAD]  }
0x2b: {  	s6 =	sld [smem:$0x3FAE]  }
0x2c: {  	s7 =	sld [smem:$0x3FAF]  }
0x2d: {  	s3 =	simm.s32 $0x108;
	s8 =	sld [smem:$0x3FB0]  }
0x2e: {  	s3 =	simm.s32 @!p0 $0x1082;
	s9 =	sld [smem:$0x3FB1]  }
0x2f: {  	lr =	sadd.s32 s0, s3;
	s0 =	sld [smem:$0x3FA8]  }
0x30: {  	s3 =	sld [smem:$0x3FAB]  }
0x31: {  	[smem:$0x3FB4] =	sst s10  }
0x32: {  	s10 =	sld [smem:$0x3FB2];
	_ =	sdelay $0x3  }
0x33: {  	p0 =	seq.s32 s10, $0x1;
	s10 =	sld [smem:$0x3FB4];
	_ =	sdelay $0x3  }
0x34: {  	[smem:$0x3FB4] =	sst s10  }
0x35: {  	s10 =	sld [smem:$0x3FB3];
	_ =	sdelay $0x3  }
0x36: {  	p1 =	seq.s32 s10, $0x1;
	s10 =	sld [smem:$0x3FB4];
	_ =	sdelay $0x3  }
0x37: {  	[smem:$0x3FB4] =	sst s10  }
0x38: {  	s10 =	sld [smem:$0x3FB5]  }
0x39: {  	_ = 	snop;
	(pc) =	sbr.ind lr, $3  }
0x3a: {  	_ = 	snop  }
0x3b: {  	_ = 	snop  }
0x3c: {  	p2 =	seq.s32 s10, $0x1;
	s10 =	sld [smem:$0x3FB4]  }
0x3d: {  	_ =	shalt  }
0x3e: {  	_ =	shalt  }
0x3f: {  	_ =	shalt  }
0x40: {  	_ =	shalt  }
0x41: {  	_ =	shalt  }
0x42: {  	_ =	shalt  }
0x43: {  	_ =	shalt  }
0x44: {  	_ =	shalt  }
0x45: {  	_ =	shalt  }
0x46: {  	_ =	shalt  }
0x47: {  	_ =	shalt  }
0x48: {  	_ =	shalt  }
0x49: {  	_ =	shalt  }
0x4a: {  	_ =	shalt  }
0x4b: {  	_ =	shalt  }
0x4c: {  	_ =	shalt  }
0x4d: {  	_ =	shalt  }
0x4e: {  	_ =	shalt  }
0x4f: {  	_ =	shalt  }
0x50: {  	_ =	shalt  }
0x51: {  	_ =	shalt  }
0x52: {  	_ =	shalt  }
0x53: {  	_ =	shalt  }
0x54: {  	_ =	shalt  }
0x55: {  	_ =	shalt  }
0x56: {  	_ =	shalt  }
0x57: {  	_ =	shalt  }
0x58: {  	_ =	shalt  }
0x59: {  	_ =	shalt  }
0x5a: {  	_ =	shalt  }
0x5b: {  	_ =	shalt  }
0x5c: {  	_ =	shalt  }
0x5d: {  	_ =	shalt  }
0x5e: {  	_ =	shalt  }
0x5f: {  	_ =	shalt  }
0x60: {  	_ =	shalt  }
0x61: {  	_ =	shalt  }
0x62: {  	_ =	shalt  }
0x63: {  	_ =	shalt  }
0x64: {  	_ =	shalt  }
0x65: {  	_ =	shalt  }
0x66: {  	_ =	shalt  }
0x67: {  	_ =	shalt  }
0x68: {  	_ =	shalt  }
0x69: {  	_ =	shalt  }
0x6a: {  	_ =	shalt  }
0x6b: {  	_ =	shalt  }
0x6c: {  	_ =	shalt  }
0x6d: {  	_ =	shalt  }
0x6e: {  	_ =	shalt  }
0x6f: {  	_ =	shalt  }
0x70: {  	_ =	shalt  }
0x71: {  	_ =	shalt  }
0x72: {  	_ =	shalt  }
0x73: {  	_ =	shalt  }
0x74: {  	_ =	shalt  }
0x75: {  	_ =	shalt  }
0x76: {  	_ =	shalt  }
0x77: {  	_ =	shalt  }
0x78: {  	_ =	shalt  }
0x79: {  	_ =	shalt  }
0x7a: {  	_ =	shalt  }
0x7b: {  	_ =	shalt  }
0x7c: {  	_ =	shalt  }
0x7d: {  	_ =	shalt  }
0x7e: {  	_ =	shalt  }
0x7f: {  	_ =	shalt  }
0x80: {  	_ =	shalt  }
0x81: {  	_ =	shalt  }
0x82: {  	_ =	shalt  }
0x83: {  	_ =	shalt  }
0x84: {  	_ =	shalt  }
0x85: {  	_ =	shalt  }
0x86: {  	_ =	shalt  }
0x87: {  	_ =	shalt  }
.Lfunc_end0:
.L_simem_size_0:
called_computation_lowered:
.L_overlay_start_0:
0x88: {  	s2 =	sld [smem:$0x3FD9]  }
0x89: {  	s3 =	sld [smem:$0x3FFE];
	_ =	sdelay $0x1  }
0x8a: {  	s1 =	srdreg.scid  }
0x8b: {  	s0 =	sand.u32 $0x1, s1  }
0x8c: {  	s17 =	sshll.u32 s0, $0xA;
	s2 =	sadd.s32 s3, s2  }
0x8d: {  	s2 =	sadd.s32 s2, s17  }
0x8e: {  	[smem:$0x3FC0] =	sst s2  }
0x8f: {  	_ = 	snop  }
0x90: {  	s2 =	sld [smem:$0x3FC9]  }
0x91: {  	s18 =	sld [smem:$0x3FC8];
	(tm) =	ssettm $0x1  }
0x92: {  	s4 =	sld [smem:$0x3FFB];
	_ =	sdelay $0x3  }
0x93: {  	_ =	strace s4  }
0x94: {  	s4 =	sld [smem:$0x3FFC];
	_ =	sdelay $0x3  }
0x95: {  	_ =	strace s4  }
0x96: {  	s4 =	sld [smem:$0x3FFD];
	_ =	sdelay $0x3  }
0x97: {  	_ =	strace s4  }
0x98: {  	_ =	strace $0x8FFFFFFF  }
0x99: {  	s19 =	sld [smem:$0x3FDB];
	_ =	sdelay $0x1  }
0x9a: {  	s5 =	simm.s32 $_scs_section_size  }
0x9b: {  	s6 =	simm.s32 $_size__tile_overlayer_lowered;
	s7 =	simm.s32 $_tile_overlayer_lowered  }
0x9c: {  	s22 =	simm.s32 $0x1BFF;
	s21 =	sshll.u32 s7, $0x1;
	s4 =	sadd.s32 s5, s19  }
0x9d: {  	s8 =	simm.s32 $0x0;
	s20 =	sshll.u32 s6, $0x1;
	s6 =	sadd.s32 s21, s4  }
0x9e: {  	[timem:s8], [sflag:s22] =	dma.local [hbm:s6], s20  }
0x9f: {  	_ =	swait.ge [sflag:s22], s20  }
0xa0: {  	s5 =	ssub.s32 $0x0, s20;
	[sflag:s22] =	ssyncset.done $0x0  }
0xa1: {  	[sflag:s22] =	ssyncadd.s32 s5;
	_ =	sdelay $0x1  }
0xa2: {  	s23 =	simm.s32 $0x1B8B  }
0xa3: {  	_ =	swait.ge [sflag:s23], $0x1  }
0xa4: {  	[sflag:s23] =	ssyncset.done $0x0  }
0xa5: {  	s25 =	simm.s32 $0x1B8E;
	s24 =	sld [smem:$0x3FFE];
	[sflag:s23] =	ssyncadd.s32 $0xFFFFFFFF  }
0xa6: {  	s26 =	simm.s32 $execute0_lowered;
	[smem:$0x3FD2] =	sst s25  }
0xa7: {  	s6 =	sshll.u32 s26, $0x1;
	_ =	strace $0x80000046;
	[dreg:$0x1] =	wrdreg $0xFFFFFFFF  }
0xa8: {  	s28 =	simm.s32 $_size_execute0_lowered;
	s4 =	sadd.s32 s4, s6;
	[dreg:$0x0] =	wrdreg $0x0  }
0xa9: {  	s6 =	sshll.u32 s28, $0x1;
	[dreg:$0x2] =	wrdreg s4  }
0xaa: {  	[dreg:$0x3] =	wrdreg s6  }
0xab: {  	[dreg:$0x4] =	wrdreg $0xC0  }
0xac: {  	_ =	task [dreg:s8], $0x5FFFF  }
0xad: {  	[dreg:$0x1] =	wrdreg $0xFFFFFFFF  }
0xae: {  	[dreg:$0x0] =	wrdreg $0x60  }
0xaf: {  	[dreg:$0x2] =	wrdreg s2  }
0xb0: {  	[dreg:$0x3] =	wrdreg s18  }
0xb1: {  	[dreg:$0x4] =	wrdreg s24  }
0xb2: {  	[dreg:$0x5] =	wrdreg $0x61000  }
0xb3: {  	[dreg:$0x6] =	wrdreg $0x9  }
0xb4: {  	_ =	task.clear_ibuf [dreg:s8], $0x7FFFF;
	_ =	strace $0x90000046  }
0xb5: {  	s29 =	simm.s32 $0x9;
	_ =	strace $0x80000048  }
0xb6: {  	_ =	swait.ge [sflag:s29], $0x1  }
0xb7: {  	[sflag:s29] =	ssyncadd.s32 $0xFFFFFFFF  }
0xb8: {  	_ =	strace $0x90000048  }
0xb9: {  	_ =	sfence  }
0xba: {  	s30 =	sld [smem:$0x0];
	_ =	sdelay $0x2  }
0xbb: {  	s31 =	sshll.u32 s1, $0xD;
	s1 =	sshrl.u32 s1, $0x2  }
0xbc: {  	s3 =	sand.u32 $0x4000, s31;
	s1 =	sadd.s32 s1, s30  }
0xbd: {  	s0 =	sor.u32 s3, s0;
	s1 =	sshll.u32 s1, $0x11  }
0xbe: {  	s0 =	sor.u32 s1, s0  }
0xbf: {  	s0 =	sadd.s32 $0x8F2B, s0  }
0xc0: {  	[sflag:s0] =	ssyncadd.remote.s32 $0x1  }
0xc1: {  	_ =	sfence.sel $0xFFFF  }
0xc2: {  	[dreg:$0x0] =	wrdreg $0xFFFFFFFF;
	(pc) =	sbr.abs _section_cstart, $3  }
0xc3: {  	[dreg:$0x1] =	wrdreg $0xFFFFFFFF  }
0xc4: {  	_ =	task.clear_ibuf [dreg:s8], $0x2FFFF;
	_ =	strace $0x9FFFFFFF  }
0xc5: {  	(tm) =	ssettm $0x7FFFFFFF  }
tec
execute0_lowered:
.L_overlay_start_1:
0x0: {  	(tag) =	ssettag $0x1  }
0x1: {  	s1 =	rddreg [dreg:$0x0]  }
0x2: {  	s2 =	rddreg [dreg:$0x1]  }
0x3: {  	s0 =	rddreg [dreg:$0x2]  }
0x4: {  	s3 =	rddreg [dreg:$0x3];
	s4 =	simm.s32 $0x0  }
0x5: {  	s5 =	srdreg.scid;
	s11 =	stileid.u32;
	s16 =	simm.s32 $0x100  }
0x6: {  	s17 =	simm.s32 $0xF80;
	s18 =	simm.s32 $0x0;
	[smem:$0x7FF] =	sst s4  }
0x7: {  	s5 =	sand.u32 $0x1, s5;
	s6 =	sadd.s32 $0x1E00, s0;
	s9 =	smul.u32 $0x64000, s11  }
0x8: {  	s0 =	sadd.s32 $0x5000, s0;
	s10 =	smul.u32 $0x320, s11;
	s29 =	sshll.u32 s11, $0x6  }
0x9: {  	_ =	strace $0x80000047;
	s7 =	ssub.s32 $0x2, s5;
	s5 =	smul.u32 $0x6400, s5  }
0xa: {  	s8 =	sshrl.u32 s7, $0x1;
	s28 =	sshrl.u32 s9, $0x2;
	s9 =	sadd.s32 $0x10, s2  }
0xb: {  	s12 =	ssub.s32 s7, s8;
	s13 =	sadd.s32 s28, s3;
	s7 =	sor.u32 $0x1C05, s29  }
.Ltmp0:
0xc: {  	s14 =	sadd.s32 $0x3200, s5;
	s30 =	sadd.s32 s10, s5;
	(pc) =	sbr.rel .LBB2_1-.Ltmp0, $4  }
0xd: {  	v0 =	vlaneseq.u32;
	s8 =	smul.u32 $0x9600, s11;
	s10 =	sadd.s32 s10, s14;
	s11 =	sshll.u32 s30, $0x4  }
0xe: {  	v3 =	vimm.s32 $0x0;
	v4 =	vand.u32 $0x7, v0;
	s12 =	smax.u32 s12, $0x1;
	s15 =	sshll.u32 s10, $0x4;
	s31 =	sadd.s32 s0, s11  }
0xf: {  	v5 =	vor.u32 $0x10, v0;
	v6 =	vor.u32 $0x20, v0;
	v7 =	vor.u32 $0x30, v0;
	s13 =	sshrl.u32 s13, $0x3;
	[dreg:$0x5] =	wrdreg s31;
	s0 =	sadd.s32 s0, s15  }
0x10: {  	v4 =	vor.u32 $0x3200, v4;
	v1 =	vmov s5;
	v2 =	vmov s14;
	s14 =	simm.s32 $0x5;
	s15 =	simm.s32 $0x80;
	[dreg:$0x6] =	wrdreg s0  }
.LBB2_21:
0x11: {  	[bflag:$0x0] =	sbarrier.arrive $0xFFFF;
	s18 =	sadd.s32 $0x1, s18  }
0x12: {  	s0 =	rddreg [dreg:$0x6];
	p0 =	sne.s32 s18, s12  }
0x13: {  	[hbm:s0], [sflag:s7] =	dma.local [spmem:s13], $0x3200  }
.Ltmp1:
0x14: {  	_ =	swait.ge [sflag:s14], $0x3200;
	(pc) =	sbr.rel @!p0 .LBB2_22-.Ltmp1, $3  }
0x15: {  	[sflag:s14] =	ssyncset.done $0x0  }
0x16: {  	[sflag:s14] =	ssyncadd.s32 $0xFFFFCE00  }
0x17: {  	[bflag:$0x0] =	sbarrier.arrive $0xFFFF;
	_ =	sdelay $0x1  }
.LBB2_1:
0x18: {  	[spmem:s13], [sflag:s7] =	dma.local [hbm:s6], $0x3200  }
.Ltmp2:
0x19: {  	_ =	swait.ge [sflag:s14], $0x3200;
	(pc) =	sbr.rel .LBB2_2-.Ltmp2, $4  }
0x1a: {  	[sflag:s14] =	ssyncset.done $0x0  }
0x1b: {  	[sflag:s14] =	ssyncadd.s32 $0xFFFFCE00  }
0x1c: {  	[bflag:$0x0] =	sbarrier.arrive $0xFFFF  }
0x1d: {  	s19 =	simm.s32 $0x0  }
.LBB2_6:
0x1e: {  	_ = 	snop  }
.LBB2_9:
0x1f: {  	p0 =	por p2, !p0  }
0x20: {  	s10 =	simm.s32 @!p5 $0x3;
	[sflag:s0] =	ssyncadd.s32 @!p0 $0xFFFFE000  }
0x21: {  	[spmem:s3] =	stream.indirect.scatter.add.f32 @!p0 [tilespmem:s31], [sflag:$0x4], $0x80, s5, s30, $0xb8;
	[tilespmem:$0x1F140] =	vst v63  }
0x22: {  	_ =	swait.ge @!p5 [sflag:s10], $0x2000  }
0x23: {  	p0 =	por p3, p4;
	[sflag:s10] =	ssyncset.done @!p5 $0x0  }
0x24: {  	s0 =	simm.s32 @!p0 $0x4;
	[sflag:s10] =	ssyncadd.s32 @!p5 $0xFFFFE000  }
0x25: {  	_ =	swait.ge @!p0 [sflag:s0], $0x2000  }
0x26: {  	[sflag:s0] =	ssyncset.done @!p0 $0x0  }
0x27: {  	[sflag:s0] =	ssyncadd.s32 @!p0 $0xFFFFE000;
	p0 =	sge.s32 s24, s20  }
0x28: {  	v8 =	vld @!p0 [tilespmem:s23+$0xFFFFFFE0];
	_ =	sdelay $0x4  }
0x29: {  	[tilespmem:$0x1F00] =	vst @!p0 v8  }
0x2a: {  	v8 =	vld @!p0 [tilespmem:s22+$0xFFFFFFE0];
	_ =	sdelay $0x4  }
0x2b: {  	[tilespmem:$0x2000] =	vst @!p0 v8  }
0x2c: {  	v8 =	vld @!p0 [tilespmem:s23+$0xFFFFFFF0];
	_ =	sdelay $0x4  }
0x2d: {  	[tilespmem:$0x1F10] =	vst @!p0 v8  }
0x2e: {  	v8 =	vld @!p0 [tilespmem:s22+$0xFFFFFFF0];
	_ =	sdelay $0x4  }
0x2f: {  	[tilespmem:$0x2010] =	vst @!p0 v8  }
0x30: {  	v8 =	vld @!p0 [tilespmem:s23+$0x0];
	_ =	sdelay $0x4  }
0x31: {  	[tilespmem:$0x1F20] =	vst @!p0 v8  }
0x32: {  	v8 =	vld @!p0 [tilespmem:s22+$0x0];
	_ =	sdelay $0x4  }
0x33: {  	[tilespmem:$0x2020] =	vst @!p0 v8  }
0x34: {  	v8 =	vld @!p0 [tilespmem:s23+$0x10];
	_ =	sdelay $0x4  }
0x35: {  	[tilespmem:$0x1F30] =	vst @!p0 v8  }
0x36: {  	v8 =	vld @!p0 [tilespmem:s22+$0x10];
	_ =	sdelay $0x3  }
0x37: {  	p1 =	sge.s32 s26, s20  }
0x38: {  	s0 =	simm.s32 @!p0 $0x2100;
	s5 =	simm.s32 @!p0 $0x40;
	s10 =	simm.s32 @!p0 $0x1F00;
	[tilespmem:$0x2030] =	vst @!p0 v8  }
0x39: {  	[tilespmem:s0], [sflag:$0x1] =	stream.indirect.gather @!p0 [hbm4b:s1+s5], $0x80, s10, s5, $0xb8;
	[tilespmem:$0x1F140] =	vst v63  }
0x3a: {  	v8 =	vld @!p1 [tilespmem:s23+$0x20];
	_ =	sdelay $0x4  }
0x3b: {  	[tilespmem:$0x1F80] =	vst @!p1 v8  }
0x3c: {  	v8 =	vld @!p1 [tilespmem:s22+$0x20];
	_ =	sdelay $0x4  }
0x3d: {  	s10 =	sor.u32 @!p1 $0x50, s21;
	[tilespmem:$0x2080] =	vst @!p1 v8  }
0x3e: {  	v8 =	vld @!p1 [tilespmem:s10+$0x0];
	_ =	sdelay $0x4  }
0x3f: {  	[tilespmem:$0x1F90] =	vst @!p1 v8  }
0x40: {  	v8 =	vld @!p1 [tilespmem:s10+$0xF80];
	_ =	sdelay $0x4  }
0x41: {  	s10 =	sor.u32 @!p1 $0x60, s21;
	[tilespmem:$0x2090] =	vst @!p1 v8  }
0x42: {  	v8 =	vld @!p1 [tilespmem:s10+$0x0];
	_ =	sdelay $0x4  }
0x43: {  	[tilespmem:$0x1FA0] =	vst @!p1 v8  }
0x44: {  	v8 =	vld @!p1 [tilespmem:s10+$0xF80];
	_ =	sdelay $0x4  }
0x45: {  	s10 =	sor.u32 @!p1 $0x70, s21;
	[tilespmem:$0x20A0] =	vst @!p1 v8  }
0x46: {  	v8 =	vld @!p1 [tilespmem:s10+$0x0];
	_ =	sdelay $0x4  }
0x47: {  	[tilespmem:$0x1FB0] =	vst @!p1 v8  }
0x48: {  	v8 =	vld @!p1 [tilespmem:s10+$0xF80];
	_ =	sdelay $0x3  }
0x49: {  	s23 =	simm.s32 @!p1 $0x4100  }
0x4a: {  	s22 =	simm.s32 @!p1 $0x1F80;
	s21 =	simm.s32 @!p1 $0x40;
	s10 =	simm.s32 @!p0 $0x1;
	[tilespmem:$0x20B0] =	vst @!p1 v8  }
0x4b: {  	[tilespmem:s23], [sflag:$0x2] =	stream.indirect.gather @!p1 [hbm4b:s1+s21], $0x80, s22, s21, $0xb8;
	[tilespmem:$0x1F140] =	vst v63  }
0x4c: {  	_ =	swait.ge @!p0 [sflag:s10], $0x2000  }
0x4d: {  	[sflag:s10] =	ssyncset.done @!p0 $0x0  }
0x4e: {  	s24 =	simm.s32 @!p1 $0x2;
	s22 =	simm.s32 @!p0 $0x2000;
	[sflag:s10] =	ssyncadd.s32 @!p0 $0xFFFFE000  }
0x4f: {  	[spmem:s3] =	stream.indirect.scatter.add.f32 @!p0 [tilespmem:s0], [sflag:$0x3], $0x80, s22, s5, $0xb8;
	[tilespmem:$0x1F140] =	vst v63  }
0x50: {  	_ =	swait.ge @!p1 [sflag:s24], $0x2000  }
0x51: {  	[sflag:s24] =	ssyncset.done @!p1 $0x0  }
0x52: {  	s0 =	simm.s32 @!p1 $0x2080;
	[sflag:s24] =	ssyncadd.s32 @!p1 $0xFFFFE000  }
0x53: {  	[spmem:s3] =	stream.indirect.scatter.add.f32 @!p1 [tilespmem:s23], [sflag:$0x4], $0x80, s0, s21, $0xb8;
	[tilespmem:$0x1F140] =	vst v63  }
.LBB2_10:
0x54: {  	p0 =	slt.s32 s20, $0x1  }
0x55: {  	s0 =	simm.s32 @!p0 $0x3  }
0x56: {  	_ =	swait.ge @!p0 [sflag:s0], $0x2000  }
0x57: {  	s19 =	sadd.s32 $0x1, s19;
	p1 =	seq.s32 @!p0 s20, $0x1;
	[sflag:s0] =	ssyncset.done @!p0 $0x0  }
0x58: {  	p1 =	por p1, p0;
	[sflag:s0] =	ssyncadd.s32 @!p0 $0xFFFFE000;
	p0 =	sne.s32 s19, $0xA  }
.Ltmp3:
0x59: {  	_ = 	snop;
	(pc) =	sbr.rel @!p0 .LBB2_11-.Ltmp3, $4  }
0x5a: {  	s0 =	simm.s32 @!p1 $0x4  }
0x5b: {  	_ =	swait.ge @!p1 [sflag:s0], $0x2000  }
0x5c: {  	[sflag:s0] =	ssyncset.done @!p1 $0x0  }
0x5d: {  	[sflag:s0] =	ssyncadd.s32 @!p1 $0xFFFFE000  }
.LBB2_2:
0x5e: {  	s0 =	smul.u32 $0xF00, s19;
	_ =	sdelay $0x1  }
0x5f: {  	s0 =	sadd.s32 s8, s0  }
0x60: {  	s0 =	sshrl.u32 s0, $0x2  }
0x61: {  	s20 =	simm.s32 $0x0;
	s5 =	sadd.s32 s2, s0  }
0x62: {  	[tilespmem:s20], [sflag:$0x5] =	stream.strided.gather [hbm4b:s5+s15], $0xF00, s16, s15, $0x38;
	[tilespmem:$0x1F140] =	vst v63  }
0x63: {  	_ =	swait.ge [sflag:s14], $0xF00  }
0x64: {  	[sflag:s14] =	ssyncset.done $0x0  }
0x65: {  	s0 =	sadd.s32 s0, s9;
	[sflag:s14] =	ssyncadd.s32 $0xFFFFF100  }
0x66: {  	[tilespmem:s17], [sflag:$0x5] =	stream.strided.gather [hbm4b:s0+s15], $0xF00, s16, s15, $0x38;
	[tilespmem:$0x1F140] =	vst v63  }
0x67: {  	_ =	swait.ge [sflag:s14], $0xF00  }
0x68: {  	[sflag:s14] =	ssyncset.done $0x0  }
0x69: {  	s29 =	simm.s32 $0xFA0;
	[sflag:s14] =	ssyncadd.s32 $0xFFFFF100  }
0x6a: {  	v8 =	vld [tilespmem:s29+$0xFFFFFFE0];
	_ =	sdelay $0x4  }
0x6b: {  	v8 =	vsub.s32 v8, v1  }
0x6c: {  	vm0 =	vlt.u32 v8, $0x3200  }
0x6d: {  	v9 =	vsel vm0, $0x1, v3  }
0x6e: {  	(xrf0) =	vadd.scan.msk.s32 $0xffff, v9;
	_ =	sdelay $0x2  }
0x6f: {  	v9 =	vmov s20  }
0x70: {  	v9 =	vadd.s32 $0xFFFFFFFF, v9  }
0x71: {  	v9 =	vbroadcast v9, $0x0  }
0x72: {  	s20 =	simm.s32 $0x20;
	v10, _, _ =	vpop (xrf0)  }
0x73: {  	v11 =	vld [tilespmem:s20+$0xFFFFFFE0];
	v9 =	vadd.s32 v10, v9  }
0x74: {  	(v2sf) =	vpush v10, $0xF;
	_ =	sdelay $0x3  }
0x75: {  	[tilespmem:v9+s4+$0x0] =	vst.idx.msk vm0, v11  }
0x76: {  	[tilespmem:v9+s17+$0x0] =	vst.idx.msk vm0, v8  }
0x77: {  	v8 =	vld [tilespmem:s29+$0xFFFFFFF0];
	_ =	sdelay $0x4  }
0x78: {  	v8 =	vsub.s32 v8, v1  }
0x79: {  	vm0 =	vlt.u32 v8, $0x3200  }
0x7a: {  	v9 =	vsel vm0, $0x1, v3  }
0x7b: {  	(xrf0) =	vadd.scan.msk.s32 $0xffff, v9  }
0x7c: {  	s30 =	spop (v2sf)  }
0x7d: {  	s5 =	sadd.s32 $0x0, s30  }
0x7e: {  	v9 =	vmov s5  }
0x7f: {  	v9 =	vadd.s32 $0xFFFFFFFF, v9  }
0x80: {  	v9 =	vbroadcast v9, $0x0  }
0x81: {  	v10, _, _ =	vpop (xrf0)  }
0x82: {  	v11 =	vld [tilespmem:s20+$0xFFFFFFF0];
	v9 =	vadd.s32 v10, v9  }
0x83: {  	(v2sf) =	vpush v10, $0xF;
	_ =	sdelay $0x3  }
0x84: {  	[tilespmem:v9+s4+$0x0] =	vst.idx.msk vm0, v11  }
0x85: {  	[tilespmem:v9+s17+$0x0] =	vst.idx.msk vm0, v8  }
0x86: {  	v8 =	vld [tilespmem:s29+$0x0];
	_ =	sdelay $0x4  }
0x87: {  	v8 =	vsub.s32 v8, v1  }
0x88: {  	vm0 =	vlt.u32 v8, $0x3200  }
0x89: {  	v9 =	vsel vm0, $0x1, v3  }
0x8a: {  	(xrf0) =	vadd.scan.msk.s32 $0xffff, v9  }
0x8b: {  	s21 =	spop (v2sf)  }
0x8c: {  	s5 =	sadd.s32 s5, s21  }
0x8d: {  	v9 =	vmov s5  }
0x8e: {  	v9 =	vadd.s32 $0xFFFFFFFF, v9  }
0x8f: {  	v9 =	vbroadcast v9, $0x0  }
0x90: {  	v10, _, _ =	vpop (xrf0)  }
0x91: {  	v11 =	vld [tilespmem:s20+$0x0];
	v9 =	vadd.s32 v10, v9  }
0x92: {  	(v2sf) =	vpush v10, $0xF;
	_ =	sdelay $0x3  }
0x93: {  	[tilespmem:v9+s4+$0x0] =	vst.idx.msk vm0, v11  }
0x94: {  	[tilespmem:v9+s17+$0x0] =	vst.idx.msk vm0, v8  }
0x95: {  	v8 =	vld [tilespmem:s29+$0x10];
	_ =	sdelay $0x4  }
0x96: {  	v8 =	vsub.s32 v8, v1  }
0x97: {  	vm0 =	vlt.u32 v8, $0x3200  }
0x98: {  	v9 =	vsel vm0, $0x1, v3  }
0x99: {  	(xrf0) =	vadd.scan.msk.s32 $0xffff, v9  }
0x9a: {  	s31 =	spop (v2sf)  }
0x9b: {  	s0 =	sadd.s32 s5, s31  }
0x9c: {  	v9 =	vmov s0  }
0x9d: {  	v9 =	vadd.s32 $0xFFFFFFFF, v9  }
0x9e: {  	v9 =	vbroadcast v9, $0x0  }
0x9f: {  	v10, _, _ =	vpop (xrf0)  }
0xa0: {  	v11 =	vld [tilespmem:s20+$0x10];
	v9 =	vadd.s32 v10, v9;
	(v2sf) =	vpush v10, $0xF;
	_ =	sdelay $0x4  }
0xa1: {  	[tilespmem:v9+s4+$0x0] =	vst.idx.msk vm0, v11  }
0xa2: {  	s21 =	simm.s32 $0xFE0;
	[tilespmem:v9+s17+$0x0] =	vst.idx.msk vm0, v8  }
0xa3: {  	v8 =	vld [tilespmem:s21+$0xFFFFFFE0];
	_ =	sdelay $0x4  }
0xa4: {  	v8 =	vsub.s32 v8, v1  }
0xa5: {  	vm0 =	vlt.u32 v8, $0x3200  }
0xa6: {  	v9 =	vsel vm0, $0x1, v3  }
0xa7: {  	s22 =	simm.s32 $0x4;
	(xrf0) =	vadd.scan.msk.s32 $0xffff, v9;
	s5 =	spop (v2sf)  }
.LBB2_3:
0xa8: {  	s22 =	sadd.s32 $0x4, s22;
	s0 =	sadd.s32 s0, s5;
	s20 =	sadd.s32 $0x40, s20  }
0xa9: {  	p0 =	slt.u32 s22, $0xEC;
	v9 =	vmov s0  }
0xaa: {  	v9 =	vadd.s32 $0xFFFFFFFF, v9;
	_ =	sdelay $0x1  }
0xab: {  	v9 =	vbroadcast v9, $0x0  }
0xac: {  	v10, _, _ =	vpop (xrf0)  }
0xad: {  	v11 =	vld [tilespmem:s20+$0xFFFFFFE0];
	v9 =	vadd.s32 v10, v9;
	(v2sf) =	vpush v10, $0xF;
	_ =	sdelay $0x4  }
0xae: {  	[tilespmem:v9+s4+$0x0] =	vst.idx.msk vm0, v11  }
0xaf: {  	[tilespmem:v9+s17+$0x0] =	vst.idx.msk vm0, v8  }
0xb0: {  	v8 =	vld [tilespmem:s21+$0xFFFFFFF0];
	_ =	sdelay $0x4  }
0xb1: {  	v8 =	vsub.s32 v8, v1  }
0xb2: {  	vm0 =	vlt.u32 v8, $0x3200  }
0xb3: {  	v9 =	vsel vm0, $0x1, v3  }
0xb4: {  	s5 =	spop (v2sf);
	(xrf0) =	vadd.scan.msk.s32 $0xffff, v9  }
0xb5: {  	s0 =	sadd.s32 s0, s5  }
0xb6: {  	v9 =	vmov s0  }
0xb7: {  	v9 =	vadd.s32 $0xFFFFFFFF, v9;
	_ =	sdelay $0x1  }
0xb8: {  	v9 =	vbroadcast v9, $0x0  }
0xb9: {  	v10, _, _ =	vpop (xrf0)  }
0xba: {  	v11 =	vld [tilespmem:s20+$0xFFFFFFF0];
	v9 =	vadd.s32 v10, v9;
	(v2sf) =	vpush v10, $0xF;
	_ =	sdelay $0x4  }
0xbb: {  	[tilespmem:v9+s4+$0x0] =	vst.idx.msk vm0, v11  }
0xbc: {  	[tilespmem:v9+s17+$0x0] =	vst.idx.msk vm0, v8  }
0xbd: {  	v8 =	vld [tilespmem:s21+$0x0];
	_ =	sdelay $0x4  }
0xbe: {  	v8 =	vsub.s32 v8, v1  }
0xbf: {  	vm0 =	vlt.u32 v8, $0x3200  }
0xc0: {  	v9 =	vsel vm0, $0x1, v3  }
0xc1: {  	s5 =	spop (v2sf);
	(xrf0) =	vadd.scan.msk.s32 $0xffff, v9  }
0xc2: {  	s0 =	sadd.s32 s0, s5  }
0xc3: {  	v9 =	vmov s0  }
0xc4: {  	v9 =	vadd.s32 $0xFFFFFFFF, v9;
	_ =	sdelay $0x1  }
0xc5: {  	v9 =	vbroadcast v9, $0x0  }
0xc6: {  	v10, _, _ =	vpop (xrf0)  }
0xc7: {  	v11 =	vld [tilespmem:s20+$0x0];
	v9 =	vadd.s32 v10, v9;
	(v2sf) =	vpush v10, $0xF;
	_ =	sdelay $0x4  }
0xc8: {  	[tilespmem:v9+s4+$0x0] =	vst.idx.msk vm0, v11  }
0xc9: {  	[tilespmem:v9+s17+$0x0] =	vst.idx.msk vm0, v8  }
0xca: {  	v8 =	vld [tilespmem:s21+$0x10]  }
0xcb: {  	v9 =	vld [tilespmem:s20+$0x10];
	_ =	sdelay $0x3  }
0xcc: {  	v8 =	vsub.s32 v8, v1  }
0xcd: {  	vm0 =	vlt.u32 v8, $0x3200  }
0xce: {  	v10 =	vsel vm0, $0x1, v3  }
0xcf: {  	s5 =	spop (v2sf);
	(xrf0) =	vadd.scan.msk.s32 $0xffff, v10  }
0xd0: {  	s0 =	sadd.s32 s0, s5  }
0xd1: {  	v10 =	vmov s0  }
0xd2: {  	v10 =	vadd.s32 $0xFFFFFFFF, v10;
	_ =	sdelay $0x1  }
0xd3: {  	v10 =	vbroadcast v10, $0x0  }
0xd4: {  	v11, _, _ =	vpop (xrf0)  }
0xd5: {  	v10 =	vadd.s32 v11, v10;
	(v2sf) =	vpush v11, $0xF;
	_ =	sdelay $0x4  }
0xd6: {  	[tilespmem:v10+s4+$0x0] =	vst.idx.msk vm0, v9  }
0xd7: {  	s21 =	sadd.s32 $0x40, s21;
	[tilespmem:v10+s17+$0x0] =	vst.idx.msk vm0, v8  }
0xd8: {  	v8 =	vld [tilespmem:s21+$0xFFFFFFE0];
	_ =	sdelay $0x3  }
.Ltmp4:
0xd9: {  	(pc) =	sbr.rel @p0 .LBB2_3-.Ltmp4, $4  }
0xda: {  	v8 =	vsub.s32 v8, v1  }
0xdb: {  	vm0 =	vlt.u32 v8, $0x3200  }
0xdc: {  	v9 =	vsel vm0, $0x1, v3  }
0xdd: {  	(xrf0) =	vadd.scan.msk.s32 $0xffff, v9;
	s5 =	spop (v2sf)  }
0xde: {  	_ = 	snop  }
0xdf: {  	s0 =	sadd.s32 s0, s5  }
0xe0: {  	v9 =	vmov s0  }
0xe1: {  	v9 =	vadd.s32 $0xFFFFFFFF, v9  }
0xe2: {  	v9 =	vbroadcast v9, $0x0  }
0xe3: {  	s10 =	sadd.s32 $0x40, s20;
	v10, _, _ =	vpop (xrf0)  }
0xe4: {  	v11 =	vld [tilespmem:s10+$0xFFFFFFE0];
	v9 =	vadd.s32 v10, v9  }
0xe5: {  	(v2sf) =	vpush v10, $0xF;
	_ =	sdelay $0x3  }
0xe6: {  	[tilespmem:v9+s4+$0x0] =	vst.idx.msk vm0, v11  }
0xe7: {  	[tilespmem:v9+s17+$0x0] =	vst.idx.msk vm0, v8  }
0xe8: {  	v8 =	vld [tilespmem:s21+$0xFFFFFFF0];
	_ =	sdelay $0x4  }
0xe9: {  	v8 =	vsub.s32 v8, v1  }
0xea: {  	vm13 =	vlt.u32 v8, $0x3200  }
0xeb: {  	v56 =	vsel vm13, $0x1, v3  }
0xec: {  	(xrf0) =	vadd.scan.msk.s32 $0xffff, v56  }
0xed: {  	s11 =	spop (v2sf)  }
0xee: {  	s0 =	sadd.s32 s0, s11  }
0xef: {  	v57 =	vmov s0  }
0xf0: {  	v9 =	vadd.s32 $0xFFFFFFFF, v57  }
0xf1: {  	v9 =	vbroadcast v9, $0x0  }
0xf2: {  	v58, _, _ =	vpop (xrf0)  }
0xf3: {  	v11 =	vld [tilespmem:s10+$0xFFFFFFF0];
	v9 =	vadd.s32 v58, v9  }
0xf4: {  	(v2sf) =	vpush v58, $0xF;
	_ =	sdelay $0x3  }
0xf5: {  	[tilespmem:v9+s4+$0x0] =	vst.idx.msk vm13, v11  }
0xf6: {  	[tilespmem:v9+s17+$0x0] =	vst.idx.msk vm13, v8  }
0xf7: {  	v8 =	vld [tilespmem:s21+$0x0];
	_ =	sdelay $0x4  }
0xf8: {  	v8 =	vsub.s32 v8, v1  }
0xf9: {  	vm14 =	vlt.u32 v8, $0x3200  }
0xfa: {  	v59 =	vsel vm14, $0x1, v3  }
0xfb: {  	(xrf0) =	vadd.scan.msk.s32 $0xffff, v59  }
0xfc: {  	s22 =	spop (v2sf)  }
0xfd: {  	s0 =	sadd.s32 s0, s22  }
0xfe: {  	v60 =	vmov s0  }
0xff: {  	v9 =	vadd.s32 $0xFFFFFFFF, v60  }
0x100: {  	v9 =	vbroadcast v9, $0x0  }
0x101: {  	v61, _, _ =	vpop (xrf0)  }
0x102: {  	v11 =	vld [tilespmem:s10+$0x0];
	v9 =	vadd.s32 v61, v9;
	_ =	sdelay $0x4  }
0x103: {  	[tilespmem:v9+s4+$0x0] =	vst.idx.msk vm14, v11  }
0x104: {  	[tilespmem:v9+s17+$0x0] =	vst.idx.msk vm14, v8  }
0x105: {  	v8 =	vld [tilespmem:s21+$0x10];
	_ =	sdelay $0x4  }
0x106: {  	v8 =	vsub.s32 v8, v1  }
0x107: {  	vm15 =	vlt.u32 v8, $0x3200  }
0x108: {  	v62 =	vsel vm15, $0x1, v3  }
0x109: {  	(xrf0) =	vadd.scan.msk.s32 $0xffff, v62;
	_ =	sdelay $0x5  }
0x10a: {  	(v2sf) =	vpush v61, $0xF;
	v9, _, _ =	vpop (xrf0)  }
0x10b: {  	(v2sf) =	vpush v9, $0xF;
	_ =	sdelay $0xd  }
0x10c: {  	s23 =	spop (v2sf)  }
0x10d: {  	s0 =	sadd.s32 s0, s23;
	s24 =	spop (v2sf)  }
0x10e: {  	s25 =	sadd.s32 s0, s24  }
0x10f: {  	v63 =	vmov s0;
	s0 =	sadd.s32 $0x3F, s25  }
0x110: {  	s26 =	sand.u32 $0x3F, s0  }
0x111: {  	v10 =	vadd.s32 $0xFFFFFFFF, v63;
	s28 =	sshra.s32 s0, $0x1F;
	p0 =	slt.s32 s0, $0x1;
	p1 =	sne.s32 s26, $0x0  }
0x112: {  	v10 =	vbroadcast v10, $0x0;
	s29 =	sshrl.u32 s28, $0x1A;
	p0 =	por !p0, !p1  }
0x113: {  	s5 =	simm.s32 $0x1;
	s0 =	sadd.s32 s29, s0;
	p0 =	por !p0, !p0  }
0x114: {  	v11 =	vld [tilespmem:s10+$0x10];
	v9 =	vadd.s32 v9, v10;
	s0 =	sshra.s32 s0, $0x6;
	s5 =	simm.s32 @!p0 $0x0  }
0x115: {  	s20 =	ssub.s32 s0, s5  }
0x116: {  	s0 =	sadd.s32 $0x1, s20  }
0x117: {  	s30 =	sand.u32 $0x1, s0  }
0x118: {  	p5 =	slt.s32 s20, $0x0;
	p6 =	seq.s32 s30, $0x1  }
0x119: {  	[tilespmem:v9+s4+$0x0] =	vst.idx.msk vm15, v11;
	s31 =	sshrl.u32 s0, $0x1F;
	p0 =	por !p5, !p6  }
0x11a: {  	[tilespmem:v9+s17+$0x0] =	vst.idx.msk vm15, v8;
	s5 =	simm.s32 $0x1;
	s0 =	sadd.s32 s31, s0;
	p0 =	por !p0, !p0  }
0x11b: {  	[tilespmem:s25+$0x0] =	vst v0;
	s0 =	sshra.s32 s0, $0x1;
	s5 =	simm.s32 @!p0 $0x0  }
0x11c: {  	[tilespmem:s25+$0xF80] =	vst v4;
	s0 =	ssub.s32 s0, s5  }
0x11d: {  	[tilespmem:s25+$0x10] =	vst v5;
	p0 =	slt.s32 s0, $0x1  }
.Ltmp5:
0x11e: {  	[tilespmem:s25+$0xF90] =	vst v4;
	(pc) =	sbr.rel @p0 .LBB2_10-.Ltmp5, $4  }
0x11f: {  	[tilespmem:s25+$0x20] =	vst v6  }
0x120: {  	[tilespmem:s25+$0xFA0] =	vst v4  }
0x121: {  	[tilespmem:s25+$0x30] =	vst v7  }
0x122: {  	[tilespmem:s25+$0xFB0] =	vst v4  }
0x123: {  	s0 =	sadd.s32 $0xFFFFFFFF, s0  }
0x124: {  	p1 =	sne.s32 s0, $0x0  }
.Ltmp6:
0x125: {  	_ = 	snop;
	(pc) =	sbr.rel @!p1 .LBB2_6-.Ltmp6, $4  }
0x126: {  	s24 =	simm.s32 $0x0  }
0x127: {  	s21 =	simm.s32 $0x40;
	s22 =	simm.s32 $0xFA0;
	p4 =	por $0x1, $0x1  }
0x128: {  	s23 =	simm.s32 $0x20;
	s26 =	simm.s32 $0x1;
	p0 =	sle.s32 @!p4 s20, $0x0  }
0x129: {  	p3 =	sle.s32 @!p4 s20, $0x1;
	p5 =	por p0, p4;
	p0 =	por $0x0, $0x0  }
0x12a: {  	s5 =	simm.s32 @!p5 $0x3  }
0x12b: {  	_ =	swait.ge @!p5 [sflag:s5], $0x2000  }
0x12c: {  	p0 =	por p3, p4;
	[sflag:s5] =	ssyncset.done @!p5 $0x0  }
0x12d: {  	[sflag:s5] =	ssyncadd.s32 @!p5 $0xFFFFE000;
	s5 =	simm.s32 @!p0 $0x4  }
0x12e: {  	_ =	swait.ge @!p0 [sflag:s5], $0x2000  }
0x12f: {  	[sflag:s5] =	ssyncset.done @!p0 $0x0  }
0x130: {  	[sflag:s5] =	ssyncadd.s32 @!p0 $0xFFFFE000;
	p0 =	sle.s32 s20, $0x0  }
0x131: {  	v8 =	vld @!p0 [tilespmem:s23+$0xFFFFFFE0];
	_ =	sdelay $0x4  }
0x132: {  	[tilespmem:$0x1F00] =	vst @!p0 v8  }
0x133: {  	v8 =	vld @!p0 [tilespmem:s22+$0xFFFFFFE0];
	_ =	sdelay $0x4  }
0x134: {  	[tilespmem:$0x2000] =	vst @!p0 v8  }
0x135: {  	v8 =	vld @!p0 [tilespmem:s23+$0xFFFFFFF0];
	_ =	sdelay $0x4  }
0x136: {  	[tilespmem:$0x1F10] =	vst @!p0 v8  }
0x137: {  	v8 =	vld @!p0 [tilespmem:s22+$0xFFFFFFF0];
	_ =	sdelay $0x4  }
0x138: {  	[tilespmem:$0x2010] =	vst @!p0 v8  }
0x139: {  	v8 =	vld @!p0 [tilespmem:s23+$0x0];
	_ =	sdelay $0x4  }
0x13a: {  	[tilespmem:$0x1F20] =	vst @!p0 v8  }
0x13b: {  	v8 =	vld @!p0 [tilespmem:s22+$0x0];
	_ =	sdelay $0x4  }
0x13c: {  	[tilespmem:$0x2020] =	vst @!p0 v8  }
0x13d: {  	v8 =	vld @!p0 [tilespmem:s23+$0x10];
	_ =	sdelay $0x4  }
0x13e: {  	[tilespmem:$0x1F30] =	vst @!p0 v8  }
0x13f: {  	v8 =	vld @!p0 [tilespmem:s22+$0x10];
	_ =	sdelay $0x3  }
0x140: {  	p2 =	sle.s32 s20, $0x1  }
0x141: {  	s5 =	simm.s32 @!p0 $0x2100;
	s26 =	simm.s32 @!p0 $0x40;
	s24 =	simm.s32 @!p0 $0x1F00;
	[tilespmem:$0x2030] =	vst @!p0 v8  }
0x142: {  	[tilespmem:s5], [sflag:$0x1] =	stream.indirect.gather @!p0 [hbm4b:s1+s26], $0x80, s24, s26, $0xb8;
	[tilespmem:$0x1F140] =	vst v63  }
0x143: {  	v8 =	vld @!p2 [tilespmem:s23+$0x20];
	_ =	sdelay $0x4  }
0x144: {  	[tilespmem:$0x1F80] =	vst @!p2 v8  }
0x145: {  	v8 =	vld @!p2 [tilespmem:s22+$0x20];
	_ =	sdelay $0x4  }
0x146: {  	s22 =	sor.u32 @!p2 $0x50, s21;
	[tilespmem:$0x2080] =	vst @!p2 v8  }
0x147: {  	v8 =	vld @!p2 [tilespmem:s22+$0x0];
	_ =	sdelay $0x4  }
0x148: {  	[tilespmem:$0x1F90] =	vst @!p2 v8  }
0x149: {  	v8 =	vld @!p2 [tilespmem:s22+$0xF80];
	_ =	sdelay $0x4  }
0x14a: {  	s22 =	sor.u32 @!p2 $0x60, s21;
	[tilespmem:$0x2090] =	vst @!p2 v8  }
0x14b: {  	v8 =	vld @!p2 [tilespmem:s22+$0x0];
	_ =	sdelay $0x4  }
0x14c: {  	[tilespmem:$0x1FA0] =	vst @!p2 v8  }
0x14d: {  	v8 =	vld @!p2 [tilespmem:s22+$0xF80];
	_ =	sdelay $0x4  }
0x14e: {  	s21 =	sor.u32 @!p2 $0x70, s21;
	[tilespmem:$0x20A0] =	vst @!p2 v8  }
0x14f: {  	v8 =	vld @!p2 [tilespmem:s21+$0x0];
	_ =	sdelay $0x4  }
0x150: {  	[tilespmem:$0x1FB0] =	vst @!p2 v8  }
0x151: {  	v8 =	vld @!p2 [tilespmem:s21+$0xF80];
	_ =	sdelay $0x2  }
0x152: {  	s25 =	sadd.s32 $0xFFFFFFFF, s0  }
0x153: {  	p4 =	por $0x0, $0x0;
	p1 =	sne.s32 s25, $0x0;
	s30 =	simm.s32 @!p2 $0x40  }
0x154: {  	s31 =	simm.s32 @!p2 $0x4100;
	s0 =	simm.s32 @!p0 $0x1;
	s21 =	simm.s32 @!p2 $0x1F80;
	[tilespmem:$0x20B0] =	vst @!p2 v8  }
0x155: {  	[tilespmem:s31], [sflag:$0x2] =	stream.indirect.gather @!p2 [hbm4b:s1+s30], $0x80, s21, s30, $0xb8;
	[tilespmem:$0x1F140] =	vst v63  }
0x156: {  	p3 =	sle.s32 @!p4 s20, $0x3;
	s28 =	simm.s32 @!p0 $0x2000;
	_ =	swait.ge @!p0 [sflag:s0], $0x2000  }
0x157: {  	s24 =	simm.s32 $0x2;
	s23 =	simm.s32 $0xA0;
	[sflag:s0] =	ssyncset.done @!p0 $0x0  }
.Ltmp7:
0x158: {  	s22 =	simm.s32 $0x1020;
	[sflag:s0] =	ssyncadd.s32 @!p0 $0xFFFFE000;
	(pc) =	sbr.rel @!p1 .LBB2_9-.Ltmp7, $4  }
0x159: {  	[spmem:s3] =	stream.indirect.scatter.add.f32 @!p0 [tilespmem:s5], [sflag:$0x3], $0x80, s28, s26, $0xb8;
	[tilespmem:$0x1F140] =	vst v63  }
0x15a: {  	s21 =	simm.s32 $0xC0;
	s0 =	simm.s32 @!p2 $0x2;
	s26 =	simm.s32 $0x3  }
0x15b: {  	p0 =	sle.s32 @!p4 s20, $0x2;
	s5 =	simm.s32 @!p2 $0x2080;
	_ =	swait.ge @!p2 [sflag:s0], $0x2000  }
0x15c: {  	p5 =	por p0, p4;
	p0 =	por $0x1, $0x1;
	[sflag:s0] =	ssyncset.done @!p2 $0x0  }
.LBB2_8:
0x15d: {  	s25 =	sadd.s32 $0xFFFFFFFF, s25;
	s28 =	simm.s32 @!p5 $0x3;
	[sflag:s0] =	ssyncadd.s32 @!p2 $0xFFFFE000  }
0x15e: {  	[spmem:s3] =	stream.indirect.scatter.add.f32 @!p2 [tilespmem:s31], [sflag:$0x4], $0x80, s5, s30, $0xb8;
	[tilespmem:$0x1F140] =	vst v63  }
0x15f: {  	p1 =	sne.s32 s25, $0x0;
	_ =	swait.ge @!p5 [sflag:s28], $0x2000  }
0x160: {  	p2 =	por p3, p4;
	[sflag:s28] =	ssyncset.done @!p5 $0x0  }
0x161: {  	s0 =	simm.s32 @!p2 $0x4;
	[sflag:s28] =	ssyncadd.s32 @!p5 $0xFFFFE000  }
0x162: {  	_ =	swait.ge @!p2 [sflag:s0], $0x2000  }
0x163: {  	[sflag:s0] =	ssyncset.done @!p2 $0x0  }
0x164: {  	p3 =	sge.s32 s24, s20;
	[sflag:s0] =	ssyncadd.s32 @!p2 $0xFFFFE000  }
0x165: {  	v8 =	vld @!p3 [tilespmem:s23+$0xFFFFFFE0];
	_ =	sdelay $0x4  }
0x166: {  	[tilespmem:$0x1F00] =	vst @!p3 v8  }
0x167: {  	v8 =	vld @!p3 [tilespmem:s22+$0xFFFFFFE0];
	_ =	sdelay $0x4  }
0x168: {  	[tilespmem:$0x2000] =	vst @!p3 v8  }
0x169: {  	v8 =	vld @!p3 [tilespmem:s23+$0xFFFFFFF0];
	_ =	sdelay $0x4  }
0x16a: {  	[tilespmem:$0x1F10] =	vst @!p3 v8  }
0x16b: {  	v8 =	vld @!p3 [tilespmem:s22+$0xFFFFFFF0];
	_ =	sdelay $0x4  }
0x16c: {  	[tilespmem:$0x2010] =	vst @!p3 v8  }
0x16d: {  	v8 =	vld @!p3 [tilespmem:s23+$0x0];
	_ =	sdelay $0x4  }
0x16e: {  	[tilespmem:$0x1F20] =	vst @!p3 v8  }
0x16f: {  	v8 =	vld @!p3 [tilespmem:s22+$0x0];
	_ =	sdelay $0x4  }
0x170: {  	[tilespmem:$0x2020] =	vst @!p3 v8  }
0x171: {  	v8 =	vld @!p3 [tilespmem:s23+$0x10];
	_ =	sdelay $0x4  }
0x172: {  	[tilespmem:$0x1F30] =	vst @!p3 v8  }
0x173: {  	v8 =	vld @!p3 [tilespmem:s22+$0x10];
	_ =	sdelay $0x3  }
0x174: {  	s28 =	simm.s32 @!p3 $0x2100  }
0x175: {  	s29 =	simm.s32 @!p3 $0x40;
	s0 =	simm.s32 @!p3 $0x1F00;
	p2 =	sge.s32 s26, s20;
	[tilespmem:$0x2030] =	vst @!p3 v8  }
0x176: {  	[tilespmem:s28], [sflag:$0x1] =	stream.indirect.gather @!p3 [hbm4b:s1+s29], $0x80, s0, s29, $0xb8;
	[tilespmem:$0x1F140] =	vst v63  }
0x177: {  	v8 =	vld @!p2 [tilespmem:s23+$0x20];
	_ =	sdelay $0x4  }
0x178: {  	[tilespmem:$0x1F80] =	vst @!p2 v8  }
0x179: {  	v8 =	vld @!p2 [tilespmem:s22+$0x20];
	_ =	sdelay $0x4  }
0x17a: {  	s0 =	sor.u32 @!p2 $0x50, s21;
	[tilespmem:$0x2080] =	vst @!p2 v8  }
0x17b: {  	v8 =	vld @!p2 [tilespmem:s0+$0x0];
	_ =	sdelay $0x4  }
0x17c: {  	[tilespmem:$0x1F90] =	vst @!p2 v8  }
0x17d: {  	v8 =	vld @!p2 [tilespmem:s0+$0xF80];
	_ =	sdelay $0x4  }
0x17e: {  	s0 =	sor.u32 @!p2 $0x60, s21;
	[tilespmem:$0x2090] =	vst @!p2 v8  }
0x17f: {  	v8 =	vld @!p2 [tilespmem:s0+$0x0];
	_ =	sdelay $0x4  }
0x180: {  	[tilespmem:$0x1FA0] =	vst @!p2 v8  }
0x181: {  	v8 =	vld @!p2 [tilespmem:s0+$0xF80];
	_ =	sdelay $0x4  }
0x182: {  	s0 =	sor.u32 @!p2 $0x70, s21;
	[tilespmem:$0x20A0] =	vst @!p2 v8  }
0x183: {  	v8 =	vld @!p2 [tilespmem:s0+$0x0];
	_ =	sdelay $0x4  }
0x184: {  	[tilespmem:$0x1FB0] =	vst @!p2 v8  }
0x185: {  	v8 =	vld @!p2 [tilespmem:s0+$0xF80];
	_ =	sdelay $0x2  }
0x186: {  	s23 =	sadd.s32 $0x80, s23  }
0x187: {  	s5 =	simm.s32 @!p3 $0x1;
	s22 =	sadd.s32 $0x80, s22;
	s21 =	sadd.s32 $0x80, s21  }
0x188: {  	s30 =	simm.s32 @!p2 $0x40;
	s31 =	simm.s32 @!p2 $0x4100;
	s0 =	simm.s32 @!p2 $0x1F80;
	[tilespmem:$0x20B0] =	vst @!p2 v8  }
0x189: {  	[tilespmem:s31], [sflag:$0x2] =	stream.indirect.gather @!p2 [hbm4b:s1+s30], $0x80, s0, s30, $0xb8;
	[tilespmem:$0x1F140] =	vst v63  }
0x18a: {  	s24 =	sadd.s32 $0x2, s24;
	s10 =	simm.s32 @!p3 $0x2000;
	_ =	swait.ge @!p3 [sflag:s5], $0x2000  }
.Ltmp8:
0x18b: {  	s0 =	simm.s32 @!p2 $0x2;
	[sflag:s5] =	ssyncset.done @!p3 $0x0;
	(pc) =	sbr.rel @p1 .LBB2_8-.Ltmp8, $4  }
0x18c: {  	p4 =	seq.s32 s24, $0x0;
	s26 =	sadd.s32 $0x1, s24;
	[sflag:s5] =	ssyncadd.s32 @!p3 $0xFFFFE000  }
0x18d: {  	[spmem:s3] =	stream.indirect.scatter.add.f32 @!p3 [tilespmem:s28], [sflag:$0x3], $0x80, s10, s29, $0xb8;
	[tilespmem:$0x1F140] =	vst v63  }
0x18e: {  	p5 =	sge.s32 @!p4 s24, s20;
	p3 =	sge.s32 @!p4 s26, s20;
	_ =	swait.ge @!p2 [sflag:s0], $0x2000  }
0x18f: {  	p5 =	por p5, p4;
	s5 =	simm.s32 @!p2 $0x2080;
	[sflag:s0] =	ssyncset.done @!p2 $0x0  }
.Ltmp9:
0x190: {  	_ = 	snop;
	(pc) =	sbr.rel .LBB2_9-.Ltmp9, $1  }
0x191: {  	_ =	sdelay $0x3  }
.LBB2_11:
0x192: {  	[bflag:$0x0] =	sbarrier.arrive $0xFFFF  }
0x193: {  	s0 =	rddreg [dreg:$0x5]  }
0x194: {  	[hbm:s0], [sflag:s7] =	dma.local [spmem:s13], $0x3200  }
0x195: {  	_ =	swait.ge [sflag:s14], $0x3200  }
0x196: {  	[sflag:s14] =	ssyncset.done $0x0  }
0x197: {  	[sflag:s14] =	ssyncadd.s32 $0xFFFFCE00  }
0x198: {  	[bflag:$0x0] =	sbarrier.arrive $0xFFFF  }
0x199: {  	[spmem:s13], [sflag:s7] =	dma.local [hbm:s6], $0x3200  }
.Ltmp10:
0x19a: {  	_ =	swait.ge [sflag:s14], $0x3200;
	(pc) =	sbr.rel .LBB2_12-.Ltmp10, $4  }
0x19b: {  	[sflag:s14] =	ssyncset.done $0x0  }
0x19c: {  	[sflag:s14] =	ssyncadd.s32 $0xFFFFCE00  }
0x19d: {  	[bflag:$0x0] =	sbarrier.arrive $0xFFFF  }
0x19e: {  	s19 =	simm.s32 $0x0;
	s20 =	simm.s32 $0x0  }
.LBB2_16:
0x19f: {  	_ = 	snop  }
.LBB2_19:
0x1a0: {  	p0 =	por p2, !p0  }
0x1a1: {  	s10 =	simm.s32 @!p5 $0x3;
	[sflag:s5] =	ssyncadd.s32 @!p0 $0xFFFFE000  }
0x1a2: {  	[spmem:s3] =	stream.indirect.scatter.add.f32 @!p0 [tilespmem:s0], [sflag:$0x4], $0x80, s29, s31, $0xb8;
	[tilespmem:$0x1F140] =	vst v63  }
0x1a3: {  	_ =	swait.ge @!p5 [sflag:s10], $0x2000  }
0x1a4: {  	p0 =	por p3, p4;
	[sflag:s10] =	ssyncset.done @!p5 $0x0  }
0x1a5: {  	s0 =	simm.s32 @!p0 $0x4;
	[sflag:s10] =	ssyncadd.s32 @!p5 $0xFFFFE000  }
0x1a6: {  	_ =	swait.ge @!p0 [sflag:s0], $0x2000  }
0x1a7: {  	[sflag:s0] =	ssyncset.done @!p0 $0x0  }
0x1a8: {  	[sflag:s0] =	ssyncadd.s32 @!p0 $0xFFFFE000;
	p0 =	sge.s32 s25, s21  }
0x1a9: {  	v8 =	vld @!p0 [tilespmem:s24+$0xFFFFFFE0];
	_ =	sdelay $0x4  }
0x1aa: {  	[tilespmem:$0x1F00] =	vst @!p0 v8  }
0x1ab: {  	v8 =	vld @!p0 [tilespmem:s23+$0xFFFFFFE0];
	_ =	sdelay $0x4  }
0x1ac: {  	[tilespmem:$0x2000] =	vst @!p0 v8  }
0x1ad: {  	v8 =	vld @!p0 [tilespmem:s24+$0xFFFFFFF0];
	_ =	sdelay $0x4  }
0x1ae: {  	[tilespmem:$0x1F10] =	vst @!p0 v8  }
0x1af: {  	v8 =	vld @!p0 [tilespmem:s23+$0xFFFFFFF0];
	_ =	sdelay $0x4  }
0x1b0: {  	[tilespmem:$0x2010] =	vst @!p0 v8  }
0x1b1: {  	v8 =	vld @!p0 [tilespmem:s24+$0x0];
	_ =	sdelay $0x4  }
0x1b2: {  	[tilespmem:$0x1F20] =	vst @!p0 v8  }
0x1b3: {  	v8 =	vld @!p0 [tilespmem:s23+$0x0];
	_ =	sdelay $0x4  }
0x1b4: {  	[tilespmem:$0x2020] =	vst @!p0 v8  }
0x1b5: {  	v8 =	vld @!p0 [tilespmem:s24+$0x10];
	_ =	sdelay $0x4  }
0x1b6: {  	[tilespmem:$0x1F30] =	vst @!p0 v8  }
0x1b7: {  	v8 =	vld @!p0 [tilespmem:s23+$0x10];
	_ =	sdelay $0x3  }
0x1b8: {  	p1 =	sge.s32 s28, s21  }
0x1b9: {  	s0 =	simm.s32 @!p0 $0x2100;
	s5 =	simm.s32 @!p0 $0x40;
	s10 =	simm.s32 @!p0 $0x1F00;
	[tilespmem:$0x2030] =	vst @!p0 v8  }
0x1ba: {  	[tilespmem:s0], [sflag:$0x1] =	stream.indirect.gather @!p0 [hbm4b:s1+s5], $0x80, s10, s5, $0xb8;
	[tilespmem:$0x1F140] =	vst v63  }
0x1bb: {  	v8 =	vld @!p1 [tilespmem:s24+$0x20];
	_ =	sdelay $0x4  }
0x1bc: {  	[tilespmem:$0x1F80] =	vst @!p1 v8  }
0x1bd: {  	v8 =	vld @!p1 [tilespmem:s23+$0x20];
	_ =	sdelay $0x4  }
0x1be: {  	s10 =	sor.u32 @!p1 $0x50, s22;
	[tilespmem:$0x2080] =	vst @!p1 v8  }
0x1bf: {  	v8 =	vld @!p1 [tilespmem:s10+$0x0];
	_ =	sdelay $0x4  }
0x1c0: {  	[tilespmem:$0x1F90] =	vst @!p1 v8  }
0x1c1: {  	v8 =	vld @!p1 [tilespmem:s10+$0xF80];
	_ =	sdelay $0x4  }
0x1c2: {  	s10 =	sor.u32 @!p1 $0x60, s22;
	[tilespmem:$0x2090] =	vst @!p1 v8  }
0x1c3: {  	v8 =	vld @!p1 [tilespmem:s10+$0x0];
	_ =	sdelay $0x4  }
0x1c4: {  	[tilespmem:$0x1FA0] =	vst @!p1 v8  }
0x1c5: {  	v8 =	vld @!p1 [tilespmem:s10+$0xF80];
	_ =	sdelay $0x4  }
0x1c6: {  	s10 =	sor.u32 @!p1 $0x70, s22;
	[tilespmem:$0x20A0] =	vst @!p1 v8  }
0x1c7: {  	v8 =	vld @!p1 [tilespmem:s10+$0x0];
	_ =	sdelay $0x4  }
0x1c8: {  	[tilespmem:$0x1FB0] =	vst @!p1 v8  }
0x1c9: {  	v8 =	vld @!p1 [tilespmem:s10+$0xF80];
	_ =	sdelay $0x3  }
0x1ca: {  	s11 =	simm.s32 @!p1 $0x40  }
0x1cb: {  	s23 =	simm.s32 @!p1 $0x4100;
	s22 =	simm.s32 @!p1 $0x1F80;
	s10 =	simm.s32 @!p0 $0x1;
	[tilespmem:$0x20B0] =	vst @!p1 v8  }
0x1cc: {  	[tilespmem:s23], [sflag:$0x2] =	stream.indirect.gather @!p1 [hbm4b:s1+s11], $0x80, s22, s11, $0xb8;
	[tilespmem:$0x1F140] =	vst v63  }
0x1cd: {  	_ =	swait.ge @!p0 [sflag:s10], $0x2000  }
0x1ce: {  	[sflag:s10] =	ssyncset.done @!p0 $0x0  }
0x1cf: {  	s24 =	simm.s32 @!p1 $0x2;
	s22 =	simm.s32 @!p0 $0x2000;
	[sflag:s10] =	ssyncadd.s32 @!p0 $0xFFFFE000  }
0x1d0: {  	[spmem:s3] =	stream.indirect.scatter.add.f32 @!p0 [tilespmem:s0], [sflag:$0x3], $0x80, s22, s5, $0xb8;
	[tilespmem:$0x1F140] =	vst v63  }
0x1d1: {  	_ =	swait.ge @!p1 [sflag:s24], $0x2000  }
0x1d2: {  	[sflag:s24] =	ssyncset.done @!p1 $0x0  }
0x1d3: {  	s0 =	simm.s32 @!p1 $0x2080;
	[sflag:s24] =	ssyncadd.s32 @!p1 $0xFFFFE000  }
0x1d4: {  	[spmem:s3] =	stream.indirect.scatter.add.f32 @!p1 [tilespmem:s23], [sflag:$0x4], $0x80, s0, s11, $0xb8;
	[tilespmem:$0x1F140] =	vst v63  }
.LBB2_20:
0x1d5: {  	p0 =	slt.s32 s21, $0x1  }
0x1d6: {  	s0 =	simm.s32 @!p0 $0x3  }
0x1d7: {  	_ =	swait.ge @!p0 [sflag:s0], $0x2000  }
0x1d8: {  	s20 =	sadd.s32 $0x1, s20;
	p1 =	seq.s32 @!p0 s21, $0x1;
	[sflag:s0] =	ssyncset.done @!p0 $0x0  }
0x1d9: {  	p1 =	por p1, p0;
	[sflag:s0] =	ssyncadd.s32 @!p0 $0xFFFFE000;
	p0 =	sne.s32 s20, $0xA  }
.Ltmp11:
0x1da: {  	_ = 	snop;
	(pc) =	sbr.rel @!p0 .LBB2_21-.Ltmp11, $4  }
0x1db: {  	s0 =	simm.s32 @!p1 $0x4  }
0x1dc: {  	_ =	swait.ge @!p1 [sflag:s0], $0x2000  }
0x1dd: {  	[sflag:s0] =	ssyncset.done @!p1 $0x0  }
0x1de: {  	[sflag:s0] =	ssyncadd.s32 @!p1 $0xFFFFE000  }
.LBB2_12:
0x1df: {  	s0 =	smul.u32 $0xF00, s20;
	_ =	sdelay $0x1  }
0x1e0: {  	s0 =	sadd.s32 s8, s0  }
0x1e1: {  	s0 =	sshrl.u32 s0, $0x2  }
0x1e2: {  	s5 =	sadd.s32 s2, s0  }
0x1e3: {  	[tilespmem:s19], [sflag:$0x5] =	stream.strided.gather [hbm4b:s5+s15], $0xF00, s16, s15, $0x38;
	[tilespmem:$0x1F140] =	vst v63  }
0x1e4: {  	_ =	swait.ge [sflag:s14], $0xF00  }
0x1e5: {  	[sflag:s14] =	ssyncset.done $0x0  }
0x1e6: {  	s0 =	sadd.s32 s0, s9;
	[sflag:s14] =	ssyncadd.s32 $0xFFFFF100  }
0x1e7: {  	[tilespmem:s17], [sflag:$0x5] =	stream.strided.gather [hbm4b:s0+s15], $0xF00, s16, s15, $0x38;
	[tilespmem:$0x1F140] =	vst v63  }
0x1e8: {  	_ =	swait.ge [sflag:s14], $0xF00  }
0x1e9: {  	[sflag:s14] =	ssyncset.done $0x0  }
0x1ea: {  	s29 =	simm.s32 $0xFA0;
	[sflag:s14] =	ssyncadd.s32 $0xFFFFF100  }
0x1eb: {  	v8 =	vld [tilespmem:s29+$0xFFFFFFE0];
	_ =	sdelay $0x4  }
0x1ec: {  	v8 =	vsub.s32 v8, v2  }
0x1ed: {  	vm0 =	vlt.u32 v8, $0x3200  }
0x1ee: {  	v9 =	vsel vm0, $0x1, v3  }
0x1ef: {  	(xrf0) =	vadd.scan.msk.s32 $0xffff, v9;
	_ =	sdelay $0x2  }
0x1f0: {  	v9 =	vmov s19  }
0x1f1: {  	v9 =	vadd.s32 $0xFFFFFFFF, v9  }
0x1f2: {  	v9 =	vbroadcast v9, $0x0  }
0x1f3: {  	s21 =	simm.s32 $0x20;
	v10, _, _ =	vpop (xrf0)  }
0x1f4: {  	v11 =	vld [tilespmem:s21+$0xFFFFFFE0];
	v9 =	vadd.s32 v10, v9  }
0x1f5: {  	(v2sf) =	vpush v10, $0xF;
	_ =	sdelay $0x3  }
0x1f6: {  	[tilespmem:v9+s4+$0x0] =	vst.idx.msk vm0, v11  }
0x1f7: {  	[tilespmem:v9+s17+$0x0] =	vst.idx.msk vm0, v8  }
0x1f8: {  	v8 =	vld [tilespmem:s29+$0xFFFFFFF0];
	_ =	sdelay $0x4  }
0x1f9: {  	v8 =	vsub.s32 v8, v2  }
0x1fa: {  	vm0 =	vlt.u32 v8, $0x3200  }
0x1fb: {  	v9 =	vsel vm0, $0x1, v3  }
0x1fc: {  	(xrf0) =	vadd.scan.msk.s32 $0xffff, v9  }
0x1fd: {  	s30 =	spop (v2sf)  }
0x1fe: {  	s5 =	sadd.s32 $0x0, s30  }
0x1ff: {  	v9 =	vmov s5  }
0x200: {  	v9 =	vadd.s32 $0xFFFFFFFF, v9  }
0x201: {  	v9 =	vbroadcast v9, $0x0  }
0x202: {  	v10, _, _ =	vpop (xrf0)  }
0x203: {  	v11 =	vld [tilespmem:s21+$0xFFFFFFF0];
	v9 =	vadd.s32 v10, v9  }
0x204: {  	(v2sf) =	vpush v10, $0xF;
	_ =	sdelay $0x3  }
0x205: {  	[tilespmem:v9+s4+$0x0] =	vst.idx.msk vm0, v11  }
0x206: {  	[tilespmem:v9+s17+$0x0] =	vst.idx.msk vm0, v8  }
0x207: {  	v8 =	vld [tilespmem:s29+$0x0];
	_ =	sdelay $0x4  }
0x208: {  	v8 =	vsub.s32 v8, v2  }
0x209: {  	vm0 =	vlt.u32 v8, $0x3200  }
0x20a: {  	v9 =	vsel vm0, $0x1, v3  }
0x20b: {  	(xrf0) =	vadd.scan.msk.s32 $0xffff, v9  }
0x20c: {  	s10 =	spop (v2sf)  }
0x20d: {  	s5 =	sadd.s32 s5, s10  }
0x20e: {  	v9 =	vmov s5  }
0x20f: {  	v9 =	vadd.s32 $0xFFFFFFFF, v9  }
0x210: {  	v9 =	vbroadcast v9, $0x0  }
0x211: {  	v10, _, _ =	vpop (xrf0)  }
0x212: {  	v11 =	vld [tilespmem:s21+$0x0];
	v9 =	vadd.s32 v10, v9  }
0x213: {  	(v2sf) =	vpush v10, $0xF;
	_ =	sdelay $0x3  }
0x214: {  	[tilespmem:v9+s4+$0x0] =	vst.idx.msk vm0, v11  }
0x215: {  	[tilespmem:v9+s17+$0x0] =	vst.idx.msk vm0, v8  }
0x216: {  	v8 =	vld [tilespmem:s29+$0x10];
	_ =	sdelay $0x4  }
0x217: {  	v8 =	vsub.s32 v8, v2  }
0x218: {  	vm0 =	vlt.u32 v8, $0x3200  }
0x219: {  	v9 =	vsel vm0, $0x1, v3  }
0x21a: {  	(xrf0) =	vadd.scan.msk.s32 $0xffff, v9  }
0x21b: {  	s31 =	spop (v2sf)  }
0x21c: {  	s0 =	sadd.s32 s5, s31  }
0x21d: {  	v9 =	vmov s0  }
0x21e: {  	v9 =	vadd.s32 $0xFFFFFFFF, v9  }
0x21f: {  	v9 =	vbroadcast v9, $0x0  }
0x220: {  	v10, _, _ =	vpop (xrf0)  }
0x221: {  	v11 =	vld [tilespmem:s21+$0x10];
	v9 =	vadd.s32 v10, v9;
	(v2sf) =	vpush v10, $0xF;
	_ =	sdelay $0x4  }
0x222: {  	[tilespmem:v9+s4+$0x0] =	vst.idx.msk vm0, v11  }
0x223: {  	s22 =	simm.s32 $0xFE0;
	[tilespmem:v9+s17+$0x0] =	vst.idx.msk vm0, v8  }
0x224: {  	v8 =	vld [tilespmem:s22+$0xFFFFFFE0];
	_ =	sdelay $0x4  }
0x225: {  	v8 =	vsub.s32 v8, v2  }
0x226: {  	vm0 =	vlt.u32 v8, $0x3200  }
0x227: {  	v9 =	vsel vm0, $0x1, v3  }
0x228: {  	s23 =	simm.s32 $0x4;
	(xrf0) =	vadd.scan.msk.s32 $0xffff, v9;
	s5 =	spop (v2sf)  }
.LBB2_13:
0x229: {  	s23 =	sadd.s32 $0x4, s23;
	s0 =	sadd.s32 s0, s5;
	s21 =	sadd.s32 $0x40, s21  }
0x22a: {  	p0 =	slt.u32 s23, $0xEC;
	v9 =	vmov s0  }
0x22b: {  	v9 =	vadd.s32 $0xFFFFFFFF, v9;
	_ =	sdelay $0x1  }
0x22c: {  	v9 =	vbroadcast v9, $0x0  }
0x22d: {  	v10, _, _ =	vpop (xrf0)  }
0x22e: {  	v11 =	vld [tilespmem:s21+$0xFFFFFFE0];
	v9 =	vadd.s32 v10, v9;
	(v2sf) =	vpush v10, $0xF;
	_ =	sdelay $0x4  }
0x22f: {  	[tilespmem:v9+s4+$0x0] =	vst.idx.msk vm0, v11  }
0x230: {  	[tilespmem:v9+s17+$0x0] =	vst.idx.msk vm0, v8  }
0x231: {  	v8 =	vld [tilespmem:s22+$0xFFFFFFF0];
	_ =	sdelay $0x4  }
0x232: {  	v8 =	vsub.s32 v8, v2  }
0x233: {  	vm0 =	vlt.u32 v8, $0x3200  }
0x234: {  	v9 =	vsel vm0, $0x1, v3  }
0x235: {  	s5 =	spop (v2sf);
	(xrf0) =	vadd.scan.msk.s32 $0xffff, v9  }
0x236: {  	s0 =	sadd.s32 s0, s5  }
0x237: {  	v9 =	vmov s0  }
0x238: {  	v9 =	vadd.s32 $0xFFFFFFFF, v9;
	_ =	sdelay $0x1  }
0x239: {  	v9 =	vbroadcast v9, $0x0  }
0x23a: {  	v10, _, _ =	vpop (xrf0)  }
0x23b: {  	v11 =	vld [tilespmem:s21+$0xFFFFFFF0];
	v9 =	vadd.s32 v10, v9;
	(v2sf) =	vpush v10, $0xF;
	_ =	sdelay $0x4  }
0x23c: {  	[tilespmem:v9+s4+$0x0] =	vst.idx.msk vm0, v11  }
0x23d: {  	[tilespmem:v9+s17+$0x0] =	vst.idx.msk vm0, v8  }
0x23e: {  	v8 =	vld [tilespmem:s22+$0x0];
	_ =	sdelay $0x4  }
0x23f: {  	v8 =	vsub.s32 v8, v2  }
0x240: {  	vm0 =	vlt.u32 v8, $0x3200  }
0x241: {  	v9 =	vsel vm0, $0x1, v3  }
0x242: {  	s5 =	spop (v2sf);
	(xrf0) =	vadd.scan.msk.s32 $0xffff, v9  }
0x243: {  	s0 =	sadd.s32 s0, s5  }
0x244: {  	v9 =	vmov s0  }
0x245: {  	v9 =	vadd.s32 $0xFFFFFFFF, v9;
	_ =	sdelay $0x1  }
0x246: {  	v9 =	vbroadcast v9, $0x0  }
0x247: {  	v10, _, _ =	vpop (xrf0)  }
0x248: {  	v11 =	vld [tilespmem:s21+$0x0];
	v9 =	vadd.s32 v10, v9;
	(v2sf) =	vpush v10, $0xF;
	_ =	sdelay $0x4  }
0x249: {  	[tilespmem:v9+s4+$0x0] =	vst.idx.msk vm0, v11  }
0x24a: {  	[tilespmem:v9+s17+$0x0] =	vst.idx.msk vm0, v8  }
0x24b: {  	v8 =	vld [tilespmem:s22+$0x10]  }
0x24c: {  	v9 =	vld [tilespmem:s21+$0x10];
	_ =	sdelay $0x3  }
0x24d: {  	v8 =	vsub.s32 v8, v2  }
0x24e: {  	vm0 =	vlt.u32 v8, $0x3200  }
0x24f: {  	v10 =	vsel vm0, $0x1, v3  }
0x250: {  	s5 =	spop (v2sf);
	(xrf0) =	vadd.scan.msk.s32 $0xffff, v10  }
0x251: {  	s0 =	sadd.s32 s0, s5  }
0x252: {  	v10 =	vmov s0  }
0x253: {  	v10 =	vadd.s32 $0xFFFFFFFF, v10;
	_ =	sdelay $0x1  }
0x254: {  	v10 =	vbroadcast v10, $0x0  }
0x255: {  	v11, _, _ =	vpop (xrf0)  }
0x256: {  	v10 =	vadd.s32 v11, v10;
	(v2sf) =	vpush v11, $0xF;
	_ =	sdelay $0x4  }
0x257: {  	[tilespmem:v10+s4+$0x0] =	vst.idx.msk vm0, v9  }
0x258: {  	s22 =	sadd.s32 $0x40, s22;
	[tilespmem:v10+s17+$0x0] =	vst.idx.msk vm0, v8  }
0x259: {  	v8 =	vld [tilespmem:s22+$0xFFFFFFE0];
	_ =	sdelay $0x3  }
.Ltmp12:
0x25a: {  	(pc) =	sbr.rel @p0 .LBB2_13-.Ltmp12, $4  }
0x25b: {  	v8 =	vsub.s32 v8, v2  }
0x25c: {  	vm0 =	vlt.u32 v8, $0x3200  }
0x25d: {  	v9 =	vsel vm0, $0x1, v3  }
0x25e: {  	(xrf0) =	vadd.scan.msk.s32 $0xffff, v9;
	s5 =	spop (v2sf)  }
0x25f: {  	_ = 	snop  }
0x260: {  	s0 =	sadd.s32 s0, s5  }
0x261: {  	v9 =	vmov s0  }
0x262: {  	v9 =	vadd.s32 $0xFFFFFFFF, v9  }
0x263: {  	v9 =	vbroadcast v9, $0x0  }
0x264: {  	s21 =	sadd.s32 $0x40, s21;
	v10, _, _ =	vpop (xrf0)  }
0x265: {  	v11 =	vld [tilespmem:s21+$0xFFFFFFE0];
	v9 =	vadd.s32 v10, v9  }
0x266: {  	(v2sf) =	vpush v10, $0xF;
	_ =	sdelay $0x3  }
0x267: {  	[tilespmem:v9+s4+$0x0] =	vst.idx.msk vm0, v11  }
0x268: {  	[tilespmem:v9+s17+$0x0] =	vst.idx.msk vm0, v8  }
0x269: {  	v8 =	vld [tilespmem:s22+$0xFFFFFFF0];
	_ =	sdelay $0x4  }
0x26a: {  	v8 =	vsub.s32 v8, v2  }
0x26b: {  	vm13 =	vlt.u32 v8, $0x3200  }
0x26c: {  	v56 =	vsel vm13, $0x1, v3  }
0x26d: {  	(xrf0) =	vadd.scan.msk.s32 $0xffff, v56  }
0x26e: {  	s10 =	spop (v2sf)  }
0x26f: {  	s0 =	sadd.s32 s0, s10  }
0x270: {  	v57 =	vmov s0  }
0x271: {  	v9 =	vadd.s32 $0xFFFFFFFF, v57  }
0x272: {  	v9 =	vbroadcast v9, $0x0  }
0x273: {  	v58, _, _ =	vpop (xrf0)  }
0x274: {  	v11 =	vld [tilespmem:s21+$0xFFFFFFF0];
	v9 =	vadd.s32 v58, v9  }
0x275: {  	(v2sf) =	vpush v58, $0xF;
	_ =	sdelay $0x3  }
0x276: {  	[tilespmem:v9+s4+$0x0] =	vst.idx.msk vm13, v11  }
0x277: {  	[tilespmem:v9+s17+$0x0] =	vst.idx.msk vm13, v8  }
0x278: {  	v8 =	vld [tilespmem:s22+$0x0];
	_ =	sdelay $0x4  }
0x279: {  	v8 =	vsub.s32 v8, v2  }
0x27a: {  	vm14 =	vlt.u32 v8, $0x3200  }
0x27b: {  	v59 =	vsel vm14, $0x1, v3  }
0x27c: {  	(xrf0) =	vadd.scan.msk.s32 $0xffff, v59  }
0x27d: {  	s23 =	spop (v2sf)  }
0x27e: {  	s0 =	sadd.s32 s0, s23  }
0x27f: {  	v60 =	vmov s0  }
0x280: {  	v9 =	vadd.s32 $0xFFFFFFFF, v60  }
0x281: {  	v9 =	vbroadcast v9, $0x0  }
0x282: {  	v61, _, _ =	vpop (xrf0)  }
0x283: {  	v11 =	vld [tilespmem:s21+$0x0];
	v9 =	vadd.s32 v61, v9;
	_ =	sdelay $0x4  }
0x284: {  	[tilespmem:v9+s4+$0x0] =	vst.idx.msk vm14, v11  }
0x285: {  	[tilespmem:v9+s17+$0x0] =	vst.idx.msk vm14, v8  }
0x286: {  	v8 =	vld [tilespmem:s22+$0x10];
	_ =	sdelay $0x4  }
0x287: {  	v8 =	vsub.s32 v8, v2  }
0x288: {  	vm15 =	vlt.u32 v8, $0x3200  }
0x289: {  	v62 =	vsel vm15, $0x1, v3  }
0x28a: {  	(xrf0) =	vadd.scan.msk.s32 $0xffff, v62;
	_ =	sdelay $0x5  }
0x28b: {  	(v2sf) =	vpush v61, $0xF;
	v9, _, _ =	vpop (xrf0)  }
0x28c: {  	(v2sf) =	vpush v9, $0xF;
	_ =	sdelay $0xd  }
0x28d: {  	s24 =	spop (v2sf)  }
0x28e: {  	s0 =	sadd.s32 s0, s24;
	s25 =	spop (v2sf)  }
0x28f: {  	s10 =	sadd.s32 s0, s25  }
0x290: {  	v63 =	vmov s0;
	s0 =	sadd.s32 $0x3F, s10  }
0x291: {  	s26 =	sand.u32 $0x3F, s0  }
0x292: {  	v10 =	vadd.s32 $0xFFFFFFFF, v63;
	s28 =	sshra.s32 s0, $0x1F;
	p0 =	slt.s32 s0, $0x1;
	p1 =	sne.s32 s26, $0x0  }
0x293: {  	v10 =	vbroadcast v10, $0x0;
	s29 =	sshrl.u32 s28, $0x1A;
	p0 =	por !p0, !p1  }
0x294: {  	s5 =	simm.s32 $0x1;
	s0 =	sadd.s32 s29, s0;
	p0 =	por !p0, !p0  }
0x295: {  	v11 =	vld [tilespmem:s21+$0x10];
	v9 =	vadd.s32 v9, v10;
	s0 =	sshra.s32 s0, $0x6;
	s5 =	simm.s32 @!p0 $0x0  }
0x296: {  	s21 =	ssub.s32 s0, s5  }
0x297: {  	s0 =	sadd.s32 $0x1, s21  }
0x298: {  	s30 =	sand.u32 $0x1, s0  }
0x299: {  	p5 =	slt.s32 s21, $0x0;
	p6 =	seq.s32 s30, $0x1  }
0x29a: {  	[tilespmem:v9+s4+$0x0] =	vst.idx.msk vm15, v11;
	s31 =	sshrl.u32 s0, $0x1F;
	p0 =	por !p5, !p6  }
0x29b: {  	[tilespmem:v9+s17+$0x0] =	vst.idx.msk vm15, v8;
	s5 =	simm.s32 $0x1;
	s0 =	sadd.s32 s31, s0;
	p0 =	por !p0, !p0  }
0x29c: {  	[tilespmem:s10+$0x0] =	vst v0;
	s0 =	sshra.s32 s0, $0x1;
	s5 =	simm.s32 @!p0 $0x0  }
0x29d: {  	[tilespmem:s10+$0xF80] =	vst v4;
	s0 =	ssub.s32 s0, s5  }
0x29e: {  	[tilespmem:s10+$0x10] =	vst v5;
	p0 =	slt.s32 s0, $0x1  }
.Ltmp13:
0x29f: {  	[tilespmem:s10+$0xF90] =	vst v4;
	(pc) =	sbr.rel @p0 .LBB2_20-.Ltmp13, $4  }
0x2a0: {  	[tilespmem:s10+$0x20] =	vst v6  }
0x2a1: {  	[tilespmem:s10+$0xFA0] =	vst v4  }
0x2a2: {  	[tilespmem:s10+$0x30] =	vst v7  }
0x2a3: {  	[tilespmem:s10+$0xFB0] =	vst v4  }
0x2a4: {  	s0 =	sadd.s32 $0xFFFFFFFF, s0  }
0x2a5: {  	p1 =	sne.s32 s0, $0x0  }
.Ltmp14:
0x2a6: {  	_ = 	snop;
	(pc) =	sbr.rel @!p1 .LBB2_16-.Ltmp14, $4  }
0x2a7: {  	s25 =	simm.s32 $0x0  }
0x2a8: {  	s22 =	simm.s32 $0x40;
	s23 =	simm.s32 $0xFA0;
	p4 =	por $0x1, $0x1  }
0x2a9: {  	s24 =	simm.s32 $0x20;
	s28 =	simm.s32 $0x1;
	p0 =	sle.s32 @!p4 s21, $0x0  }
0x2aa: {  	p3 =	sle.s32 @!p4 s21, $0x1;
	p5 =	por p0, p4;
	p0 =	por $0x0, $0x0  }
0x2ab: {  	s5 =	simm.s32 @!p5 $0x3  }
0x2ac: {  	_ =	swait.ge @!p5 [sflag:s5], $0x2000  }
0x2ad: {  	p0 =	por p3, p4;
	[sflag:s5] =	ssyncset.done @!p5 $0x0  }
0x2ae: {  	[sflag:s5] =	ssyncadd.s32 @!p5 $0xFFFFE000;
	s5 =	simm.s32 @!p0 $0x4  }
0x2af: {  	_ =	swait.ge @!p0 [sflag:s5], $0x2000  }
0x2b0: {  	[sflag:s5] =	ssyncset.done @!p0 $0x0  }
0x2b1: {  	[sflag:s5] =	ssyncadd.s32 @!p0 $0xFFFFE000;
	p0 =	sle.s32 s21, $0x0  }
0x2b2: {  	v8 =	vld @!p0 [tilespmem:s24+$0xFFFFFFE0];
	_ =	sdelay $0x4  }
0x2b3: {  	[tilespmem:$0x1F00] =	vst @!p0 v8  }
0x2b4: {  	v8 =	vld @!p0 [tilespmem:s23+$0xFFFFFFE0];
	_ =	sdelay $0x4  }
0x2b5: {  	[tilespmem:$0x2000] =	vst @!p0 v8  }
0x2b6: {  	v8 =	vld @!p0 [tilespmem:s24+$0xFFFFFFF0];
	_ =	sdelay $0x4  }
0x2b7: {  	[tilespmem:$0x1F10] =	vst @!p0 v8  }
0x2b8: {  	v8 =	vld @!p0 [tilespmem:s23+$0xFFFFFFF0];
	_ =	sdelay $0x4  }
0x2b9: {  	[tilespmem:$0x2010] =	vst @!p0 v8  }
0x2ba: {  	v8 =	vld @!p0 [tilespmem:s24+$0x0];
	_ =	sdelay $0x4  }
0x2bb: {  	[tilespmem:$0x1F20] =	vst @!p0 v8  }
0x2bc: {  	v8 =	vld @!p0 [tilespmem:s23+$0x0];
	_ =	sdelay $0x4  }
0x2bd: {  	[tilespmem:$0x2020] =	vst @!p0 v8  }
0x2be: {  	v8 =	vld @!p0 [tilespmem:s24+$0x10];
	_ =	sdelay $0x4  }
0x2bf: {  	[tilespmem:$0x1F30] =	vst @!p0 v8  }
0x2c0: {  	v8 =	vld @!p0 [tilespmem:s23+$0x10];
	_ =	sdelay $0x3  }
0x2c1: {  	p2 =	sle.s32 s21, $0x1  }
0x2c2: {  	s5 =	simm.s32 @!p0 $0x2100;
	s10 =	simm.s32 @!p0 $0x40;
	s25 =	simm.s32 @!p0 $0x1F00;
	[tilespmem:$0x2030] =	vst @!p0 v8  }
0x2c3: {  	[tilespmem:s5], [sflag:$0x1] =	stream.indirect.gather @!p0 [hbm4b:s1+s10], $0x80, s25, s10, $0xb8;
	[tilespmem:$0x1F140] =	vst v63  }
0x2c4: {  	v8 =	vld @!p2 [tilespmem:s24+$0x20];
	_ =	sdelay $0x4  }
0x2c5: {  	[tilespmem:$0x1F80] =	vst @!p2 v8  }
0x2c6: {  	v8 =	vld @!p2 [tilespmem:s23+$0x20];
	_ =	sdelay $0x4  }
0x2c7: {  	s23 =	sor.u32 @!p2 $0x50, s22;
	[tilespmem:$0x2080] =	vst @!p2 v8  }
0x2c8: {  	v8 =	vld @!p2 [tilespmem:s23+$0x0];
	_ =	sdelay $0x4  }
0x2c9: {  	[tilespmem:$0x1F90] =	vst @!p2 v8  }
0x2ca: {  	v8 =	vld @!p2 [tilespmem:s23+$0xF80];
	_ =	sdelay $0x4  }
0x2cb: {  	s23 =	sor.u32 @!p2 $0x60, s22;
	[tilespmem:$0x2090] =	vst @!p2 v8  }
0x2cc: {  	v8 =	vld @!p2 [tilespmem:s23+$0x0];
	_ =	sdelay $0x4  }
0x2cd: {  	[tilespmem:$0x1FA0] =	vst @!p2 v8  }
0x2ce: {  	v8 =	vld @!p2 [tilespmem:s23+$0xF80];
	_ =	sdelay $0x4  }
0x2cf: {  	s22 =	sor.u32 @!p2 $0x70, s22;
	[tilespmem:$0x20A0] =	vst @!p2 v8  }
0x2d0: {  	v8 =	vld @!p2 [tilespmem:s22+$0x0];
	_ =	sdelay $0x4  }
0x2d1: {  	[tilespmem:$0x1FB0] =	vst @!p2 v8  }
0x2d2: {  	v8 =	vld @!p2 [tilespmem:s22+$0xF80];
	_ =	sdelay $0x2  }
0x2d3: {  	s26 =	sadd.s32 $0xFFFFFFFF, s0  }
0x2d4: {  	p4 =	por $0x0, $0x0;
	p1 =	sne.s32 s26, $0x0;
	s31 =	simm.s32 @!p2 $0x40  }
0x2d5: {  	s0 =	simm.s32 @!p2 $0x4100;
	s28 =	simm.s32 @!p0 $0x1;
	s22 =	simm.s32 @!p2 $0x1F80;
	[tilespmem:$0x20B0] =	vst @!p2 v8  }
0x2d6: {  	[tilespmem:s0], [sflag:$0x2] =	stream.indirect.gather @!p2 [hbm4b:s1+s31], $0x80, s22, s31, $0xb8;
	[tilespmem:$0x1F140] =	vst v63  }
0x2d7: {  	p3 =	sle.s32 @!p4 s21, $0x3;
	s29 =	simm.s32 @!p0 $0x2000;
	_ =	swait.ge @!p0 [sflag:s28], $0x2000  }
0x2d8: {  	s25 =	simm.s32 $0x2;
	s24 =	simm.s32 $0xA0;
	[sflag:s28] =	ssyncset.done @!p0 $0x0  }
.Ltmp15:
0x2d9: {  	s23 =	simm.s32 $0x1020;
	[sflag:s28] =	ssyncadd.s32 @!p0 $0xFFFFE000;
	(pc) =	sbr.rel @!p1 .LBB2_19-.Ltmp15, $4  }
0x2da: {  	[spmem:s3] =	stream.indirect.scatter.add.f32 @!p0 [tilespmem:s5], [sflag:$0x3], $0x80, s29, s10, $0xb8;
	[tilespmem:$0x1F140] =	vst v63  }
0x2db: {  	s22 =	simm.s32 $0xC0;
	s28 =	simm.s32 $0x3;
	s5 =	simm.s32 @!p2 $0x2  }
0x2dc: {  	p0 =	sle.s32 @!p4 s21, $0x2;
	s29 =	simm.s32 @!p2 $0x2080;
	_ =	swait.ge @!p2 [sflag:s5], $0x2000  }
0x2dd: {  	p5 =	por p0, p4;
	p0 =	por $0x1, $0x1;
	[sflag:s5] =	ssyncset.done @!p2 $0x0  }
.LBB2_18:
0x2de: {  	s26 =	sadd.s32 $0xFFFFFFFF, s26;
	s10 =	simm.s32 @!p5 $0x3;
	[sflag:s5] =	ssyncadd.s32 @!p2 $0xFFFFE000  }
0x2df: {  	[spmem:s3] =	stream.indirect.scatter.add.f32 @!p2 [tilespmem:s0], [sflag:$0x4], $0x80, s29, s31, $0xb8;
	[tilespmem:$0x1F140] =	vst v63  }
0x2e0: {  	p1 =	sne.s32 s26, $0x0;
	_ =	swait.ge @!p5 [sflag:s10], $0x2000  }
0x2e1: {  	p2 =	por p3, p4;
	[sflag:s10] =	ssyncset.done @!p5 $0x0  }
0x2e2: {  	s0 =	simm.s32 @!p2 $0x4;
	[sflag:s10] =	ssyncadd.s32 @!p5 $0xFFFFE000  }
0x2e3: {  	_ =	swait.ge @!p2 [sflag:s0], $0x2000  }
0x2e4: {  	[sflag:s0] =	ssyncset.done @!p2 $0x0  }
0x2e5: {  	p3 =	sge.s32 s25, s21;
	[sflag:s0] =	ssyncadd.s32 @!p2 $0xFFFFE000  }
0x2e6: {  	v8 =	vld @!p3 [tilespmem:s24+$0xFFFFFFE0];
	_ =	sdelay $0x4  }
0x2e7: {  	[tilespmem:$0x1F00] =	vst @!p3 v8  }
0x2e8: {  	v8 =	vld @!p3 [tilespmem:s23+$0xFFFFFFE0];
	_ =	sdelay $0x4  }
0x2e9: {  	[tilespmem:$0x2000] =	vst @!p3 v8  }
0x2ea: {  	v8 =	vld @!p3 [tilespmem:s24+$0xFFFFFFF0];
	_ =	sdelay $0x4  }
0x2eb: {  	[tilespmem:$0x1F10] =	vst @!p3 v8  }
0x2ec: {  	v8 =	vld @!p3 [tilespmem:s23+$0xFFFFFFF0];
	_ =	sdelay $0x4  }
0x2ed: {  	[tilespmem:$0x2010] =	vst @!p3 v8  }
0x2ee: {  	v8 =	vld @!p3 [tilespmem:s24+$0x0];
	_ =	sdelay $0x4  }
0x2ef: {  	[tilespmem:$0x1F20] =	vst @!p3 v8  }
0x2f0: {  	v8 =	vld @!p3 [tilespmem:s23+$0x0];
	_ =	sdelay $0x4  }
0x2f1: {  	[tilespmem:$0x2020] =	vst @!p3 v8  }
0x2f2: {  	v8 =	vld @!p3 [tilespmem:s24+$0x10];
	_ =	sdelay $0x4  }
0x2f3: {  	[tilespmem:$0x1F30] =	vst @!p3 v8  }
0x2f4: {  	v8 =	vld @!p3 [tilespmem:s23+$0x10];
	_ =	sdelay $0x3  }
0x2f5: {  	s29 =	simm.s32 @!p3 $0x2100  }
0x2f6: {  	s30 =	simm.s32 @!p3 $0x40;
	s0 =	simm.s32 @!p3 $0x1F00;
	p2 =	sge.s32 s28, s21;
	[tilespmem:$0x2030] =	vst @!p3 v8  }
0x2f7: {  	[tilespmem:s29], [sflag:$0x1] =	stream.indirect.gather @!p3 [hbm4b:s1+s30], $0x80, s0, s30, $0xb8;
	[tilespmem:$0x1F140] =	vst v63  }
0x2f8: {  	v8 =	vld @!p2 [tilespmem:s24+$0x20];
	_ =	sdelay $0x4  }
0x2f9: {  	[tilespmem:$0x1F80] =	vst @!p2 v8  }
0x2fa: {  	v8 =	vld @!p2 [tilespmem:s23+$0x20];
	_ =	sdelay $0x4  }
0x2fb: {  	s0 =	sor.u32 @!p2 $0x50, s22;
	[tilespmem:$0x2080] =	vst @!p2 v8  }
0x2fc: {  	v8 =	vld @!p2 [tilespmem:s0+$0x0];
	_ =	sdelay $0x4  }
0x2fd: {  	[tilespmem:$0x1F90] =	vst @!p2 v8  }
0x2fe: {  	v8 =	vld @!p2 [tilespmem:s0+$0xF80];
	_ =	sdelay $0x4  }
0x2ff: {  	s0 =	sor.u32 @!p2 $0x60, s22;
	[tilespmem:$0x2090] =	vst @!p2 v8  }
0x300: {  	v8 =	vld @!p2 [tilespmem:s0+$0x0];
	_ =	sdelay $0x4  }
0x301: {  	[tilespmem:$0x1FA0] =	vst @!p2 v8  }
0x302: {  	v8 =	vld @!p2 [tilespmem:s0+$0xF80];
	_ =	sdelay $0x4  }
0x303: {  	s0 =	sor.u32 @!p2 $0x70, s22;
	[tilespmem:$0x20A0] =	vst @!p2 v8  }
0x304: {  	v8 =	vld @!p2 [tilespmem:s0+$0x0];
	_ =	sdelay $0x4  }
0x305: {  	[tilespmem:$0x1FB0] =	vst @!p2 v8  }
0x306: {  	v8 =	vld @!p2 [tilespmem:s0+$0xF80];
	_ =	sdelay $0x2  }
0x307: {  	s24 =	sadd.s32 $0x80, s24  }
0x308: {  	s10 =	simm.s32 @!p3 $0x1;
	s23 =	sadd.s32 $0x80, s23;
	s22 =	sadd.s32 $0x80, s22  }
0x309: {  	s31 =	simm.s32 @!p2 $0x40;
	s5 =	simm.s32 @!p2 $0x1F80;
	s0 =	simm.s32 @!p2 $0x4100;
	[tilespmem:$0x20B0] =	vst @!p2 v8  }
0x30a: {  	[tilespmem:s0], [sflag:$0x2] =	stream.indirect.gather @!p2 [hbm4b:s1+s31], $0x80, s5, s31, $0xb8;
	[tilespmem:$0x1F140] =	vst v63  }
0x30b: {  	s25 =	sadd.s32 $0x2, s25;
	s11 =	simm.s32 @!p3 $0x2000;
	_ =	swait.ge @!p3 [sflag:s10], $0x2000  }
.Ltmp16:
0x30c: {  	s5 =	simm.s32 @!p2 $0x2;
	[sflag:s10] =	ssyncset.done @!p3 $0x0;
	(pc) =	sbr.rel @p1 .LBB2_18-.Ltmp16, $4  }
0x30d: {  	p4 =	seq.s32 s25, $0x0;
	s28 =	sadd.s32 $0x1, s25;
	[sflag:s10] =	ssyncadd.s32 @!p3 $0xFFFFE000  }
0x30e: {  	[spmem:s3] =	stream.indirect.scatter.add.f32 @!p3 [tilespmem:s29], [sflag:$0x3], $0x80, s11, s30, $0xb8;
	[tilespmem:$0x1F140] =	vst v63  }
0x30f: {  	p5 =	sge.s32 @!p4 s25, s21;
	p3 =	sge.s32 @!p4 s28, s21;
	_ =	swait.ge @!p2 [sflag:s5], $0x2000  }
0x310: {  	p5 =	por p5, p4;
	s29 =	simm.s32 @!p2 $0x2080;
	[sflag:s5] =	ssyncset.done @!p2 $0x0  }
.Ltmp17:
0x311: {  	_ = 	snop;
	(pc) =	sbr.rel .LBB2_19-.Ltmp17, $1  }
0x312: {  	_ =	sdelay $0x3  }
.LBB2_22:
0x313: {  	_ =	sfence.sel $0x180000  }
0x314: {  	[bflag:$0x0] =	sbarrier.arrive $0xFFFF  }
0x315: {  	_ =	strace $0x90000047  }
0x316: {  	s0 =	stileid.u32;
	[bflag:$0x2] =	sbarrier.arrive $0xFFFF  }
0x317: {  	p0 =	sne.s32 s0, $0x0;
	s0 =	rddreg [dreg:$0x4]  }
0x318: {  	s0 =	sadd.s32 @!p0 $0x100000, s0  }
0x319: {  	[sflag:s0] =	ssyncadd.tile.s32 @!p0 $0x1;
	_ =	shalt  }
.Lfunc_end2:
_tile_overlayer_lowered:
.L_overlay_start_2:
0x31a: {  	(tag) =	ssettag $0x2  }
0x31b: {  	s0 =	rddreg [dreg:$0x0];
	s2 =	stileid.u32  }
0x31c: {  	s1 =	rddreg [dreg:$0x1];
	p0 =	sne.s32 s2, $0x0  }
0x31d: {  	s3 =	rddreg [dreg:$0x2];
	[bflag:$0x3] =	sbarrier.arrive $0xFFFF;
	s2 =	simm.s32 @!p0 $0x1C05  }
0x31e: {  	[timem:s3], [sflag:s2] =	dma.local @!p0 [hbm:s0], s1  }
0x31f: {  	s0 =	simm.s32 @!p0 $0x5  }
0x320: {  	_ =	swait.ge @!p0 [sflag:s0], s1  }
0x321: {  	s1 =	ssub.s32 @!p0 $0x0, s1;
	[sflag:s0] =	ssyncset.done @!p0 $0x0  }
0x322: {  	[sflag:s0] =	ssyncadd.s32 @!p0 s1  }
0x323: {  	[bflag:$0x3] =	sbarrier.arrive $0xFFFF  }
0x324: {  	_ =	shalt  }

</sc_bundles>
